<compile_context>
chip_gen: v7x
topology: tpu7x:2x2x1
jax: 0.10.2.dev20260603
libtpu: 0.0.44.dev20260713+nightly
codegen_flags: <defaults>
</compile_context>

<pallas_src>
import functools

import jax
import jax.numpy as jnp
from jax import lax
from jax.experimental import pallas as pl
from jax.experimental.pallas import tpu as pltpu
from jax.experimental.pallas import tpu_sc as plsc

_NUM_EXPERTS = 16
_TOP_K = 2
_LANES = 128
_NEG = -1e30

_NC = 2
_NS = 16
_NW = _NC * _NS
_VL = 16

_TILE = 2048


def _logits_body(tok_per, x_ref, w_ref, b_ref, lt_ref):
    lt = jax.lax.dot_general(
        w_ref[...], x_ref[...], (((1,), (1,)), ((), ())),
        preferred_element_type=jnp.float32) + b_ref[:, 0:1]
    slabs = lt_ref.shape[0]
    for s in range(slabs):
        lt_ref[s] = lt[:, s * tok_per:(s + 1) * tok_per]


def _logits_tc(xf, Wp, bcol, tok_per):
    T, D = xf.shape
    num_tiles = T // _TILE
    slabs = _TILE // tok_per
    return pl.pallas_call(
        functools.partial(_logits_body, tok_per),
        grid=(num_tiles,),
        in_specs=[
            pl.BlockSpec((_TILE, D), lambda i: (i, 0)),
            pl.BlockSpec((_NUM_EXPERTS, D), lambda i: (0, 0)),
            pl.BlockSpec((_NUM_EXPERTS, 8), lambda i: (0, 0)),
        ],
        out_specs=pl.BlockSpec((slabs, _NUM_EXPERTS, tok_per),
                               lambda i: (i, 0, 0)),
        out_shape=jax.ShapeDtypeStruct((T // tok_per, _NUM_EXPERTS, tok_per),
                                       jnp.float32),
    )(xf, Wp, bcol)


def _route_body(tok_per, lt_hbm, i1_hbm, i2_hbm, w1_hbm, w2_hbm, cnt_hbm,
                lt_v, i1_v, i2_v, w1_v, w2_v, cnt_v, semA, semB, sem):
    wid = lax.axis_index("s") * _NC + lax.axis_index("c")
    base = wid * tok_per
    half = tok_per // 2
    colA = pl.ds(0, half)
    colB = pl.ds(half, half)
    cpA = pltpu.async_copy(lt_hbm.at[wid, :, colA], lt_v.at[:, colA], semA)
    cpB = pltpu.async_copy(lt_hbm.at[wid, :, colB], lt_v.at[:, colB], semB)

    for e in range(_NUM_EXPERTS):
        cnt_v[e] = jnp.zeros((_VL,), jnp.float32)

    def chunk(j, carry):
        m1 = jnp.full((_VL,), _NEG, jnp.float32)
        m2 = jnp.full((_VL,), _NEG, jnp.float32)
        i1 = jnp.zeros((_VL,), jnp.int32)
        i2 = jnp.zeros((_VL,), jnp.int32)
        for e in range(_NUM_EXPERTS):
            v = lt_v[e, pl.ds(j * _VL, _VL)]
            ev = jnp.full((_VL,), e, jnp.int32)
            gt1 = v > m1
            gt2 = v > m2
            m2n = jnp.where(gt1, m1, jnp.where(gt2, v, m2))
            i2n = jnp.where(gt1, i1, jnp.where(gt2, ev, i2))
            m1 = jnp.where(gt1, v, m1)
            i1 = jnp.where(gt1, ev, i1)
            m2, i2 = m2n, i2n
        w1 = 1.0 / (1.0 + jnp.exp(m2 - m1))
        sl = pl.ds(j * _VL, _VL)
        i1_v[sl] = i1
        i2_v[sl] = i2
        w1_v[sl] = w1
        w2_v[sl] = 1.0 - w1
        for e in range(_NUM_EXPERTS):
            ev = jnp.full((_VL,), e, jnp.int32)
            hits = (jnp.where(i1 == ev, 1.0, 0.0) +
                    jnp.where(i2 == ev, 1.0, 0.0))
            cnt_v[e] = cnt_v[e] + hits
        return carry

    cpA.wait()
    lax.fori_loop(0, half // _VL, chunk, 0)
    cpB.wait()
    lax.fori_loop(half // _VL, tok_per // _VL, chunk, 0)

    row = pl.ds(base, tok_per)
    cps = [
        pltpu.async_copy(i1_v, i1_hbm.at[row], sem),
        pltpu.async_copy(i2_v, i2_hbm.at[row], sem),
        pltpu.async_copy(w1_v, w1_hbm.at[row], sem),
        pltpu.async_copy(w2_v, w2_hbm.at[row], sem),
        pltpu.async_copy(cnt_v, cnt_hbm.at[wid], sem),
    ]
    for cp in cps:
        cp.wait()


def _route_sc(lt, T):
    tok_per = T // _NW
    mesh = plsc.VectorSubcoreMesh(core_axis_name="c", subcore_axis_name="s",
                                  num_cores=_NC, num_subcores=_NS)
    return pl.kernel(
        functools.partial(_route_body, tok_per),
        out_type=[
            jax.ShapeDtypeStruct((T,), jnp.int32),
            jax.ShapeDtypeStruct((T,), jnp.int32),
            jax.ShapeDtypeStruct((T,), jnp.float32),
            jax.ShapeDtypeStruct((T,), jnp.float32),
            jax.ShapeDtypeStruct((_NW, _NUM_EXPERTS, _VL), jnp.float32),
        ],
        mesh=mesh,
        scratch_types=[
            pltpu.VMEM((_NUM_EXPERTS, tok_per), jnp.float32),
            pltpu.VMEM((tok_per,), jnp.int32),
            pltpu.VMEM((tok_per,), jnp.int32),
            pltpu.VMEM((tok_per,), jnp.float32),
            pltpu.VMEM((tok_per,), jnp.float32),
            pltpu.VMEM((_NUM_EXPERTS, _VL), jnp.float32),
            pltpu.SemaphoreType.DMA,
            pltpu.SemaphoreType.DMA,
            pltpu.SemaphoreType.DMA,
        ],
    )(lt)


@jax.jit
def kernel(x, W, b):
    B, S, D = x.shape
    T = B * S
    xf = x.reshape(T, D)

    Wp = W.T
    bcol = jnp.zeros((_NUM_EXPERTS, 8), jnp.float32).at[:, 0].set(b)

    lt = _logits_tc(xf, Wp, bcol, T // _NW)
    i1, i2, w1, w2, cnt = _route_sc(lt, T)

    usage = jnp.sum(cnt, axis=(0, 2))
    mean = jnp.float32(_TOP_K * T / _NUM_EXPERTS)
    var = jnp.sum((usage - mean) ** 2) / (_NUM_EXPERTS - 1)
    loss = jnp.sqrt(var) / (mean + 1e-10) * 0.01

    idx = jnp.stack([i1, i2], axis=-1).reshape(B, S, _TOP_K)
    wgt = jnp.stack([w1, w2], axis=-1).reshape(B, S, _TOP_K)
    return (idx, wgt, loss)

# --- scband reference (transcript-rebuilt; emitter-appended) ---
"""Pipeline reference for scband-router-5033701671233 (READ-ONLY COPY).

The authoritative reference and input builder live on the scoring server;
editing this copy changes nothing except your own understanding.
"""

import jax, jax.numpy as jnp
import numpy as np

NUM_EXPERTS = 16
TOP_K = 2
D_MODEL = 2048


def setup_inputs(seed: int = 0) -> dict:
    key = jax.random.key(seed)
    kx, kw, kb = jax.random.split(key, 3)
    x = jax.random.normal(kx, (4, 4096, D_MODEL), dtype=jnp.float32)
    # nn.Linear(input_dim, num_experts): W stored as [out, in] in torch; use [in, out] for jnp matmul
    bound = 1.0 / np.sqrt(D_MODEL)
    W = jax.random.uniform(kw, (D_MODEL, NUM_EXPERTS), dtype=jnp.float32, minval=-bound, maxval=bound)
    b = jax.random.uniform(kb, (NUM_EXPERTS,), dtype=jnp.float32, minval=-bound, maxval=bound)
    return {"x": x, "W": W, "b": b}


def reference(x, W, b):
    # router logits: Linear(input_dim -> num_experts)
    router_logits = jnp.einsum('bsd,de->bse', x, W) + b
    routing_weights = jax.nn.softmax(router_logits, axis=-1)
    # top-k gating
    expert_weights, expert_indices = jax.lax.top_k(routing_weights, TOP_K)
    expert_weights = expert_weights / jnp.sum(expert_weights, axis=-1, keepdims=True)
    # load balancing loss (training-mode path of the torch module)
    flat_idx = expert_indices.reshape(-1)
    expert_usage = jnp.bincount(flat_idx, length=NUM_EXPERTS).astype(jnp.float32)
    # torch.std uses unbiased estimator (ddof=1)
    load_balance_loss = jnp.std(expert_usage, ddof=1) / (jnp.mean(expert_usage) + 1e-10) * 0.01
    return (expert_indices, expert_weights, load_balance_loss)

if __name__ == "__main__":
    import jax
    _d = setup_inputs()
    print(jax.jit(kernel)(*tuple(_d.values())))

</pallas_src>

<mosaic_0001>
#map = affine_map<(d0, d1) -> (0, 0, 0)>
#map1 = affine_map<(d0, d1) -> (0)>
module attributes {stable_mosaic.version = 14 : i64} {
  func.func @_route_body(%arg0: i32, %arg1: i32, %arg2: memref<32x16x512xf32, #tpu.memory_space<hbm>>, %arg3: memref<16384xi32, #tpu.memory_space<hbm>>, %arg4: memref<16384xi32, #tpu.memory_space<hbm>>, %arg5: memref<16384xf32, #tpu.memory_space<hbm>>, %arg6: memref<16384xf32, #tpu.memory_space<hbm>>, %arg7: memref<32x16x16xf32, #tpu.memory_space<hbm>>, %arg8: memref<16x512xf32, #tpu.memory_space<vmem>>, %arg9: memref<512xi32, #tpu.memory_space<vmem>>, %arg10: memref<512xi32, #tpu.memory_space<vmem>>, %arg11: memref<512xf32, #tpu.memory_space<vmem>>, %arg12: memref<512xf32, #tpu.memory_space<vmem>>, %arg13: memref<16x16xf32, #tpu.memory_space<vmem>>, %arg14: memref<!tpu.dma_semaphore, #tpu.memory_space<semaphore_mem>>, %arg15: memref<!tpu.dma_semaphore, #tpu.memory_space<semaphore_mem>>, %arg16: memref<!tpu.dma_semaphore, #tpu.memory_space<semaphore_mem>>) attributes {dimension_semantics = [#tpu.dimension_semantics<core_parallel>, #tpu.dimension_semantics<subcore_parallel>], iteration_bounds = array<i64: 2, 16>, scalar_prefetch = 0 : i64, scratch_operands = 9 : i64, tpu.core_type = #tpu.core_type<sc_vector_subcore>, window_params = [{transform_indices = #map}, {transform_indices = #map1}, {transform_indices = #map1}, {transform_indices = #map1}, {transform_indices = #map1}, {transform_indices = #map}]} {
    %mul3A = arith.constant 2 : i32
    %mul3A_0 = arith.muli %arg1, %mul3A : i32
    %add3A = arith.addi %mul3A_0, %arg0 : i32
    %mul3A_1 = arith.constant 512 : i32
    %mul3A_2 = arith.muli %add3A, %mul3A_1 : i32
    %dma_start3A = arith.constant 0 : i32
    %dma_start3A_3 = arith.constant 0 : i32
    %dma_start3A_4 = tpu.memref_slice %arg8[%dma_start3A, %dma_start3A_3] : memref<16x512xf32, #tpu.memory_space<vmem>> -> memref<16x256xf32, #tpu.memory_space<vmem>>
    %dma_start3A_5 = arith.constant 0 : i32
    %dma_start3A_6 = arith.constant 0 : i32
    %dma_start3A_7 = tpu.memref_slice %arg2[%add3A, %dma_start3A_5, %dma_start3A_6] : memref<32x16x512xf32, #tpu.memory_space<hbm>> -> memref<1x16x256xf32, #tpu.memory_space<hbm>>
    %dma_start3A_8 = tpu.memref_squeeze %dma_start3A_7 : memref<1x16x256xf32, #tpu.memory_space<hbm>> -> memref<16x256xf32, #tpu.memory_space<hbm>>
    %dma_start3A_9 = arith.constant 0 : i32
    %dma_start3A_10 = arith.constant 0 : i32
    %dma_start3A_11 = tpu.memref_slice %arg8[%dma_start3A_9, %dma_start3A_10] : memref<16x512xf32, #tpu.memory_space<vmem>> -> memref<16x256xf32, #tpu.memory_space<vmem>>
    %dma_start3A_12 = arith.constant 0 : i32
    %dma_start3A_13 = arith.constant 0 : i32
    %dma_start3A_14 = tpu.memref_slice %arg2[%add3A, %dma_start3A_12, %dma_start3A_13] : memref<32x16x512xf32, #tpu.memory_space<hbm>> -> memref<1x16x256xf32, #tpu.memory_space<hbm>>
    %dma_start3A_15 = tpu.memref_squeeze %dma_start3A_14 : memref<1x16x256xf32, #tpu.memory_space<hbm>> -> memref<16x256xf32, #tpu.memory_space<hbm>>
    tpu.enqueue_dma source(%dma_start3A_15 : memref<16x256xf32, #tpu.memory_space<hbm>>) target(%dma_start3A_11 : memref<16x256xf32, #tpu.memory_space<vmem>>) target_semaphore(%arg14 : memref<!tpu.dma_semaphore, #tpu.memory_space<semaphore_mem>>)
    %dma_start3A_16 = arith.constant 0 : i32
    %dma_start3A_17 = arith.constant 256 : i32
    %dma_start3A_18 = tpu.memref_slice %arg8[%dma_start3A_16, %dma_start3A_17] : memref<16x512xf32, #tpu.memory_space<vmem>> -> memref<16x256xf32, #tpu.memory_space<vmem>>
    %dma_start3A_19 = arith.constant 0 : i32
    %dma_start3A_20 = arith.constant 256 : i32
    %dma_start3A_21 = tpu.memref_slice %arg2[%add3A, %dma_start3A_19, %dma_start3A_20] : memref<32x16x512xf32, #tpu.memory_space<hbm>> -> memref<1x16x256xf32, #tpu.memory_space<hbm>>
    %dma_start3A_22 = tpu.memref_squeeze %dma_start3A_21 : memref<1x16x256xf32, #tpu.memory_space<hbm>> -> memref<16x256xf32, #tpu.memory_space<hbm>>
    %dma_start3A_23 = arith.constant 0 : i32
    %dma_start3A_24 = arith.constant 256 : i32
    %dma_start3A_25 = tpu.memref_slice %arg8[%dma_start3A_23, %dma_start3A_24] : memref<16x512xf32, #tpu.memory_space<vmem>> -> memref<16x256xf32, #tpu.memory_space<vmem>>
    %dma_start3A_26 = arith.constant 0 : i32
    %dma_start3A_27 = arith.constant 256 : i32
    %dma_start3A_28 = tpu.memref_slice %arg2[%add3A, %dma_start3A_26, %dma_start3A_27] : memref<32x16x512xf32, #tpu.memory_space<hbm>> -> memref<1x16x256xf32, #tpu.memory_space<hbm>>
    %dma_start3A_29 = tpu.memref_squeeze %dma_start3A_28 : memref<1x16x256xf32, #tpu.memory_space<hbm>> -> memref<16x256xf32, #tpu.memory_space<hbm>>
    tpu.enqueue_dma source(%dma_start3A_29 : memref<16x256xf32, #tpu.memory_space<hbm>>) target(%dma_start3A_25 : memref<16x256xf32, #tpu.memory_space<vmem>>) target_semaphore(%arg15 : memref<!tpu.dma_semaphore, #tpu.memory_space<semaphore_mem>>)
    %broadcast_in_dim3A = arith.constant 0.000000e+00 : f32
    %broadcast_in_dim3A_30 = vector.broadcast %broadcast_in_dim3A : f32 to vector<16xf32>
    %swap3A = arith.constant 0 : i32
    %swap3A_31 = arith.index_cast %swap3A : i32 to index
    %swap3A_32 = arith.constant 0 : index
    %swap3A_33 = tpu.vector_load %arg13[%swap3A_31, %swap3A_32] {strides = array<i32>} : memref<16x16xf32, #tpu.memory_space<vmem>>, vector<1x16xf32>,
    %swap3A_34 = vector.shape_cast %swap3A_33 : vector<1x16xf32> to vector<16xf32>
    %swap3A_35 = vector.shape_cast %broadcast_in_dim3A_30 : vector<16xf32> to vector<1x16xf32>
    tpu.vector_store %arg13[%swap3A_31, %swap3A_32], %swap3A_35 {strides = array<i32>} : memref<16x16xf32, #tpu.memory_space<vmem>>, vector<1x16xf32>,
    %broadcast_in_dim3A_36 = arith.constant 0.000000e+00 : f32
    %broadcast_in_dim3A_37 = vector.broadcast %broadcast_in_dim3A_36 : f32 to vector<16xf32>
    %swap3A_38 = arith.constant 1 : i32
    %swap3A_39 = arith.index_cast %swap3A_38 : i32 to index
    %swap3A_40 = arith.constant 0 : index
    %swap3A_41 = tpu.vector_load %arg13[%swap3A_39, %swap3A_40] {strides = array<i32>} : memref<16x16xf32, #tpu.memory_space<vmem>>, vector<1x16xf32>,
    %swap3A_42 = vector.shape_cast %swap3A_41 : vector<1x16xf32> to vector<16xf32>
    %swap3A_43 = vector.shape_cast %broadcast_in_dim3A_37 : vector<16xf32> to vector<1x16xf32>
    tpu.vector_store %arg13[%swap3A_39, %swap3A_40], %swap3A_43 {strides = array<i32>} : memref<16x16xf32, #tpu.memory_space<vmem>>, vector<1x16xf32>,
    %broadcast_in_dim3A_44 = arith.constant 0.000000e+00 : f32
    %broadcast_in_dim3A_45 = vector.broadcast %broadcast_in_dim3A_44 : f32 to vector<16xf32>
    %swap3A_46 = arith.constant 2 : i32
    %swap3A_47 = arith.index_cast %swap3A_46 : i32 to index
    %swap3A_48 = arith.constant 0 : index
    %swap3A_49 = tpu.vector_load %arg13[%swap3A_47, %swap3A_48] {strides = array<i32>} : memref<16x16xf32, #tpu.memory_space<vmem>>, vector<1x16xf32>,
    %swap3A_50 = vector.shape_cast %swap3A_49 : vector<1x16xf32> to vector<16xf32>
    %swap3A_51 = vector.shape_cast %broadcast_in_dim3A_45 : vector<16xf32> to vector<1x16xf32>
    tpu.vector_store %arg13[%swap3A_47, %swap3A_48], %swap3A_51 {strides = array<i32>} : memref<16x16xf32, #tpu.memory_space<vmem>>, vector<1x16xf32>,
    %broadcast_in_dim3A_52 = arith.constant 0.000000e+00 : f32
    %broadcast_in_dim3A_53 = vector.broadcast %broadcast_in_dim3A_52 : f32 to vector<16xf32>
    %swap3A_54 = arith.constant 3 : i32
    %swap3A_55 = arith.index_cast %swap3A_54 : i32 to index
    %swap3A_56 = arith.constant 0 : index
    %swap3A_57 = tpu.vector_load %arg13[%swap3A_55, %swap3A_56] {strides = array<i32>} : memref<16x16xf32, #tpu.memory_space<vmem>>, vector<1x16xf32>,
    %swap3A_58 = vector.shape_cast %swap3A_57 : vector<1x16xf32> to vector<16xf32>
    %swap3A_59 = vector.shape_cast %broadcast_in_dim3A_53 : vector<16xf32> to vector<1x16xf32>
    tpu.vector_store %arg13[%swap3A_55, %swap3A_56], %swap3A_59 {strides = array<i32>} : memref<16x16xf32, #tpu.memory_space<vmem>>, vector<1x16xf32>,
    %broadcast_in_dim3A_60 = arith.constant 0.000000e+00 : f32
    %broadcast_in_dim3A_61 = vector.broadcast %broadcast_in_dim3A_60 : f32 to vector<16xf32>
    %swap3A_62 = arith.constant 4 : i32
    %swap3A_63 = arith.index_cast %swap3A_62 : i32 to index
    %swap3A_64 = arith.constant 0 : index
    %swap3A_65 = tpu.vector_load %arg13[%swap3A_63, %swap3A_64] {strides = array<i32>} : memref<16x16xf32, #tpu.memory_space<vmem>>, vector<1x16xf32>,
    %swap3A_66 = vector.shape_cast %swap3A_65 : vector<1x16xf32> to vector<16xf32>
    %swap3A_67 = vector.shape_cast %broadcast_in_dim3A_61 : vector<16xf32> to vector<1x16xf32>
    tpu.vector_store %arg13[%swap3A_63, %swap3A_64], %swap3A_67 {strides = array<i32>} : memref<16x16xf32, #tpu.memory_space<vmem>>, vector<1x16xf32>,
    %broadcast_in_dim3A_68 = arith.constant 0.000000e+00 : f32
    %broadcast_in_dim3A_69 = vector.broadcast %broadcast_in_dim3A_68 : f32 to vector<16xf32>
    %swap3A_70 = arith.constant 5 : i32
    %swap3A_71 = arith.index_cast %swap3A_70 : i32 to index
    %swap3A_72 = arith.constant 0 : index
    %swap3A_73 = tpu.vector_load %arg13[%swap3A_71, %swap3A_72] {strides = array<i32>} : memref<16x16xf32, #tpu.memory_space<vmem>>, vector<1x16xf32>,
    %swap3A_74 = vector.shape_cast %swap3A_73 : vector<1x16xf32> to vector<16xf32>
    %swap3A_75 = vector.shape_cast %broadcast_in_dim3A_69 : vector<16xf32> to vector<1x16xf32>
    tpu.vector_store %arg13[%swap3A_71, %swap3A_72], %swap3A_75 {strides = array<i32>} : memref<16x16xf32, #tpu.memory_space<vmem>>, vector<1x16xf32>,
    %broadcast_in_dim3A_76 = arith.constant 0.000000e+00 : f32
    %broadcast_in_dim3A_77 = vector.broadcast %broadcast_in_dim3A_76 : f32 to vector<16xf32>
    %swap3A_78 = arith.constant 6 : i32
    %swap3A_79 = arith.index_cast %swap3A_78 : i32 to index
    %swap3A_80 = arith.constant 0 : index
    %swap3A_81 = tpu.vector_load %arg13[%swap3A_79, %swap3A_80] {strides = array<i32>} : memref<16x16xf32, #tpu.memory_space<vmem>>, vector<1x16xf32>,
    %swap3A_82 = vector.shape_cast %swap3A_81 : vector<1x16xf32> to vector<16xf32>
    %swap3A_83 = vector.shape_cast %broadcast_in_dim3A_77 : vector<16xf32> to vector<1x16xf32>
    tpu.vector_store %arg13[%swap3A_79, %swap3A_80], %swap3A_83 {strides = array<i32>} : memref<16x16xf32, #tpu.memory_space<vmem>>, vector<1x16xf32>,
    %broadcast_in_dim3A_84 = arith.constant 0.000000e+00 : f32
    %broadcast_in_dim3A_85 = vector.broadcast %broadcast_in_dim3A_84 : f32 to vector<16xf32>
    %swap3A_86 = arith.constant 7 : i32
    %swap3A_87 = arith.index_cast %swap3A_86 : i32 to index
    %swap3A_88 = arith.constant 0 : index
    %swap3A_89 = tpu.vector_load %arg13[%swap3A_87, %swap3A_88] {strides = array<i32>} : memref<16x16xf32, #tpu.memory_space<vmem>>, vector<1x16xf32>,
    %swap3A_90 = vector.shape_cast %swap3A_89 : vector<1x16xf32> to vector<16xf32>
    %swap3A_91 = vector.shape_cast %broadcast_in_dim3A_85 : vector<16xf32> to vector<1x16xf32>
    tpu.vector_store %arg13[%swap3A_87, %swap3A_88], %swap3A_91 {strides = array<i32>} : memref<16x16xf32, #tpu.memory_space<vmem>>, vector<1x16xf32>,
    %broadcast_in_dim3A_92 = arith.constant 0.000000e+00 : f32
    %broadcast_in_dim3A_93 = vector.broadcast %broadcast_in_dim3A_92 : f32 to vector<16xf32>
    %swap3A_94 = arith.constant 8 : i32
    %swap3A_95 = arith.index_cast %swap3A_94 : i32 to index
    %swap3A_96 = arith.constant 0 : index
    %swap3A_97 = tpu.vector_load %arg13[%swap3A_95, %swap3A_96] {strides = array<i32>} : memref<16x16xf32, #tpu.memory_space<vmem>>, vector<1x16xf32>,
    %swap3A_98 = vector.shape_cast %swap3A_97 : vector<1x16xf32> to vector<16xf32>
    %swap3A_99 = vector.shape_cast %broadcast_in_dim3A_93 : vector<16xf32> to vector<1x16xf32>
    tpu.vector_store %arg13[%swap3A_95, %swap3A_96], %swap3A_99 {strides = array<i32>} : memref<16x16xf32, #tpu.memory_space<vmem>>, vector<1x16xf32>,
    %broadcast_in_dim3A_100 = arith.constant 0.000000e+00 : f32
    %broadcast_in_dim3A_101 = vector.broadcast %broadcast_in_dim3A_100 : f32 to vector<16xf32>
    %swap3A_102 = arith.constant 9 : i32
    %swap3A_103 = arith.index_cast %swap3A_102 : i32 to index
    %swap3A_104 = arith.constant 0 : index
    %swap3A_105 = tpu.vector_load %arg13[%swap3A_103, %swap3A_104] {strides = array<i32>} : memref<16x16xf32, #tpu.memory_space<vmem>>, vector<1x16xf32>,
    %swap3A_106 = vector.shape_cast %swap3A_105 : vector<1x16xf32> to vector<16xf32>
    %swap3A_107 = vector.shape_cast %broadcast_in_dim3A_101 : vector<16xf32> to vector<1x16xf32>
    tpu.vector_store %arg13[%swap3A_103, %swap3A_104], %swap3A_107 {strides = array<i32>} : memref<16x16xf32, #tpu.memory_space<vmem>>, vector<1x16xf32>,
    %broadcast_in_dim3A_108 = arith.constant 0.000000e+00 : f32
    %broadcast_in_dim3A_109 = vector.broadcast %broadcast_in_dim3A_108 : f32 to vector<16xf32>
    %swap3A_110 = arith.constant 10 : i32
    %swap3A_111 = arith.index_cast %swap3A_110 : i32 to index
    %swap3A_112 = arith.constant 0 : index
    %swap3A_113 = tpu.vector_load %arg13[%swap3A_111, %swap3A_112] {strides = array<i32>} : memref<16x16xf32, #tpu.memory_space<vmem>>, vector<1x16xf32>,
    %swap3A_114 = vector.shape_cast %swap3A_113 : vector<1x16xf32> to vector<16xf32>
    %swap3A_115 = vector.shape_cast %broadcast_in_dim3A_109 : vector<16xf32> to vector<1x16xf32>
    tpu.vector_store %arg13[%swap3A_111, %swap3A_112], %swap3A_115 {strides = array<i32>} : memref<16x16xf32, #tpu.memory_space<vmem>>, vector<1x16xf32>,
    %broadcast_in_dim3A_116 = arith.constant 0.000000e+00 : f32
    %broadcast_in_dim3A_117 = vector.broadcast %broadcast_in_dim3A_116 : f32 to vector<16xf32>
    %swap3A_118 = arith.constant 11 : i32
    %swap3A_119 = arith.index_cast %swap3A_118 : i32 to index
    %swap3A_120 = arith.constant 0 : index
    %swap3A_121 = tpu.vector_load %arg13[%swap3A_119, %swap3A_120] {strides = array<i32>} : memref<16x16xf32, #tpu.memory_space<vmem>>, vector<1x16xf32>,
    %swap3A_122 = vector.shape_cast %swap3A_121 : vector<1x16xf32> to vector<16xf32>
    %swap3A_123 = vector.shape_cast %broadcast_in_dim3A_117 : vector<16xf32> to vector<1x16xf32>
    tpu.vector_store %arg13[%swap3A_119, %swap3A_120], %swap3A_123 {strides = array<i32>} : memref<16x16xf32, #tpu.memory_space<vmem>>, vector<1x16xf32>,
    %broadcast_in_dim3A_124 = arith.constant 0.000000e+00 : f32
    %broadcast_in_dim3A_125 = vector.broadcast %broadcast_in_dim3A_124 : f32 to vector<16xf32>
    %swap3A_126 = arith.constant 12 : i32
    %swap3A_127 = arith.index_cast %swap3A_126 : i32 to index
    %swap3A_128 = arith.constant 0 : index
    %swap3A_129 = tpu.vector_load %arg13[%swap3A_127, %swap3A_128] {strides = array<i32>} : memref<16x16xf32, #tpu.memory_space<vmem>>, vector<1x16xf32>,
    %swap3A_130 = vector.shape_cast %swap3A_129 : vector<1x16xf32> to vector<16xf32>
    %swap3A_131 = vector.shape_cast %broadcast_in_dim3A_125 : vector<16xf32> to vector<1x16xf32>
    tpu.vector_store %arg13[%swap3A_127, %swap3A_128], %swap3A_131 {strides = array<i32>} : memref<16x16xf32, #tpu.memory_space<vmem>>, vector<1x16xf32>,
    %broadcast_in_dim3A_132 = arith.constant 0.000000e+00 : f32
    %broadcast_in_dim3A_133 = vector.broadcast %broadcast_in_dim3A_132 : f32 to vector<16xf32>
    %swap3A_134 = arith.constant 13 : i32
    %swap3A_135 = arith.index_cast %swap3A_134 : i32 to index
    %swap3A_136 = arith.constant 0 : index
    %swap3A_137 = tpu.vector_load %arg13[%swap3A_135, %swap3A_136] {strides = array<i32>} : memref<16x16xf32, #tpu.memory_space<vmem>>, vector<1x16xf32>,
    %swap3A_138 = vector.shape_cast %swap3A_137 : vector<1x16xf32> to vector<16xf32>
    %swap3A_139 = vector.shape_cast %broadcast_in_dim3A_133 : vector<16xf32> to vector<1x16xf32>
    tpu.vector_store %arg13[%swap3A_135, %swap3A_136], %swap3A_139 {strides = array<i32>} : memref<16x16xf32, #tpu.memory_space<vmem>>, vector<1x16xf32>,
    %broadcast_in_dim3A_140 = arith.constant 0.000000e+00 : f32
    %broadcast_in_dim3A_141 = vector.broadcast %broadcast_in_dim3A_140 : f32 to vector<16xf32>
    %swap3A_142 = arith.constant 14 : i32
    %swap3A_143 = arith.index_cast %swap3A_142 : i32 to index
    %swap3A_144 = arith.constant 0 : index
    %swap3A_145 = tpu.vector_load %arg13[%swap3A_143, %swap3A_144] {strides = array<i32>} : memref<16x16xf32, #tpu.memory_space<vmem>>, vector<1x16xf32>,
    %swap3A_146 = vector.shape_cast %swap3A_145 : vector<1x16xf32> to vector<16xf32>
    %swap3A_147 = vector.shape_cast %broadcast_in_dim3A_141 : vector<16xf32> to vector<1x16xf32>
    tpu.vector_store %arg13[%swap3A_143, %swap3A_144], %swap3A_147 {strides = array<i32>} : memref<16x16xf32, #tpu.memory_space<vmem>>, vector<1x16xf32>,
    %broadcast_in_dim3A_148 = arith.constant 0.000000e+00 : f32
    %broadcast_in_dim3A_149 = vector.broadcast %broadcast_in_dim3A_148 : f32 to vector<16xf32>
    %swap3A_150 = arith.constant 15 : i32
    %swap3A_151 = arith.index_cast %swap3A_150 : i32 to index
    %swap3A_152 = arith.constant 0 : index
    %swap3A_153 = tpu.vector_load %arg13[%swap3A_151, %swap3A_152] {strides = array<i32>} : memref<16x16xf32, #tpu.memory_space<vmem>>, vector<1x16xf32>,
    %swap3A_154 = vector.shape_cast %swap3A_153 : vector<1x16xf32> to vector<16xf32>
    %swap3A_155 = vector.shape_cast %broadcast_in_dim3A_149 : vector<16xf32> to vector<1x16xf32>
    tpu.vector_store %arg13[%swap3A_151, %swap3A_152], %swap3A_155 {strides = array<i32>} : memref<16x16xf32, #tpu.memory_space<vmem>>, vector<1x16xf32>,
    %dma_wait3A = arith.constant 0 : i32
    %dma_wait3A_156 = arith.constant 0 : i32
    %dma_wait3A_157 = tpu.memref_slice %arg8[%dma_wait3A, %dma_wait3A_156] : memref<16x512xf32, #tpu.memory_space<vmem>> -> memref<16x256xf32, #tpu.memory_space<vmem>>
    %dma_wait3A_158 = arith.constant 0 : i32
    %dma_wait3A_159 = arith.constant 0 : i32
    %dma_wait3A_160 = tpu.memref_slice %arg2[%add3A, %dma_wait3A_158, %dma_wait3A_159] : memref<32x16x512xf32, #tpu.memory_space<hbm>> -> memref<1x16x256xf32, #tpu.memory_space<hbm>>
    %dma_wait3A_161 = tpu.memref_squeeze %dma_wait3A_160 : memref<1x16x256xf32, #tpu.memory_space<hbm>> -> memref<16x256xf32, #tpu.memory_space<hbm>>
    %dma_wait3A_162 = arith.constant 0 : i32
    %dma_wait3A_163 = arith.constant 0 : i32
    %dma_wait3A_164 = tpu.memref_slice %arg8[%dma_wait3A_162, %dma_wait3A_163] : memref<16x512xf32, #tpu.memory_space<vmem>> -> memref<16x256xf32, #tpu.memory_space<vmem>>
    %dma_wait3A_165 = arith.constant 0 : i32
    %dma_wait3A_166 = arith.constant 0 : i32
    %dma_wait3A_167 = tpu.memref_slice %arg2[%add3A, %dma_wait3A_165, %dma_wait3A_166] : memref<32x16x512xf32, #tpu.memory_space<hbm>> -> memref<1x16x256xf32, #tpu.memory_space<hbm>>
    %dma_wait3A_168 = tpu.memref_squeeze %dma_wait3A_167 : memref<1x16x256xf32, #tpu.memory_space<hbm>> -> memref<16x256xf32, #tpu.memory_space<hbm>>
    tpu.wait_dma2 semaphore(%arg14 : memref<!tpu.dma_semaphore, #tpu.memory_space<semaphore_mem>>) src(%dma_wait3A_168 : memref<16x256xf32, #tpu.memory_space<hbm>>) dst(%dma_wait3A_164 : memref<16x256xf32, #tpu.memory_space<vmem>>)
    %scan3A = arith.constant 0 : i32
    %scan3A_169 = arith.constant 0 : i32
    %scan3A_170 = arith.constant 16 : i32
    %scan3A_171 = arith.addi %scan3A_169, %scan3A_170 : i32
    %scan3A_172 = arith.constant 1 : i32
    scf.for %scan3A_226 = %scan3A_169 to %scan3A_171 step %scan3A_172  : i32 {
      %broadcast_in_dim3A_227 = arith.constant -1.000000e+30 : f32
      %broadcast_in_dim3A_228 = vector.broadcast %broadcast_in_dim3A_227 : f32 to vector<16xf32>
      %broadcast_in_dim3A_229 = arith.constant -1.000000e+30 : f32
      %broadcast_in_dim3A_230 = vector.broadcast %broadcast_in_dim3A_229 : f32 to vector<16xf32>
      %broadcast_in_dim3A_231 = arith.constant 0 : i32
      %broadcast_in_dim3A_232 = vector.broadcast %broadcast_in_dim3A_231 : i32 to vector<16xi32>
      %broadcast_in_dim3A_233 = arith.constant 0 : i32
      %broadcast_in_dim3A_234 = vector.broadcast %broadcast_in_dim3A_233 : i32 to vector<16xi32>
      %mul3A_235 = arith.constant 16 : i32
      %mul3A_236 = arith.muli %scan3A_226, %mul3A_235 : i32
      %get3A = arith.constant 0 : i32
      %get3A_237 = arith.index_cast %get3A : i32 to index
      %get3A_238 = arith.index_cast %mul3A_236 : i32 to index
      %get3A_239 = tpu.vector_load %arg8[%get3A_237, %get3A_238] {strides = array<i32>} : memref<16x512xf32, #tpu.memory_space<vmem>>, vector<1x16xf32>,
      %get3A_240 = vector.shape_cast %get3A_239 : vector<1x16xf32> to vector<16xf32>
      %broadcast_in_dim3A_241 = arith.constant 0 : i32
      %broadcast_in_dim3A_242 = vector.broadcast %broadcast_in_dim3A_241 : i32 to vector<16xi32>
      %gt3A = arith.cmpf ogt, %get3A_240, %broadcast_in_dim3A_228 : vector<16xf32>
      %gt3A_243 = arith.cmpf ogt, %get3A_240, %broadcast_in_dim3A_230 : vector<16xf32>
      %select_n3A = arith.select %gt3A_243, %get3A_240, %broadcast_in_dim3A_230 : vector<16xi1>, vector<16xf32>
      %select_n3A_244 = arith.select %gt3A, %broadcast_in_dim3A_228, %select_n3A : vector<16xi1>, vector<16xf32>
      %select_n3A_245 = arith.select %gt3A_243, %broadcast_in_dim3A_242, %broadcast_in_dim3A_234 : vector<16xi1>, vector<16xi32>
      %select_n3A_246 = arith.select %gt3A, %broadcast_in_dim3A_232, %select_n3A_245 : vector<16xi1>, vector<16xi32>
      %select_n3A_247 = arith.select %gt3A, %get3A_240, %broadcast_in_dim3A_228 : vector<16xi1>, vector<16xf32>
      %select_n3A_248 = arith.select %gt3A, %broadcast_in_dim3A_242, %broadcast_in_dim3A_232 : vector<16xi1>, vector<16xi32>
      %mul3A_249 = arith.constant 16 : i32
      %mul3A_250 = arith.muli %scan3A_226, %mul3A_249 : i32
      %get3A_251 = arith.constant 1 : i32
      %get3A_252 = arith.index_cast %get3A_251 : i32 to index
      %get3A_253 = arith.index_cast %mul3A_250 : i32 to index
      %get3A_254 = tpu.vector_load %arg8[%get3A_252, %get3A_253] {strides = array<i32>} : memref<16x512xf32, #tpu.memory_space<vmem>>, vector<1x16xf32>,
      %get3A_255 = vector.shape_cast %get3A_254 : vector<1x16xf32> to vector<16xf32>
      %broadcast_in_dim3A_256 = arith.constant 1 : i32
      %broadcast_in_dim3A_257 = vector.broadcast %broadcast_in_dim3A_256 : i32 to vector<16xi32>
      %gt3A_258 = arith.cmpf ogt, %get3A_255, %select_n3A_247 : vector<16xf32>
      %gt3A_259 = arith.cmpf ogt, %get3A_255, %select_n3A_244 : vector<16xf32>
      %select_n3A_260 = arith.select %gt3A_259, %get3A_255, %select_n3A_244 : vector<16xi1>, vector<16xf32>
      %select_n3A_261 = arith.select %gt3A_258, %select_n3A_247, %select_n3A_260 : vector<16xi1>, vector<16xf32>
      %select_n3A_262 = arith.select %gt3A_259, %broadcast_in_dim3A_257, %select_n3A_246 : vector<16xi1>, vector<16xi32>
      %select_n3A_263 = arith.select %gt3A_258, %select_n3A_248, %select_n3A_262 : vector<16xi1>, vector<16xi32>
      %select_n3A_264 = arith.select %gt3A_258, %get3A_255, %select_n3A_247 : vector<16xi1>, vector<16xf32>
      %select_n3A_265 = arith.select %gt3A_258, %broadcast_in_dim3A_257, %select_n3A_248 : vector<16xi1>, vector<16xi32>
      %mul3A_266 = arith.constant 16 : i32
      %mul3A_267 = arith.muli %scan3A_226, %mul3A_266 : i32
      %get3A_268 = arith.constant 2 : i32
      %get3A_269 = arith.index_cast %get3A_268 : i32 to index
      %get3A_270 = arith.index_cast %mul3A_267 : i32 to index
      %get3A_271 = tpu.vector_load %arg8[%get3A_269, %get3A_270] {strides = array<i32>} : memref<16x512xf32, #tpu.memory_space<vmem>>, vector<1x16xf32>,
      %get3A_272 = vector.shape_cast %get3A_271 : vector<1x16xf32> to vector<16xf32>
      %broadcast_in_dim3A_273 = arith.constant 2 : i32
      %broadcast_in_dim3A_274 = vector.broadcast %broadcast_in_dim3A_273 : i32 to vector<16xi32>
      %gt3A_275 = arith.cmpf ogt, %get3A_272, %select_n3A_264 : vector<16xf32>
      %gt3A_276 = arith.cmpf ogt, %get3A_272, %select_n3A_261 : vector<16xf32>
      %select_n3A_277 = arith.select %gt3A_276, %get3A_272, %select_n3A_261 : vector<16xi1>, vector<16xf32>
      %select_n3A_278 = arith.select %gt3A_275, %select_n3A_264, %select_n3A_277 : vector<16xi1>, vector<16xf32>
      %select_n3A_279 = arith.select %gt3A_276, %broadcast_in_dim3A_274, %select_n3A_263 : vector<16xi1>, vector<16xi32>
      %select_n3A_280 = arith.select %gt3A_275, %select_n3A_265, %select_n3A_279 : vector<16xi1>, vector<16xi32>
      %select_n3A_281 = arith.select %gt3A_275, %get3A_272, %select_n3A_264 : vector<16xi1>, vector<16xf32>
      %select_n3A_282 = arith.select %gt3A_275, %broadcast_in_dim3A_274, %select_n3A_265 : vector<16xi1>, vector<16xi32>
      %mul3A_283 = arith.constant 16 : i32
      %mul3A_284 = arith.muli %scan3A_226, %mul3A_283 : i32
      %get3A_285 = arith.constant 3 : i32
      %get3A_286 = arith.index_cast %get3A_285 : i32 to index
      %get3A_287 = arith.index_cast %mul3A_284 : i32 to index
      %get3A_288 = tpu.vector_load %arg8[%get3A_286, %get3A_287] {strides = array<i32>} : memref<16x512xf32, #tpu.memory_space<vmem>>, vector<1x16xf32>,
      %get3A_289 = vector.shape_cast %get3A_288 : vector<1x16xf32> to vector<16xf32>
      %broadcast_in_dim3A_290 = arith.constant 3 : i32
      %broadcast_in_dim3A_291 = vector.broadcast %broadcast_in_dim3A_290 : i32 to vector<16xi32>
      %gt3A_292 = arith.cmpf ogt, %get3A_289, %select_n3A_281 : vector<16xf32>
      %gt3A_293 = arith.cmpf ogt, %get3A_289, %select_n3A_278 : vector<16xf32>
      %select_n3A_294 = arith.select %gt3A_293, %get3A_289, %select_n3A_278 : vector<16xi1>, vector<16xf32>
      %select_n3A_295 = arith.select %gt3A_292, %select_n3A_281, %select_n3A_294 : vector<16xi1>, vector<16xf32>
      %select_n3A_296 = arith.select %gt3A_293, %broadcast_in_dim3A_291, %select_n3A_280 : vector<16xi1>, vector<16xi32>
      %select_n3A_297 = arith.select %gt3A_292, %select_n3A_282, %select_n3A_296 : vector<16xi1>, vector<16xi32>
      %select_n3A_298 = arith.select %gt3A_292, %get3A_289, %select_n3A_281 : vector<16xi1>, vector<16xf32>
      %select_n3A_299 = arith.select %gt3A_292, %broadcast_in_dim3A_291, %select_n3A_282 : vector<16xi1>, vector<16xi32>
      %mul3A_300 = arith.constant 16 : i32
      %mul3A_301 = arith.muli %scan3A_226, %mul3A_300 : i32
      %get3A_302 = arith.constant 4 : i32
      %get3A_303 = arith.index_cast %get3A_302 : i32 to index
      %get3A_304 = arith.index_cast %mul3A_301 : i32 to index
      %get3A_305 = tpu.vector_load %arg8[%get3A_303, %get3A_304] {strides = array<i32>} : memref<16x512xf32, #tpu.memory_space<vmem>>, vector<1x16xf32>,
      %get3A_306 = vector.shape_cast %get3A_305 : vector<1x16xf32> to vector<16xf32>
      %broadcast_in_dim3A_307 = arith.constant 4 : i32
      %broadcast_in_dim3A_308 = vector.broadcast %broadcast_in_dim3A_307 : i32 to vector<16xi32>
      %gt3A_309 = arith.cmpf ogt, %get3A_306, %select_n3A_298 : vector<16xf32>
      %gt3A_310 = arith.cmpf ogt, %get3A_306, %select_n3A_295 : vector<16xf32>
      %select_n3A_311 = arith.select %gt3A_310, %get3A_306, %select_n3A_295 : vector<16xi1>, vector<16xf32>
      %select_n3A_312 = arith.select %gt3A_309, %select_n3A_298, %select_n3A_311 : vector<16xi1>, vector<16xf32>
      %select_n3A_313 = arith.select %gt3A_310, %broadcast_in_dim3A_308, %select_n3A_297 : vector<16xi1>, vector<16xi32>
      %select_n3A_314 = arith.select %gt3A_309, %select_n3A_299, %select_n3A_313 : vector<16xi1>, vector<16xi32>
      %select_n3A_315 = arith.select %gt3A_309, %get3A_306, %select_n3A_298 : vector<16xi1>, vector<16xf32>
      %select_n3A_316 = arith.select %gt3A_309, %broadcast_in_dim3A_308, %select_n3A_299 : vector<16xi1>, vector<16xi32>
      %mul3A_317 = arith.constant 16 : i32
      %mul3A_318 = arith.muli %scan3A_226, %mul3A_317 : i32
      %get3A_319 = arith.constant 5 : i32
      %get3A_320 = arith.index_cast %get3A_319 : i32 to index
      %get3A_321 = arith.index_cast %mul3A_318 : i32 to index
      %get3A_322 = tpu.vector_load %arg8[%get3A_320, %get3A_321] {strides = array<i32>} : memref<16x512xf32, #tpu.memory_space<vmem>>, vector<1x16xf32>,
      %get3A_323 = vector.shape_cast %get3A_322 : vector<1x16xf32> to vector<16xf32>
      %broadcast_in_dim3A_324 = arith.constant 5 : i32
      %broadcast_in_dim3A_325 = vector.broadcast %broadcast_in_dim3A_324 : i32 to vector<16xi32>
      %gt3A_326 = arith.cmpf ogt, %get3A_323, %select_n3A_315 : vector<16xf32>
      %gt3A_327 = arith.cmpf ogt, %get3A_323, %select_n3A_312 : vector<16xf32>
      %select_n3A_328 = arith.select %gt3A_327, %get3A_323, %select_n3A_312 : vector<16xi1>, vector<16xf32>
      %select_n3A_329 = arith.select %gt3A_326, %select_n3A_315, %select_n3A_328 : vector<16xi1>, vector<16xf32>
      %select_n3A_330 = arith.select %gt3A_327, %broadcast_in_dim3A_325, %select_n3A_314 : vector<16xi1>, vector<16xi32>
      %select_n3A_331 = arith.select %gt3A_326, %select_n3A_316, %select_n3A_330 : vector<16xi1>, vector<16xi32>
      %select_n3A_332 = arith.select %gt3A_326, %get3A_323, %select_n3A_315 : vector<16xi1>, vector<16xf32>
      %select_n3A_333 = arith.select %gt3A_326, %broadcast_in_dim3A_325, %select_n3A_316 : vector<16xi1>, vector<16xi32>
      %mul3A_334 = arith.constant 16 : i32
      %mul3A_335 = arith.muli %scan3A_226, %mul3A_334 : i32
      %get3A_336 = arith.constant 6 : i32
      %get3A_337 = arith.index_cast %get3A_336 : i32 to index
      %get3A_338 = arith.index_cast %mul3A_335 : i32 to index
      %get3A_339 = tpu.vector_load %arg8[%get3A_337, %get3A_338] {strides = array<i32>} : memref<16x512xf32, #tpu.memory_space<vmem>>, vector<1x16xf32>,
      %get3A_340 = vector.shape_cast %get3A_339 : vector<1x16xf32> to vector<16xf32>
      %broadcast_in_dim3A_341 = arith.constant 6 : i32
      %broadcast_in_dim3A_342 = vector.broadcast %broadcast_in_dim3A_341 : i32 to vector<16xi32>
      %gt3A_343 = arith.cmpf ogt, %get3A_340, %select_n3A_332 : vector<16xf32>
      %gt3A_344 = arith.cmpf ogt, %get3A_340, %select_n3A_329 : vector<16xf32>
      %select_n3A_345 = arith.select %gt3A_344, %get3A_340, %select_n3A_329 : vector<16xi1>, vector<16xf32>
      %select_n3A_346 = arith.select %gt3A_343, %select_n3A_332, %select_n3A_345 : vector<16xi1>, vector<16xf32>
      %select_n3A_347 = arith.select %gt3A_344, %broadcast_in_dim3A_342, %select_n3A_331 : vector<16xi1>, vector<16xi32>
      %select_n3A_348 = arith.select %gt3A_343, %select_n3A_333, %select_n3A_347 : vector<16xi1>, vector<16xi32>
      %select_n3A_349 = arith.select %gt3A_343, %get3A_340, %select_n3A_332 : vector<16xi1>, vector<16xf32>
      %select_n3A_350 = arith.select %gt3A_343, %broadcast_in_dim3A_342, %select_n3A_333 : vector<16xi1>, vector<16xi32>
      %mul3A_351 = arith.constant 16 : i32
      %mul3A_352 = arith.muli %scan3A_226, %mul3A_351 : i32
      %get3A_353 = arith.constant 7 : i32
      %get3A_354 = arith.index_cast %get3A_353 : i32 to index
      %get3A_355 = arith.index_cast %mul3A_352 : i32 to index
      %get3A_356 = tpu.vector_load %arg8[%get3A_354, %get3A_355] {strides = array<i32>} : memref<16x512xf32, #tpu.memory_space<vmem>>, vector<1x16xf32>,
      %get3A_357 = vector.shape_cast %get3A_356 : vector<1x16xf32> to vector<16xf32>
      %broadcast_in_dim3A_358 = arith.constant 7 : i32
      %broadcast_in_dim3A_359 = vector.broadcast %broadcast_in_dim3A_358 : i32 to vector<16xi32>
      %gt3A_360 = arith.cmpf ogt, %get3A_357, %select_n3A_349 : vector<16xf32>
      %gt3A_361 = arith.cmpf ogt, %get3A_357, %select_n3A_346 : vector<16xf32>
      %select_n3A_362 = arith.select %gt3A_361, %get3A_357, %select_n3A_346 : vector<16xi1>, vector<16xf32>
      %select_n3A_363 = arith.select %gt3A_360, %select_n3A_349, %select_n3A_362 : vector<16xi1>, vector<16xf32>
      %select_n3A_364 = arith.select %gt3A_361, %broadcast_in_dim3A_359, %select_n3A_348 : vector<16xi1>, vector<16xi32>
      %select_n3A_365 = arith.select %gt3A_360, %select_n3A_350, %select_n3A_364 : vector<16xi1>, vector<16xi32>
      %select_n3A_366 = arith.select %gt3A_360, %get3A_357, %select_n3A_349 : vector<16xi1>, vector<16xf32>
      %select_n3A_367 = arith.select %gt3A_360, %broadcast_in_dim3A_359, %select_n3A_350 : vector<16xi1>, vector<16xi32>
      %mul3A_368 = arith.constant 16 : i32
      %mul3A_369 = arith.muli %scan3A_226, %mul3A_368 : i32
      %get3A_370 = arith.constant 8 : i32
      %get3A_371 = arith.index_cast %get3A_370 : i32 to index
      %get3A_372 = arith.index_cast %mul3A_369 : i32 to index
      %get3A_373 = tpu.vector_load %arg8[%get3A_371, %get3A_372] {strides = array<i32>} : memref<16x512xf32, #tpu.memory_space<vmem>>, vector<1x16xf32>,
      %get3A_374 = vector.shape_cast %get3A_373 : vector<1x16xf32> to vector<16xf32>
      %broadcast_in_dim3A_375 = arith.constant 8 : i32
      %broadcast_in_dim3A_376 = vector.broadcast %broadcast_in_dim3A_375 : i32 to vector<16xi32>
      %gt3A_377 = arith.cmpf ogt, %get3A_374, %select_n3A_366 : vector<16xf32>
      %gt3A_378 = arith.cmpf ogt, %get3A_374, %select_n3A_363 : vector<16xf32>
      %select_n3A_379 = arith.select %gt3A_378, %get3A_374, %select_n3A_363 : vector<16xi1>, vector<16xf32>
      %select_n3A_380 = arith.select %gt3A_377, %select_n3A_366, %select_n3A_379 : vector<16xi1>, vector<16xf32>
      %select_n3A_381 = arith.select %gt3A_378, %broadcast_in_dim3A_376, %select_n3A_365 : vector<16xi1>, vector<16xi32>
      %select_n3A_382 = arith.select %gt3A_377, %select_n3A_367, %select_n3A_381 : vector<16xi1>, vector<16xi32>
      %select_n3A_383 = arith.select %gt3A_377, %get3A_374, %select_n3A_366 : vector<16xi1>, vector<16xf32>
      %select_n3A_384 = arith.select %gt3A_377, %broadcast_in_dim3A_376, %select_n3A_367 : vector<16xi1>, vector<16xi32>
      %mul3A_385 = arith.constant 16 : i32
      %mul3A_386 = arith.muli %scan3A_226, %mul3A_385 : i32
      %get3A_387 = arith.constant 9 : i32
      %get3A_388 = arith.index_cast %get3A_387 : i32 to index
      %get3A_389 = arith.index_cast %mul3A_386 : i32 to index
      %get3A_390 = tpu.vector_load %arg8[%get3A_388, %get3A_389] {strides = array<i32>} : memref<16x512xf32, #tpu.memory_space<vmem>>, vector<1x16xf32>,
      %get3A_391 = vector.shape_cast %get3A_390 : vector<1x16xf32> to vector<16xf32>
      %broadcast_in_dim3A_392 = arith.constant 9 : i32
      %broadcast_in_dim3A_393 = vector.broadcast %broadcast_in_dim3A_392 : i32 to vector<16xi32>
      %gt3A_394 = arith.cmpf ogt, %get3A_391, %select_n3A_383 : vector<16xf32>
      %gt3A_395 = arith.cmpf ogt, %get3A_391, %select_n3A_380 : vector<16xf32>
      %select_n3A_396 = arith.select %gt3A_395, %get3A_391, %select_n3A_380 : vector<16xi1>, vector<16xf32>
      %select_n3A_397 = arith.select %gt3A_394, %select_n3A_383, %select_n3A_396 : vector<16xi1>, vector<16xf32>
      %select_n3A_398 = arith.select %gt3A_395, %broadcast_in_dim3A_393, %select_n3A_382 : vector<16xi1>, vector<16xi32>
      %select_n3A_399 = arith.select %gt3A_394, %select_n3A_384, %select_n3A_398 : vector<16xi1>, vector<16xi32>
      %select_n3A_400 = arith.select %gt3A_394, %get3A_391, %select_n3A_383 : vector<16xi1>, vector<16xf32>
      %select_n3A_401 = arith.select %gt3A_394, %broadcast_in_dim3A_393, %select_n3A_384 : vector<16xi1>, vector<16xi32>
      %mul3A_402 = arith.constant 16 : i32
      %mul3A_403 = arith.muli %scan3A_226, %mul3A_402 : i32
      %get3A_404 = arith.constant 10 : i32
      %get3A_405 = arith.index_cast %get3A_404 : i32 to index
      %get3A_406 = arith.index_cast %mul3A_403 : i32 to index
      %get3A_407 = tpu.vector_load %arg8[%get3A_405, %get3A_406] {strides = array<i32>} : memref<16x512xf32, #tpu.memory_space<vmem>>, vector<1x16xf32>,
      %get3A_408 = vector.shape_cast %get3A_407 : vector<1x16xf32> to vector<16xf32>
      %broadcast_in_dim3A_409 = arith.constant 10 : i32
      %broadcast_in_dim3A_410 = vector.broadcast %broadcast_in_dim3A_409 : i32 to vector<16xi32>
      %gt3A_411 = arith.cmpf ogt, %get3A_408, %select_n3A_400 : vector<16xf32>
      %gt3A_412 = arith.cmpf ogt, %get3A_408, %select_n3A_397 : vector<16xf32>
      %select_n3A_413 = arith.select %gt3A_412, %get3A_408, %select_n3A_397 : vector<16xi1>, vector<16xf32>
      %select_n3A_414 = arith.select %gt3A_411, %select_n3A_400, %select_n3A_413 : vector<16xi1>, vector<16xf32>
      %select_n3A_415 = arith.select %gt3A_412, %broadcast_in_dim3A_410, %select_n3A_399 : vector<16xi1>, vector<16xi32>
      %select_n3A_416 = arith.select %gt3A_411, %select_n3A_401, %select_n3A_415 : vector<16xi1>, vector<16xi32>
      %select_n3A_417 = arith.select %gt3A_411, %get3A_408, %select_n3A_400 : vector<16xi1>, vector<16xf32>
      %select_n3A_418 = arith.select %gt3A_411, %broadcast_in_dim3A_410, %select_n3A_401 : vector<16xi1>, vector<16xi32>
      %mul3A_419 = arith.constant 16 : i32
      %mul3A_420 = arith.muli %scan3A_226, %mul3A_419 : i32
      %get3A_421 = arith.constant 11 : i32
      %get3A_422 = arith.index_cast %get3A_421 : i32 to index
      %get3A_423 = arith.index_cast %mul3A_420 : i32 to index
      %get3A_424 = tpu.vector_load %arg8[%get3A_422, %get3A_423] {strides = array<i32>} : memref<16x512xf32, #tpu.memory_space<vmem>>, vector<1x16xf32>,
      %get3A_425 = vector.shape_cast %get3A_424 : vector<1x16xf32> to vector<16xf32>
      %broadcast_in_dim3A_426 = arith.constant 11 : i32
      %broadcast_in_dim3A_427 = vector.broadcast %broadcast_in_dim3A_426 : i32 to vector<16xi32>
      %gt3A_428 = arith.cmpf ogt, %get3A_425, %select_n3A_417 : vector<16xf32>
      %gt3A_429 = arith.cmpf ogt, %get3A_425, %select_n3A_414 : vector<16xf32>
      %select_n3A_430 = arith.select %gt3A_429, %get3A_425, %select_n3A_414 : vector<16xi1>, vector<16xf32>
      %select_n3A_431 = arith.select %gt3A_428, %select_n3A_417, %select_n3A_430 : vector<16xi1>, vector<16xf32>
      %select_n3A_432 = arith.select %gt3A_429, %broadcast_in_dim3A_427, %select_n3A_416 : vector<16xi1>, vector<16xi32>
      %select_n3A_433 = arith.select %gt3A_428, %select_n3A_418, %select_n3A_432 : vector<16xi1>, vector<16xi32>
      %select_n3A_434 = arith.select %gt3A_428, %get3A_425, %select_n3A_417 : vector<16xi1>, vector<16xf32>
      %select_n3A_435 = arith.select %gt3A_428, %broadcast_in_dim3A_427, %select_n3A_418 : vector<16xi1>, vector<16xi32>
      %mul3A_436 = arith.constant 16 : i32
      %mul3A_437 = arith.muli %scan3A_226, %mul3A_436 : i32
      %get3A_438 = arith.constant 12 : i32
      %get3A_439 = arith.index_cast %get3A_438 : i32 to index
      %get3A_440 = arith.index_cast %mul3A_437 : i32 to index
      %get3A_441 = tpu.vector_load %arg8[%get3A_439, %get3A_440] {strides = array<i32>} : memref<16x512xf32, #tpu.memory_space<vmem>>, vector<1x16xf32>,
      %get3A_442 = vector.shape_cast %get3A_441 : vector<1x16xf32> to vector<16xf32>
      %broadcast_in_dim3A_443 = arith.constant 12 : i32
      %broadcast_in_dim3A_444 = vector.broadcast %broadcast_in_dim3A_443 : i32 to vector<16xi32>
      %gt3A_445 = arith.cmpf ogt, %get3A_442, %select_n3A_434 : vector<16xf32>
      %gt3A_446 = arith.cmpf ogt, %get3A_442, %select_n3A_431 : vector<16xf32>
      %select_n3A_447 = arith.select %gt3A_446, %get3A_442, %select_n3A_431 : vector<16xi1>, vector<16xf32>
      %select_n3A_448 = arith.select %gt3A_445, %select_n3A_434, %select_n3A_447 : vector<16xi1>, vector<16xf32>
      %select_n3A_449 = arith.select %gt3A_446, %broadcast_in_dim3A_444, %select_n3A_433 : vector<16xi1>, vector<16xi32>
      %select_n3A_450 = arith.select %gt3A_445, %select_n3A_435, %select_n3A_449 : vector<16xi1>, vector<16xi32>
      %select_n3A_451 = arith.select %gt3A_445, %get3A_442, %select_n3A_434 : vector<16xi1>, vector<16xf32>
      %select_n3A_452 = arith.select %gt3A_445, %broadcast_in_dim3A_444, %select_n3A_435 : vector<16xi1>, vector<16xi32>
      %mul3A_453 = arith.constant 16 : i32
      %mul3A_454 = arith.muli %scan3A_226, %mul3A_453 : i32
      %get3A_455 = arith.constant 13 : i32
      %get3A_456 = arith.index_cast %get3A_455 : i32 to index
      %get3A_457 = arith.index_cast %mul3A_454 : i32 to index
      %get3A_458 = tpu.vector_load %arg8[%get3A_456, %get3A_457] {strides = array<i32>} : memref<16x512xf32, #tpu.memory_space<vmem>>, vector<1x16xf32>,
      %get3A_459 = vector.shape_cast %get3A_458 : vector<1x16xf32> to vector<16xf32>
      %broadcast_in_dim3A_460 = arith.constant 13 : i32
      %broadcast_in_dim3A_461 = vector.broadcast %broadcast_in_dim3A_460 : i32 to vector<16xi32>
      %gt3A_462 = arith.cmpf ogt, %get3A_459, %select_n3A_451 : vector<16xf32>
      %gt3A_463 = arith.cmpf ogt, %get3A_459, %select_n3A_448 : vector<16xf32>
      %select_n3A_464 = arith.select %gt3A_463, %get3A_459, %select_n3A_448 : vector<16xi1>, vector<16xf32>
      %select_n3A_465 = arith.select %gt3A_462, %select_n3A_451, %select_n3A_464 : vector<16xi1>, vector<16xf32>
      %select_n3A_466 = arith.select %gt3A_463, %broadcast_in_dim3A_461, %select_n3A_450 : vector<16xi1>, vector<16xi32>
      %select_n3A_467 = arith.select %gt3A_462, %select_n3A_452, %select_n3A_466 : vector<16xi1>, vector<16xi32>
      %select_n3A_468 = arith.select %gt3A_462, %get3A_459, %select_n3A_451 : vector<16xi1>, vector<16xf32>
      %select_n3A_469 = arith.select %gt3A_462, %broadcast_in_dim3A_461, %select_n3A_452 : vector<16xi1>, vector<16xi32>
      %mul3A_470 = arith.constant 16 : i32
      %mul3A_471 = arith.muli %scan3A_226, %mul3A_470 : i32
      %get3A_472 = arith.constant 14 : i32
      %get3A_473 = arith.index_cast %get3A_472 : i32 to index
      %get3A_474 = arith.index_cast %mul3A_471 : i32 to index
      %get3A_475 = tpu.vector_load %arg8[%get3A_473, %get3A_474] {strides = array<i32>} : memref<16x512xf32, #tpu.memory_space<vmem>>, vector<1x16xf32>,
      %get3A_476 = vector.shape_cast %get3A_475 : vector<1x16xf32> to vector<16xf32>
      %broadcast_in_dim3A_477 = arith.constant 14 : i32
      %broadcast_in_dim3A_478 = vector.broadcast %broadcast_in_dim3A_477 : i32 to vector<16xi32>
      %gt3A_479 = arith.cmpf ogt, %get3A_476, %select_n3A_468 : vector<16xf32>
      %gt3A_480 = arith.cmpf ogt, %get3A_476, %select_n3A_465 : vector<16xf32>
      %select_n3A_481 = arith.select %gt3A_480, %get3A_476, %select_n3A_465 : vector<16xi1>, vector<16xf32>
      %select_n3A_482 = arith.select %gt3A_479, %select_n3A_468, %select_n3A_481 : vector<16xi1>, vector<16xf32>
      %select_n3A_483 = arith.select %gt3A_480, %broadcast_in_dim3A_478, %select_n3A_467 : vector<16xi1>, vector<16xi32>
      %select_n3A_484 = arith.select %gt3A_479, %select_n3A_469, %select_n3A_483 : vector<16xi1>, vector<16xi32>
      %select_n3A_485 = arith.select %gt3A_479, %get3A_476, %select_n3A_468 : vector<16xi1>, vector<16xf32>
      %select_n3A_486 = arith.select %gt3A_479, %broadcast_in_dim3A_478, %select_n3A_469 : vector<16xi1>, vector<16xi32>
      %mul3A_487 = arith.constant 16 : i32
      %mul3A_488 = arith.muli %scan3A_226, %mul3A_487 : i32
      %get3A_489 = arith.constant 15 : i32
      %get3A_490 = arith.index_cast %get3A_489 : i32 to index
      %get3A_491 = arith.index_cast %mul3A_488 : i32 to index
      %get3A_492 = tpu.vector_load %arg8[%get3A_490, %get3A_491] {strides = array<i32>} : memref<16x512xf32, #tpu.memory_space<vmem>>, vector<1x16xf32>,
      %get3A_493 = vector.shape_cast %get3A_492 : vector<1x16xf32> to vector<16xf32>
      %broadcast_in_dim3A_494 = arith.constant 15 : i32
      %broadcast_in_dim3A_495 = vector.broadcast %broadcast_in_dim3A_494 : i32 to vector<16xi32>
      %gt3A_496 = arith.cmpf ogt, %get3A_493, %select_n3A_485 : vector<16xf32>
      %gt3A_497 = arith.cmpf ogt, %get3A_493, %select_n3A_482 : vector<16xf32>
      %select_n3A_498 = arith.select %gt3A_497, %get3A_493, %select_n3A_482 : vector<16xi1>, vector<16xf32>
      %select_n3A_499 = arith.select %gt3A_496, %select_n3A_485, %select_n3A_498 : vector<16xi1>, vector<16xf32>
      %select_n3A_500 = arith.select %gt3A_497, %broadcast_in_dim3A_495, %select_n3A_484 : vector<16xi1>, vector<16xi32>
      %select_n3A_501 = arith.select %gt3A_496, %select_n3A_486, %select_n3A_500 : vector<16xi1>, vector<16xi32>
      %select_n3A_502 = arith.select %gt3A_496, %get3A_493, %select_n3A_485 : vector<16xi1>, vector<16xf32>
      %select_n3A_503 = arith.select %gt3A_496, %broadcast_in_dim3A_495, %select_n3A_486 : vector<16xi1>, vector<16xi32>
      %sub3A = arith.subf %select_n3A_499, %select_n3A_502 : vector<16xf32>
      %exp3A = math.exp %sub3A : vector<16xf32>
      %add3A_504 = arith.constant 1.000000e+00 : f32
      %add3A_505 = vector.broadcast %add3A_504 : f32 to vector<16xf32>
      %add3A_506 = arith.addf %add3A_505, %exp3A : vector<16xf32>
      %div3A = arith.constant 1.000000e+00 : f32
      %div3A_507 = vector.broadcast %div3A : f32 to vector<16xf32>
      %div3A_508 = arith.divf %div3A_507, %add3A_506 : vector<16xf32>
      %mul3A_509 = arith.constant 16 : i32
      %mul3A_510 = arith.muli %scan3A_226, %mul3A_509 : i32
      %swap3A_511 = arith.index_cast %mul3A_510 : i32 to index
      %swap3A_512 = tpu.vector_load %arg9[%swap3A_511] {strides = array<i32>} : memref<512xi32, #tpu.memory_space<vmem>>, vector<16xi32>,
      %swap3A_513 = vector.shape_cast %swap3A_512 : vector<16xi32> to vector<16xi32>
      %swap3A_514 = vector.shape_cast %select_n3A_503 : vector<16xi32> to vector<16xi32>
      tpu.vector_store %arg9[%swap3A_511], %swap3A_514 {strides = array<i32>} : memref<512xi32, #tpu.memory_space<vmem>>, vector<16xi32>,
      %swap3A_515 = arith.index_cast %mul3A_510 : i32 to index
      %swap3A_516 = tpu.vector_load %arg10[%swap3A_515] {strides = array<i32>} : memref<512xi32, #tpu.memory_space<vmem>>, vector<16xi32>,
      %swap3A_517 = vector.shape_cast %swap3A_516 : vector<16xi32> to vector<16xi32>
      %swap3A_518 = vector.shape_cast %select_n3A_501 : vector<16xi32> to vector<16xi32>
      tpu.vector_store %arg10[%swap3A_515], %swap3A_518 {strides = array<i32>} : memref<512xi32, #tpu.memory_space<vmem>>, vector<16xi32>,
      %swap3A_519 = arith.index_cast %mul3A_510 : i32 to index
      %swap3A_520 = tpu.vector_load %arg11[%swap3A_519] {strides = array<i32>} : memref<512xf32, #tpu.memory_space<vmem>>, vector<16xf32>,
      %swap3A_521 = vector.shape_cast %swap3A_520 : vector<16xf32> to vector<16xf32>
      %swap3A_522 = vector.shape_cast %div3A_508 : vector<16xf32> to vector<16xf32>
      tpu.vector_store %arg11[%swap3A_519], %swap3A_522 {strides = array<i32>} : memref<512xf32, #tpu.memory_space<vmem>>, vector<16xf32>,
      %sub3A_523 = arith.constant 1.000000e+00 : f32
      %sub3A_524 = vector.broadcast %sub3A_523 : f32 to vector<16xf32>
      %sub3A_525 = arith.subf %sub3A_524, %div3A_508 : vector<16xf32>
      %swap3A_526 = arith.index_cast %mul3A_510 : i32 to index
      %swap3A_527 = tpu.vector_load %arg12[%swap3A_526] {strides = array<i32>} : memref<512xf32, #tpu.memory_space<vmem>>, vector<16xf32>,
      %swap3A_528 = vector.shape_cast %swap3A_527 : vector<16xf32> to vector<16xf32>
      %swap3A_529 = vector.shape_cast %sub3A_525 : vector<16xf32> to vector<16xf32>
      tpu.vector_store %arg12[%swap3A_526], %swap3A_529 {strides = array<i32>} : memref<512xf32, #tpu.memory_space<vmem>>, vector<16xf32>,
      %broadcast_in_dim3A_530 = arith.constant 0 : i32
      %broadcast_in_dim3A_531 = vector.broadcast %broadcast_in_dim3A_530 : i32 to vector<16xi32>
      %eq3A = arith.cmpi eq, %select_n3A_503, %broadcast_in_dim3A_531 : vector<16xi32>
      %jit3A = arith.constant 1.000000e+00 : f32
      %jit3A_532 = arith.constant 0.000000e+00 : f32
      %broadcast_in_dim3A_533 = vector.broadcast %jit3A : f32 to vector<16xf32>
      %broadcast_in_dim3A_534 = vector.broadcast %jit3A_532 : f32 to vector<16xf32>
      %select_n3A_535 = arith.select %eq3A, %broadcast_in_dim3A_533, %broadcast_in_dim3A_534 : vector<16xi1>, vector<16xf32>
      %eq3A_536 = arith.cmpi eq, %select_n3A_501, %broadcast_in_dim3A_531 : vector<16xi32>
      %jit3A_537 = arith.constant 1.000000e+00 : f32
      %jit3A_538 = arith.constant 0.000000e+00 : f32
      %broadcast_in_dim3A_539 = vector.broadcast %jit3A_537 : f32 to vector<16xf32>
      %broadcast_in_dim3A_540 = vector.broadcast %jit3A_538 : f32 to vector<16xf32>
      %select_n3A_541 = arith.select %eq3A_536, %broadcast_in_dim3A_539, %broadcast_in_dim3A_540 : vector<16xi1>, vector<16xf32>
      %add3A_542 = arith.addf %select_n3A_535, %select_n3A_541 : vector<16xf32>
      %get3A_543 = arith.constant 0 : i32
      %get3A_544 = arith.index_cast %get3A_543 : i32 to index
      %get3A_545 = arith.constant 0 : index
      %get3A_546 = tpu.vector_load %arg13[%get3A_544, %get3A_545] {strides = array<i32>} : memref<16x16xf32, #tpu.memory_space<vmem>>, vector<1x16xf32>,
      %get3A_547 = vector.shape_cast %get3A_546 : vector<1x16xf32> to vector<16xf32>
      %add3A_548 = arith.addf %get3A_547, %add3A_542 : vector<16xf32>
      %swap3A_549 = arith.constant 0 : i32
      %swap3A_550 = arith.index_cast %swap3A_549 : i32 to index
      %swap3A_551 = arith.constant 0 : index
      %swap3A_552 = tpu.vector_load %arg13[%swap3A_550, %swap3A_551] {strides = array<i32>} : memref<16x16xf32, #tpu.memory_space<vmem>>, vector<1x16xf32>,
      %swap3A_553 = vector.shape_cast %swap3A_552 : vector<1x16xf32> to vector<16xf32>
      %swap3A_554 = vector.shape_cast %add3A_548 : vector<16xf32> to vector<1x16xf32>
      tpu.vector_store %arg13[%swap3A_550, %swap3A_551], %swap3A_554 {strides = array<i32>} : memref<16x16xf32, #tpu.memory_space<vmem>>, vector<1x16xf32>,
      %broadcast_in_dim3A_555 = arith.constant 1 : i32
      %broadcast_in_dim3A_556 = vector.broadcast %broadcast_in_dim3A_555 : i32 to vector<16xi32>
      %eq3A_557 = arith.cmpi eq, %select_n3A_503, %broadcast_in_dim3A_556 : vector<16xi32>
      %jit3A_558 = arith.constant 1.000000e+00 : f32
      %jit3A_559 = arith.constant 0.000000e+00 : f32
      %broadcast_in_dim3A_560 = vector.broadcast %jit3A_558 : f32 to vector<16xf32>
      %broadcast_in_dim3A_561 = vector.broadcast %jit3A_559 : f32 to vector<16xf32>
      %select_n3A_562 = arith.select %eq3A_557, %broadcast_in_dim3A_560, %broadcast_in_dim3A_561 : vector<16xi1>, vector<16xf32>
      %eq3A_563 = arith.cmpi eq, %select_n3A_501, %broadcast_in_dim3A_556 : vector<16xi32>
      %jit3A_564 = arith.constant 1.000000e+00 : f32
      %jit3A_565 = arith.constant 0.000000e+00 : f32
      %broadcast_in_dim3A_566 = vector.broadcast %jit3A_564 : f32 to vector<16xf32>
      %broadcast_in_dim3A_567 = vector.broadcast %jit3A_565 : f32 to vector<16xf32>
      %select_n3A_568 = arith.select %eq3A_563, %broadcast_in_dim3A_566, %broadcast_in_dim3A_567 : vector<16xi1>, vector<16xf32>
      %add3A_569 = arith.addf %select_n3A_562, %select_n3A_568 : vector<16xf32>
      %get3A_570 = arith.constant 1 : i32
      %get3A_571 = arith.index_cast %get3A_570 : i32 to index
      %get3A_572 = arith.constant 0 : index
      %get3A_573 = tpu.vector_load %arg13[%get3A_571, %get3A_572] {strides = array<i32>} : memref<16x16xf32, #tpu.memory_space<vmem>>, vector<1x16xf32>,
      %get3A_574 = vector.shape_cast %get3A_573 : vector<1x16xf32> to vector<16xf32>
      %add3A_575 = arith.addf %get3A_574, %add3A_569 : vector<16xf32>
      %swap3A_576 = arith.constant 1 : i32
      %swap3A_577 = arith.index_cast %swap3A_576 : i32 to index
      %swap3A_578 = arith.constant 0 : index
      %swap3A_579 = tpu.vector_load %arg13[%swap3A_577, %swap3A_578] {strides = array<i32>} : memref<16x16xf32, #tpu.memory_space<vmem>>, vector<1x16xf32>,
      %swap3A_580 = vector.shape_cast %swap3A_579 : vector<1x16xf32> to vector<16xf32>
      %swap3A_581 = vector.shape_cast %add3A_575 : vector<16xf32> to vector<1x16xf32>
      tpu.vector_store %arg13[%swap3A_577, %swap3A_578], %swap3A_581 {strides = array<i32>} : memref<16x16xf32, #tpu.memory_space<vmem>>, vector<1x16xf32>,
      %broadcast_in_dim3A_582 = arith.constant 2 : i32
      %broadcast_in_dim3A_583 = vector.broadcast %broadcast_in_dim3A_582 : i32 to vector<16xi32>
      %eq3A_584 = arith.cmpi eq, %select_n3A_503, %broadcast_in_dim3A_583 : vector<16xi32>
      %jit3A_585 = arith.constant 1.000000e+00 : f32
      %jit3A_586 = arith.constant 0.000000e+00 : f32
      %broadcast_in_dim3A_587 = vector.broadcast %jit3A_585 : f32 to vector<16xf32>
      %broadcast_in_dim3A_588 = vector.broadcast %jit3A_586 : f32 to vector<16xf32>
      %select_n3A_589 = arith.select %eq3A_584, %broadcast_in_dim3A_587, %broadcast_in_dim3A_588 : vector<16xi1>, vector<16xf32>
      %eq3A_590 = arith.cmpi eq, %select_n3A_501, %broadcast_in_dim3A_583 : vector<16xi32>
      %jit3A_591 = arith.constant 1.000000e+00 : f32
      %jit3A_592 = arith.constant 0.000000e+00 : f32
      %broadcast_in_dim3A_593 = vector.broadcast %jit3A_591 : f32 to vector<16xf32>
      %broadcast_in_dim3A_594 = vector.broadcast %jit3A_592 : f32 to vector<16xf32>
      %select_n3A_595 = arith.select %eq3A_590, %broadcast_in_dim3A_593, %broadcast_in_dim3A_594 : vector<16xi1>, vector<16xf32>
      %add3A_596 = arith.addf %select_n3A_589, %select_n3A_595 : vector<16xf32>
      %get3A_597 = arith.constant 2 : i32
      %get3A_598 = arith.index_cast %get3A_597 : i32 to index
      %get3A_599 = arith.constant 0 : index
      %get3A_600 = tpu.vector_load %arg13[%get3A_598, %get3A_599] {strides = array<i32>} : memref<16x16xf32, #tpu.memory_space<vmem>>, vector<1x16xf32>,
      %get3A_601 = vector.shape_cast %get3A_600 : vector<1x16xf32> to vector<16xf32>
      %add3A_602 = arith.addf %get3A_601, %add3A_596 : vector<16xf32>
      %swap3A_603 = arith.constant 2 : i32
      %swap3A_604 = arith.index_cast %swap3A_603 : i32 to index
      %swap3A_605 = arith.constant 0 : index
      %swap3A_606 = tpu.vector_load %arg13[%swap3A_604, %swap3A_605] {strides = array<i32>} : memref<16x16xf32, #tpu.memory_space<vmem>>, vector<1x16xf32>,
      %swap3A_607 = vector.shape_cast %swap3A_606 : vector<1x16xf32> to vector<16xf32>
      %swap3A_608 = vector.shape_cast %add3A_602 : vector<16xf32> to vector<1x16xf32>
      tpu.vector_store %arg13[%swap3A_604, %swap3A_605], %swap3A_608 {strides = array<i32>} : memref<16x16xf32, #tpu.memory_space<vmem>>, vector<1x16xf32>,
      %broadcast_in_dim3A_609 = arith.constant 3 : i32
      %broadcast_in_dim3A_610 = vector.broadcast %broadcast_in_dim3A_609 : i32 to vector<16xi32>
      %eq3A_611 = arith.cmpi eq, %select_n3A_503, %broadcast_in_dim3A_610 : vector<16xi32>
      %jit3A_612 = arith.constant 1.000000e+00 : f32
      %jit3A_613 = arith.constant 0.000000e+00 : f32
      %broadcast_in_dim3A_614 = vector.broadcast %jit3A_612 : f32 to vector<16xf32>
      %broadcast_in_dim3A_615 = vector.broadcast %jit3A_613 : f32 to vector<16xf32>
      %select_n3A_616 = arith.select %eq3A_611, %broadcast_in_dim3A_614, %broadcast_in_dim3A_615 : vector<16xi1>, vector<16xf32>
      %eq3A_617 = arith.cmpi eq, %select_n3A_501, %broadcast_in_dim3A_610 : vector<16xi32>
      %jit3A_618 = arith.constant 1.000000e+00 : f32
      %jit3A_619 = arith.constant 0.000000e+00 : f32
      %broadcast_in_dim3A_620 = vector.broadcast %jit3A_618 : f32 to vector<16xf32>
      %broadcast_in_dim3A_621 = vector.broadcast %jit3A_619 : f32 to vector<16xf32>
      %select_n3A_622 = arith.select %eq3A_617, %broadcast_in_dim3A_620, %broadcast_in_dim3A_621 : vector<16xi1>, vector<16xf32>
      %add3A_623 = arith.addf %select_n3A_616, %select_n3A_622 : vector<16xf32>
      %get3A_624 = arith.constant 3 : i32
      %get3A_625 = arith.index_cast %get3A_624 : i32 to index
      %get3A_626 = arith.constant 0 : index
      %get3A_627 = tpu.vector_load %arg13[%get3A_625, %get3A_626] {strides = array<i32>} : memref<16x16xf32, #tpu.memory_space<vmem>>, vector<1x16xf32>,
      %get3A_628 = vector.shape_cast %get3A_627 : vector<1x16xf32> to vector<16xf32>
      %add3A_629 = arith.addf %get3A_628, %add3A_623 : vector<16xf32>
      %swap3A_630 = arith.constant 3 : i32
      %swap3A_631 = arith.index_cast %swap3A_630 : i32 to index
      %swap3A_632 = arith.constant 0 : index
      %swap3A_633 = tpu.vector_load %arg13[%swap3A_631, %swap3A_632] {strides = array<i32>} : memref<16x16xf32, #tpu.memory_space<vmem>>, vector<1x16xf32>,
      %swap3A_634 = vector.shape_cast %swap3A_633 : vector<1x16xf32> to vector<16xf32>
      %swap3A_635 = vector.shape_cast %add3A_629 : vector<16xf32> to vector<1x16xf32>
      tpu.vector_store %arg13[%swap3A_631, %swap3A_632], %swap3A_635 {strides = array<i32>} : memref<16x16xf32, #tpu.memory_space<vmem>>, vector<1x16xf32>,
      %broadcast_in_dim3A_636 = arith.constant 4 : i32
      %broadcast_in_dim3A_637 = vector.broadcast %broadcast_in_dim3A_636 : i32 to vector<16xi32>
      %eq3A_638 = arith.cmpi eq, %select_n3A_503, %broadcast_in_dim3A_637 : vector<16xi32>
      %jit3A_639 = arith.constant 1.000000e+00 : f32
      %jit3A_640 = arith.constant 0.000000e+00 : f32
      %broadcast_in_dim3A_641 = vector.broadcast %jit3A_639 : f32 to vector<16xf32>
      %broadcast_in_dim3A_642 = vector.broadcast %jit3A_640 : f32 to vector<16xf32>
      %select_n3A_643 = arith.select %eq3A_638, %broadcast_in_dim3A_641, %broadcast_in_dim3A_642 : vector<16xi1>, vector<16xf32>
      %eq3A_644 = arith.cmpi eq, %select_n3A_501, %broadcast_in_dim3A_637 : vector<16xi32>
      %jit3A_645 = arith.constant 1.000000e+00 : f32
      %jit3A_646 = arith.constant 0.000000e+00 : f32
      %broadcast_in_dim3A_647 = vector.broadcast %jit3A_645 : f32 to vector<16xf32>
      %broadcast_in_dim3A_648 = vector.broadcast %jit3A_646 : f32 to vector<16xf32>
      %select_n3A_649 = arith.select %eq3A_644, %broadcast_in_dim3A_647, %broadcast_in_dim3A_648 : vector<16xi1>, vector<16xf32>
      %add3A_650 = arith.addf %select_n3A_643, %select_n3A_649 : vector<16xf32>
      %get3A_651 = arith.constant 4 : i32
      %get3A_652 = arith.index_cast %get3A_651 : i32 to index
      %get3A_653 = arith.constant 0 : index
      %get3A_654 = tpu.vector_load %arg13[%get3A_652, %get3A_653] {strides = array<i32>} : memref<16x16xf32, #tpu.memory_space<vmem>>, vector<1x16xf32>,
      %get3A_655 = vector.shape_cast %get3A_654 : vector<1x16xf32> to vector<16xf32>
      %add3A_656 = arith.addf %get3A_655, %add3A_650 : vector<16xf32>
      %swap3A_657 = arith.constant 4 : i32
      %swap3A_658 = arith.index_cast %swap3A_657 : i32 to index
      %swap3A_659 = arith.constant 0 : index
      %swap3A_660 = tpu.vector_load %arg13[%swap3A_658, %swap3A_659] {strides = array<i32>} : memref<16x16xf32, #tpu.memory_space<vmem>>, vector<1x16xf32>,
      %swap3A_661 = vector.shape_cast %swap3A_660 : vector<1x16xf32> to vector<16xf32>
      %swap3A_662 = vector.shape_cast %add3A_656 : vector<16xf32> to vector<1x16xf32>
      tpu.vector_store %arg13[%swap3A_658, %swap3A_659], %swap3A_662 {strides = array<i32>} : memref<16x16xf32, #tpu.memory_space<vmem>>, vector<1x16xf32>,
      %broadcast_in_dim3A_663 = arith.constant 5 : i32
      %broadcast_in_dim3A_664 = vector.broadcast %broadcast_in_dim3A_663 : i32 to vector<16xi32>
      %eq3A_665 = arith.cmpi eq, %select_n3A_503, %broadcast_in_dim3A_664 : vector<16xi32>
      %jit3A_666 = arith.constant 1.000000e+00 : f32
      %jit3A_667 = arith.constant 0.000000e+00 : f32
      %broadcast_in_dim3A_668 = vector.broadcast %jit3A_666 : f32 to vector<16xf32>
      %broadcast_in_dim3A_669 = vector.broadcast %jit3A_667 : f32 to vector<16xf32>
      %select_n3A_670 = arith.select %eq3A_665, %broadcast_in_dim3A_668, %broadcast_in_dim3A_669 : vector<16xi1>, vector<16xf32>
      %eq3A_671 = arith.cmpi eq, %select_n3A_501, %broadcast_in_dim3A_664 : vector<16xi32>
      %jit3A_672 = arith.constant 1.000000e+00 : f32
      %jit3A_673 = arith.constant 0.000000e+00 : f32
      %broadcast_in_dim3A_674 = vector.broadcast %jit3A_672 : f32 to vector<16xf32>
      %broadcast_in_dim3A_675 = vector.broadcast %jit3A_673 : f32 to vector<16xf32>
      %select_n3A_676 = arith.select %eq3A_671, %broadcast_in_dim3A_674, %broadcast_in_dim3A_675 : vector<16xi1>, vector<16xf32>
      %add3A_677 = arith.addf %select_n3A_670, %select_n3A_676 : vector<16xf32>
      %get3A_678 = arith.constant 5 : i32
      %get3A_679 = arith.index_cast %get3A_678 : i32 to index
      %get3A_680 = arith.constant 0 : index
      %get3A_681 = tpu.vector_load %arg13[%get3A_679, %get3A_680] {strides = array<i32>} : memref<16x16xf32, #tpu.memory_space<vmem>>, vector<1x16xf32>,
      %get3A_682 = vector.shape_cast %get3A_681 : vector<1x16xf32> to vector<16xf32>
      %add3A_683 = arith.addf %get3A_682, %add3A_677 : vector<16xf32>
      %swap3A_684 = arith.constant 5 : i32
      %swap3A_685 = arith.index_cast %swap3A_684 : i32 to index
      %swap3A_686 = arith.constant 0 : index
      %swap3A_687 = tpu.vector_load %arg13[%swap3A_685, %swap3A_686] {strides = array<i32>} : memref<16x16xf32, #tpu.memory_space<vmem>>, vector<1x16xf32>,
      %swap3A_688 = vector.shape_cast %swap3A_687 : vector<1x16xf32> to vector<16xf32>
      %swap3A_689 = vector.shape_cast %add3A_683 : vector<16xf32> to vector<1x16xf32>
      tpu.vector_store %arg13[%swap3A_685, %swap3A_686], %swap3A_689 {strides = array<i32>} : memref<16x16xf32, #tpu.memory_space<vmem>>, vector<1x16xf32>,
      %broadcast_in_dim3A_690 = arith.constant 6 : i32
      %broadcast_in_dim3A_691 = vector.broadcast %broadcast_in_dim3A_690 : i32 to vector<16xi32>
      %eq3A_692 = arith.cmpi eq, %select_n3A_503, %broadcast_in_dim3A_691 : vector<16xi32>
      %jit3A_693 = arith.constant 1.000000e+00 : f32
      %jit3A_694 = arith.constant 0.000000e+00 : f32
      %broadcast_in_dim3A_695 = vector.broadcast %jit3A_693 : f32 to vector<16xf32>
      %broadcast_in_dim3A_696 = vector.broadcast %jit3A_694 : f32 to vector<16xf32>
      %select_n3A_697 = arith.select %eq3A_692, %broadcast_in_dim3A_695, %broadcast_in_dim3A_696 : vector<16xi1>, vector<16xf32>
      %eq3A_698 = arith.cmpi eq, %select_n3A_501, %broadcast_in_dim3A_691 : vector<16xi32>
      %jit3A_699 = arith.constant 1.000000e+00 : f32
      %jit3A_700 = arith.constant 0.000000e+00 : f32
      %broadcast_in_dim3A_701 = vector.broadcast %jit3A_699 : f32 to vector<16xf32>
      %broadcast_in_dim3A_702 = vector.broadcast %jit3A_700 : f32 to vector<16xf32>
      %select_n3A_703 = arith.select %eq3A_698, %broadcast_in_dim3A_701, %broadcast_in_dim3A_702 : vector<16xi1>, vector<16xf32>
      %add3A_704 = arith.addf %select_n3A_697, %select_n3A_703 : vector<16xf32>
      %get3A_705 = arith.constant 6 : i32
      %get3A_706 = arith.index_cast %get3A_705 : i32 to index
      %get3A_707 = arith.constant 0 : index
      %get3A_708 = tpu.vector_load %arg13[%get3A_706, %get3A_707] {strides = array<i32>} : memref<16x16xf32, #tpu.memory_space<vmem>>, vector<1x16xf32>,
      %get3A_709 = vector.shape_cast %get3A_708 : vector<1x16xf32> to vector<16xf32>
      %add3A_710 = arith.addf %get3A_709, %add3A_704 : vector<16xf32>
      %swap3A_711 = arith.constant 6 : i32
      %swap3A_712 = arith.index_cast %swap3A_711 : i32 to index
      %swap3A_713 = arith.constant 0 : index
      %swap3A_714 = tpu.vector_load %arg13[%swap3A_712, %swap3A_713] {strides = array<i32>} : memref<16x16xf32, #tpu.memory_space<vmem>>, vector<1x16xf32>,
      %swap3A_715 = vector.shape_cast %swap3A_714 : vector<1x16xf32> to vector<16xf32>
      %swap3A_716 = vector.shape_cast %add3A_710 : vector<16xf32> to vector<1x16xf32>
      tpu.vector_store %arg13[%swap3A_712, %swap3A_713], %swap3A_716 {strides = array<i32>} : memref<16x16xf32, #tpu.memory_space<vmem>>, vector<1x16xf32>,
      %broadcast_in_dim3A_717 = arith.constant 7 : i32
      %broadcast_in_dim3A_718 = vector.broadcast %broadcast_in_dim3A_717 : i32 to vector<16xi32>
      %eq3A_719 = arith.cmpi eq, %select_n3A_503, %broadcast_in_dim3A_718 : vector<16xi32>
      %jit3A_720 = arith.constant 1.000000e+00 : f32
      %jit3A_721 = arith.constant 0.000000e+00 : f32
      %broadcast_in_dim3A_722 = vector.broadcast %jit3A_720 : f32 to vector<16xf32>
      %broadcast_in_dim3A_723 = vector.broadcast %jit3A_721 : f32 to vector<16xf32>
      %select_n3A_724 = arith.select %eq3A_719, %broadcast_in_dim3A_722, %broadcast_in_dim3A_723 : vector<16xi1>, vector<16xf32>
      %eq3A_725 = arith.cmpi eq, %select_n3A_501, %broadcast_in_dim3A_718 : vector<16xi32>
      %jit3A_726 = arith.constant 1.000000e+00 : f32
      %jit3A_727 = arith.constant 0.000000e+00 : f32
      %broadcast_in_dim3A_728 = vector.broadcast %jit3A_726 : f32 to vector<16xf32>
      %broadcast_in_dim3A_729 = vector.broadcast %jit3A_727 : f32 to vector<16xf32>
      %select_n3A_730 = arith.select %eq3A_725, %broadcast_in_dim3A_728, %broadcast_in_dim3A_729 : vector<16xi1>, vector<16xf32>
      %add3A_731 = arith.addf %select_n3A_724, %select_n3A_730 : vector<16xf32>
      %get3A_732 = arith.constant 7 : i32
      %get3A_733 = arith.index_cast %get3A_732 : i32 to index
      %get3A_734 = arith.constant 0 : index
      %get3A_735 = tpu.vector_load %arg13[%get3A_733, %get3A_734] {strides = array<i32>} : memref<16x16xf32, #tpu.memory_space<vmem>>, vector<1x16xf32>,
      %get3A_736 = vector.shape_cast %get3A_735 : vector<1x16xf32> to vector<16xf32>
      %add3A_737 = arith.addf %get3A_736, %add3A_731 : vector<16xf32>
      %swap3A_738 = arith.constant 7 : i32
      %swap3A_739 = arith.index_cast %swap3A_738 : i32 to index
      %swap3A_740 = arith.constant 0 : index
      %swap3A_741 = tpu.vector_load %arg13[%swap3A_739, %swap3A_740] {strides = array<i32>} : memref<16x16xf32, #tpu.memory_space<vmem>>, vector<1x16xf32>,
      %swap3A_742 = vector.shape_cast %swap3A_741 : vector<1x16xf32> to vector<16xf32>
      %swap3A_743 = vector.shape_cast %add3A_737 : vector<16xf32> to vector<1x16xf32>
      tpu.vector_store %arg13[%swap3A_739, %swap3A_740], %swap3A_743 {strides = array<i32>} : memref<16x16xf32, #tpu.memory_space<vmem>>, vector<1x16xf32>,
      %broadcast_in_dim3A_744 = arith.constant 8 : i32
      %broadcast_in_dim3A_745 = vector.broadcast %broadcast_in_dim3A_744 : i32 to vector<16xi32>
      %eq3A_746 = arith.cmpi eq, %select_n3A_503, %broadcast_in_dim3A_745 : vector<16xi32>
      %jit3A_747 = arith.constant 1.000000e+00 : f32
      %jit3A_748 = arith.constant 0.000000e+00 : f32
      %broadcast_in_dim3A_749 = vector.broadcast %jit3A_747 : f32 to vector<16xf32>
      %broadcast_in_dim3A_750 = vector.broadcast %jit3A_748 : f32 to vector<16xf32>
      %select_n3A_751 = arith.select %eq3A_746, %broadcast_in_dim3A_749, %broadcast_in_dim3A_750 : vector<16xi1>, vector<16xf32>
      %eq3A_752 = arith.cmpi eq, %select_n3A_501, %broadcast_in_dim3A_745 : vector<16xi32>
      %jit3A_753 = arith.constant 1.000000e+00 : f32
      %jit3A_754 = arith.constant 0.000000e+00 : f32
      %broadcast_in_dim3A_755 = vector.broadcast %jit3A_753 : f32 to vector<16xf32>
      %broadcast_in_dim3A_756 = vector.broadcast %jit3A_754 : f32 to vector<16xf32>
      %select_n3A_757 = arith.select %eq3A_752, %broadcast_in_dim3A_755, %broadcast_in_dim3A_756 : vector<16xi1>, vector<16xf32>
      %add3A_758 = arith.addf %select_n3A_751, %select_n3A_757 : vector<16xf32>
      %get3A_759 = arith.constant 8 : i32
      %get3A_760 = arith.index_cast %get3A_759 : i32 to index
      %get3A_761 = arith.constant 0 : index
      %get3A_762 = tpu.vector_load %arg13[%get3A_760, %get3A_761] {strides = array<i32>} : memref<16x16xf32, #tpu.memory_space<vmem>>, vector<1x16xf32>,
      %get3A_763 = vector.shape_cast %get3A_762 : vector<1x16xf32> to vector<16xf32>
      %add3A_764 = arith.addf %get3A_763, %add3A_758 : vector<16xf32>
      %swap3A_765 = arith.constant 8 : i32
      %swap3A_766 = arith.index_cast %swap3A_765 : i32 to index
      %swap3A_767 = arith.constant 0 : index
      %swap3A_768 = tpu.vector_load %arg13[%swap3A_766, %swap3A_767] {strides = array<i32>} : memref<16x16xf32, #tpu.memory_space<vmem>>, vector<1x16xf32>,
      %swap3A_769 = vector.shape_cast %swap3A_768 : vector<1x16xf32> to vector<16xf32>
      %swap3A_770 = vector.shape_cast %add3A_764 : vector<16xf32> to vector<1x16xf32>
      tpu.vector_store %arg13[%swap3A_766, %swap3A_767], %swap3A_770 {strides = array<i32>} : memref<16x16xf32, #tpu.memory_space<vmem>>, vector<1x16xf32>,
      %broadcast_in_dim3A_771 = arith.constant 9 : i32
      %broadcast_in_dim3A_772 = vector.broadcast %broadcast_in_dim3A_771 : i32 to vector<16xi32>
      %eq3A_773 = arith.cmpi eq, %select_n3A_503, %broadcast_in_dim3A_772 : vector<16xi32>
      %jit3A_774 = arith.constant 1.000000e+00 : f32
      %jit3A_775 = arith.constant 0.000000e+00 : f32
      %broadcast_in_dim3A_776 = vector.broadcast %jit3A_774 : f32 to vector<16xf32>
      %broadcast_in_dim3A_777 = vector.broadcast %jit3A_775 : f32 to vector<16xf32>
      %select_n3A_778 = arith.select %eq3A_773, %broadcast_in_dim3A_776, %broadcast_in_dim3A_777 : vector<16xi1>, vector<16xf32>
      %eq3A_779 = arith.cmpi eq, %select_n3A_501, %broadcast_in_dim3A_772 : vector<16xi32>
      %jit3A_780 = arith.constant 1.000000e+00 : f32
      %jit3A_781 = arith.constant 0.000000e+00 : f32
      %broadcast_in_dim3A_782 = vector.broadcast %jit3A_780 : f32 to vector<16xf32>
      %broadcast_in_dim3A_783 = vector.broadcast %jit3A_781 : f32 to vector<16xf32>
      %select_n3A_784 = arith.select %eq3A_779, %broadcast_in_dim3A_782, %broadcast_in_dim3A_783 : vector<16xi1>, vector<16xf32>
      %add3A_785 = arith.addf %select_n3A_778, %select_n3A_784 : vector<16xf32>
      %get3A_786 = arith.constant 9 : i32
      %get3A_787 = arith.index_cast %get3A_786 : i32 to index
      %get3A_788 = arith.constant 0 : index
      %get3A_789 = tpu.vector_load %arg13[%get3A_787, %get3A_788] {strides = array<i32>} : memref<16x16xf32, #tpu.memory_space<vmem>>, vector<1x16xf32>,
      %get3A_790 = vector.shape_cast %get3A_789 : vector<1x16xf32> to vector<16xf32>
      %add3A_791 = arith.addf %get3A_790, %add3A_785 : vector<16xf32>
      %swap3A_792 = arith.constant 9 : i32
      %swap3A_793 = arith.index_cast %swap3A_792 : i32 to index
      %swap3A_794 = arith.constant 0 : index
      %swap3A_795 = tpu.vector_load %arg13[%swap3A_793, %swap3A_794] {strides = array<i32>} : memref<16x16xf32, #tpu.memory_space<vmem>>, vector<1x16xf32>,
      %swap3A_796 = vector.shape_cast %swap3A_795 : vector<1x16xf32> to vector<16xf32>
      %swap3A_797 = vector.shape_cast %add3A_791 : vector<16xf32> to vector<1x16xf32>
      tpu.vector_store %arg13[%swap3A_793, %swap3A_794], %swap3A_797 {strides = array<i32>} : memref<16x16xf32, #tpu.memory_space<vmem>>, vector<1x16xf32>,
      %broadcast_in_dim3A_798 = arith.constant 10 : i32
      %broadcast_in_dim3A_799 = vector.broadcast %broadcast_in_dim3A_798 : i32 to vector<16xi32>
      %eq3A_800 = arith.cmpi eq, %select_n3A_503, %broadcast_in_dim3A_799 : vector<16xi32>
      %jit3A_801 = arith.constant 1.000000e+00 : f32
      %jit3A_802 = arith.constant 0.000000e+00 : f32
      %broadcast_in_dim3A_803 = vector.broadcast %jit3A_801 : f32 to vector<16xf32>
      %broadcast_in_dim3A_804 = vector.broadcast %jit3A_802 : f32 to vector<16xf32>
      %select_n3A_805 = arith.select %eq3A_800, %broadcast_in_dim3A_803, %broadcast_in_dim3A_804 : vector<16xi1>, vector<16xf32>
      %eq3A_806 = arith.cmpi eq, %select_n3A_501, %broadcast_in_dim3A_799 : vector<16xi32>
      %jit3A_807 = arith.constant 1.000000e+00 : f32
      %jit3A_808 = arith.constant 0.000000e+00 : f32
      %broadcast_in_dim3A_809 = vector.broadcast %jit3A_807 : f32 to vector<16xf32>
      %broadcast_in_dim3A_810 = vector.broadcast %jit3A_808 : f32 to vector<16xf32>
      %select_n3A_811 = arith.select %eq3A_806, %broadcast_in_dim3A_809, %broadcast_in_dim3A_810 : vector<16xi1>, vector<16xf32>
      %add3A_812 = arith.addf %select_n3A_805, %select_n3A_811 : vector<16xf32>
      %get3A_813 = arith.constant 10 : i32
      %get3A_814 = arith.index_cast %get3A_813 : i32 to index
      %get3A_815 = arith.constant 0 : index
      %get3A_816 = tpu.vector_load %arg13[%get3A_814, %get3A_815] {strides = array<i32>} : memref<16x16xf32, #tpu.memory_space<vmem>>, vector<1x16xf32>,
      %get3A_817 = vector.shape_cast %get3A_816 : vector<1x16xf32> to vector<16xf32>
      %add3A_818 = arith.addf %get3A_817, %add3A_812 : vector<16xf32>
      %swap3A_819 = arith.constant 10 : i32
      %swap3A_820 = arith.index_cast %swap3A_819 : i32 to index
      %swap3A_821 = arith.constant 0 : index
      %swap3A_822 = tpu.vector_load %arg13[%swap3A_820, %swap3A_821] {strides = array<i32>} : memref<16x16xf32, #tpu.memory_space<vmem>>, vector<1x16xf32>,
      %swap3A_823 = vector.shape_cast %swap3A_822 : vector<1x16xf32> to vector<16xf32>
      %swap3A_824 = vector.shape_cast %add3A_818 : vector<16xf32> to vector<1x16xf32>
      tpu.vector_store %arg13[%swap3A_820, %swap3A_821], %swap3A_824 {strides = array<i32>} : memref<16x16xf32, #tpu.memory_space<vmem>>, vector<1x16xf32>,
      %broadcast_in_dim3A_825 = arith.constant 11 : i32
      %broadcast_in_dim3A_826 = vector.broadcast %broadcast_in_dim3A_825 : i32 to vector<16xi32>
      %eq3A_827 = arith.cmpi eq, %select_n3A_503, %broadcast_in_dim3A_826 : vector<16xi32>
      %jit3A_828 = arith.constant 1.000000e+00 : f32
      %jit3A_829 = arith.constant 0.000000e+00 : f32
      %broadcast_in_dim3A_830 = vector.broadcast %jit3A_828 : f32 to vector<16xf32>
      %broadcast_in_dim3A_831 = vector.broadcast %jit3A_829 : f32 to vector<16xf32>
      %select_n3A_832 = arith.select %eq3A_827, %broadcast_in_dim3A_830, %broadcast_in_dim3A_831 : vector<16xi1>, vector<16xf32>
      %eq3A_833 = arith.cmpi eq, %select_n3A_501, %broadcast_in_dim3A_826 : vector<16xi32>
      %jit3A_834 = arith.constant 1.000000e+00 : f32
      %jit3A_835 = arith.constant 0.000000e+00 : f32
      %broadcast_in_dim3A_836 = vector.broadcast %jit3A_834 : f32 to vector<16xf32>
      %broadcast_in_dim3A_837 = vector.broadcast %jit3A_835 : f32 to vector<16xf32>
      %select_n3A_838 = arith.select %eq3A_833, %broadcast_in_dim3A_836, %broadcast_in_dim3A_837 : vector<16xi1>, vector<16xf32>
      %add3A_839 = arith.addf %select_n3A_832, %select_n3A_838 : vector<16xf32>
      %get3A_840 = arith.constant 11 : i32
      %get3A_841 = arith.index_cast %get3A_840 : i32 to index
      %get3A_842 = arith.constant 0 : index
      %get3A_843 = tpu.vector_load %arg13[%get3A_841, %get3A_842] {strides = array<i32>} : memref<16x16xf32, #tpu.memory_space<vmem>>, vector<1x16xf32>,
      %get3A_844 = vector.shape_cast %get3A_843 : vector<1x16xf32> to vector<16xf32>
      %add3A_845 = arith.addf %get3A_844, %add3A_839 : vector<16xf32>
      %swap3A_846 = arith.constant 11 : i32
      %swap3A_847 = arith.index_cast %swap3A_846 : i32 to index
      %swap3A_848 = arith.constant 0 : index
      %swap3A_849 = tpu.vector_load %arg13[%swap3A_847, %swap3A_848] {strides = array<i32>} : memref<16x16xf32, #tpu.memory_space<vmem>>, vector<1x16xf32>,
      %swap3A_850 = vector.shape_cast %swap3A_849 : vector<1x16xf32> to vector<16xf32>
      %swap3A_851 = vector.shape_cast %add3A_845 : vector<16xf32> to vector<1x16xf32>
      tpu.vector_store %arg13[%swap3A_847, %swap3A_848], %swap3A_851 {strides = array<i32>} : memref<16x16xf32, #tpu.memory_space<vmem>>, vector<1x16xf32>,
      %broadcast_in_dim3A_852 = arith.constant 12 : i32
      %broadcast_in_dim3A_853 = vector.broadcast %broadcast_in_dim3A_852 : i32 to vector<16xi32>
      %eq3A_854 = arith.cmpi eq, %select_n3A_503, %broadcast_in_dim3A_853 : vector<16xi32>
      %jit3A_855 = arith.constant 1.000000e+00 : f32
      %jit3A_856 = arith.constant 0.000000e+00 : f32
      %broadcast_in_dim3A_857 = vector.broadcast %jit3A_855 : f32 to vector<16xf32>
      %broadcast_in_dim3A_858 = vector.broadcast %jit3A_856 : f32 to vector<16xf32>
      %select_n3A_859 = arith.select %eq3A_854, %broadcast_in_dim3A_857, %broadcast_in_dim3A_858 : vector<16xi1>, vector<16xf32>
      %eq3A_860 = arith.cmpi eq, %select_n3A_501, %broadcast_in_dim3A_853 : vector<16xi32>
      %jit3A_861 = arith.constant 1.000000e+00 : f32
      %jit3A_862 = arith.constant 0.000000e+00 : f32
      %broadcast_in_dim3A_863 = vector.broadcast %jit3A_861 : f32 to vector<16xf32>
      %broadcast_in_dim3A_864 = vector.broadcast %jit3A_862 : f32 to vector<16xf32>
      %select_n3A_865 = arith.select %eq3A_860, %broadcast_in_dim3A_863, %broadcast_in_dim3A_864 : vector<16xi1>, vector<16xf32>
      %add3A_866 = arith.addf %select_n3A_859, %select_n3A_865 : vector<16xf32>
      %get3A_867 = arith.constant 12 : i32
      %get3A_868 = arith.index_cast %get3A_867 : i32 to index
      %get3A_869 = arith.constant 0 : index
      %get3A_870 = tpu.vector_load %arg13[%get3A_868, %get3A_869] {strides = array<i32>} : memref<16x16xf32, #tpu.memory_space<vmem>>, vector<1x16xf32>,
      %get3A_871 = vector.shape_cast %get3A_870 : vector<1x16xf32> to vector<16xf32>
      %add3A_872 = arith.addf %get3A_871, %add3A_866 : vector<16xf32>
      %swap3A_873 = arith.constant 12 : i32
      %swap3A_874 = arith.index_cast %swap3A_873 : i32 to index
      %swap3A_875 = arith.constant 0 : index
      %swap3A_876 = tpu.vector_load %arg13[%swap3A_874, %swap3A_875] {strides = array<i32>} : memref<16x16xf32, #tpu.memory_space<vmem>>, vector<1x16xf32>,
      %swap3A_877 = vector.shape_cast %swap3A_876 : vector<1x16xf32> to vector<16xf32>
      %swap3A_878 = vector.shape_cast %add3A_872 : vector<16xf32> to vector<1x16xf32>
      tpu.vector_store %arg13[%swap3A_874, %swap3A_875], %swap3A_878 {strides = array<i32>} : memref<16x16xf32, #tpu.memory_space<vmem>>, vector<1x16xf32>,
      %broadcast_in_dim3A_879 = arith.constant 13 : i32
      %broadcast_in_dim3A_880 = vector.broadcast %broadcast_in_dim3A_879 : i32 to vector<16xi32>
      %eq3A_881 = arith.cmpi eq, %select_n3A_503, %broadcast_in_dim3A_880 : vector<16xi32>
      %jit3A_882 = arith.constant 1.000000e+00 : f32
      %jit3A_883 = arith.constant 0.000000e+00 : f32
      %broadcast_in_dim3A_884 = vector.broadcast %jit3A_882 : f32 to vector<16xf32>
      %broadcast_in_dim3A_885 = vector.broadcast %jit3A_883 : f32 to vector<16xf32>
      %select_n3A_886 = arith.select %eq3A_881, %broadcast_in_dim3A_884, %broadcast_in_dim3A_885 : vector<16xi1>, vector<16xf32>
      %eq3A_887 = arith.cmpi eq, %select_n3A_501, %broadcast_in_dim3A_880 : vector<16xi32>
      %jit3A_888 = arith.constant 1.000000e+00 : f32
      %jit3A_889 = arith.constant 0.000000e+00 : f32
      %broadcast_in_dim3A_890 = vector.broadcast %jit3A_888 : f32 to vector<16xf32>
      %broadcast_in_dim3A_891 = vector.broadcast %jit3A_889 : f32 to vector<16xf32>
      %select_n3A_892 = arith.select %eq3A_887, %broadcast_in_dim3A_890, %broadcast_in_dim3A_891 : vector<16xi1>, vector<16xf32>
      %add3A_893 = arith.addf %select_n3A_886, %select_n3A_892 : vector<16xf32>
      %get3A_894 = arith.constant 13 : i32
      %get3A_895 = arith.index_cast %get3A_894 : i32 to index
      %get3A_896 = arith.constant 0 : index
      %get3A_897 = tpu.vector_load %arg13[%get3A_895, %get3A_896] {strides = array<i32>} : memref<16x16xf32, #tpu.memory_space<vmem>>, vector<1x16xf32>,
      %get3A_898 = vector.shape_cast %get3A_897 : vector<1x16xf32> to vector<16xf32>
      %add3A_899 = arith.addf %get3A_898, %add3A_893 : vector<16xf32>
      %swap3A_900 = arith.constant 13 : i32
      %swap3A_901 = arith.index_cast %swap3A_900 : i32 to index
      %swap3A_902 = arith.constant 0 : index
      %swap3A_903 = tpu.vector_load %arg13[%swap3A_901, %swap3A_902] {strides = array<i32>} : memref<16x16xf32, #tpu.memory_space<vmem>>, vector<1x16xf32>,
      %swap3A_904 = vector.shape_cast %swap3A_903 : vector<1x16xf32> to vector<16xf32>
      %swap3A_905 = vector.shape_cast %add3A_899 : vector<16xf32> to vector<1x16xf32>
      tpu.vector_store %arg13[%swap3A_901, %swap3A_902], %swap3A_905 {strides = array<i32>} : memref<16x16xf32, #tpu.memory_space<vmem>>, vector<1x16xf32>,
      %broadcast_in_dim3A_906 = arith.constant 14 : i32
      %broadcast_in_dim3A_907 = vector.broadcast %broadcast_in_dim3A_906 : i32 to vector<16xi32>
      %eq3A_908 = arith.cmpi eq, %select_n3A_503, %broadcast_in_dim3A_907 : vector<16xi32>
      %jit3A_909 = arith.constant 1.000000e+00 : f32
      %jit3A_910 = arith.constant 0.000000e+00 : f32
      %broadcast_in_dim3A_911 = vector.broadcast %jit3A_909 : f32 to vector<16xf32>
      %broadcast_in_dim3A_912 = vector.broadcast %jit3A_910 : f32 to vector<16xf32>
      %select_n3A_913 = arith.select %eq3A_908, %broadcast_in_dim3A_911, %broadcast_in_dim3A_912 : vector<16xi1>, vector<16xf32>
      %eq3A_914 = arith.cmpi eq, %select_n3A_501, %broadcast_in_dim3A_907 : vector<16xi32>
      %jit3A_915 = arith.constant 1.000000e+00 : f32
      %jit3A_916 = arith.constant 0.000000e+00 : f32
      %broadcast_in_dim3A_917 = vector.broadcast %jit3A_915 : f32 to vector<16xf32>
      %broadcast_in_dim3A_918 = vector.broadcast %jit3A_916 : f32 to vector<16xf32>
      %select_n3A_919 = arith.select %eq3A_914, %broadcast_in_dim3A_917, %broadcast_in_dim3A_918 : vector<16xi1>, vector<16xf32>
      %add3A_920 = arith.addf %select_n3A_913, %select_n3A_919 : vector<16xf32>
      %get3A_921 = arith.constant 14 : i32
      %get3A_922 = arith.index_cast %get3A_921 : i32 to index
      %get3A_923 = arith.constant 0 : index
      %get3A_924 = tpu.vector_load %arg13[%get3A_922, %get3A_923] {strides = array<i32>} : memref<16x16xf32, #tpu.memory_space<vmem>>, vector<1x16xf32>,
      %get3A_925 = vector.shape_cast %get3A_924 : vector<1x16xf32> to vector<16xf32>
      %add3A_926 = arith.addf %get3A_925, %add3A_920 : vector<16xf32>
      %swap3A_927 = arith.constant 14 : i32
      %swap3A_928 = arith.index_cast %swap3A_927 : i32 to index
      %swap3A_929 = arith.constant 0 : index
      %swap3A_930 = tpu.vector_load %arg13[%swap3A_928, %swap3A_929] {strides = array<i32>} : memref<16x16xf32, #tpu.memory_space<vmem>>, vector<1x16xf32>,
      %swap3A_931 = vector.shape_cast %swap3A_930 : vector<1x16xf32> to vector<16xf32>
      %swap3A_932 = vector.shape_cast %add3A_926 : vector<16xf32> to vector<1x16xf32>
      tpu.vector_store %arg13[%swap3A_928, %swap3A_929], %swap3A_932 {strides = array<i32>} : memref<16x16xf32, #tpu.memory_space<vmem>>, vector<1x16xf32>,
      %broadcast_in_dim3A_933 = arith.constant 15 : i32
      %broadcast_in_dim3A_934 = vector.broadcast %broadcast_in_dim3A_933 : i32 to vector<16xi32>
      %eq3A_935 = arith.cmpi eq, %select_n3A_503, %broadcast_in_dim3A_934 : vector<16xi32>
      %jit3A_936 = arith.constant 1.000000e+00 : f32
      %jit3A_937 = arith.constant 0.000000e+00 : f32
      %broadcast_in_dim3A_938 = vector.broadcast %jit3A_936 : f32 to vector<16xf32>
      %broadcast_in_dim3A_939 = vector.broadcast %jit3A_937 : f32 to vector<16xf32>
      %select_n3A_940 = arith.select %eq3A_935, %broadcast_in_dim3A_938, %broadcast_in_dim3A_939 : vector<16xi1>, vector<16xf32>
      %eq3A_941 = arith.cmpi eq, %select_n3A_501, %broadcast_in_dim3A_934 : vector<16xi32>
      %jit3A_942 = arith.constant 1.000000e+00 : f32
      %jit3A_943 = arith.constant 0.000000e+00 : f32
      %broadcast_in_dim3A_944 = vector.broadcast %jit3A_942 : f32 to vector<16xf32>
      %broadcast_in_dim3A_945 = vector.broadcast %jit3A_943 : f32 to vector<16xf32>
      %select_n3A_946 = arith.select %eq3A_941, %broadcast_in_dim3A_944, %broadcast_in_dim3A_945 : vector<16xi1>, vector<16xf32>
      %add3A_947 = arith.addf %select_n3A_940, %select_n3A_946 : vector<16xf32>
      %get3A_948 = arith.constant 15 : i32
      %get3A_949 = arith.index_cast %get3A_948 : i32 to index
      %get3A_950 = arith.constant 0 : index
      %get3A_951 = tpu.vector_load %arg13[%get3A_949, %get3A_950] {strides = array<i32>} : memref<16x16xf32, #tpu.memory_space<vmem>>, vector<1x16xf32>,
      %get3A_952 = vector.shape_cast %get3A_951 : vector<1x16xf32> to vector<16xf32>
      %add3A_953 = arith.addf %get3A_952, %add3A_947 : vector<16xf32>
      %swap3A_954 = arith.constant 15 : i32
      %swap3A_955 = arith.index_cast %swap3A_954 : i32 to index
      %swap3A_956 = arith.constant 0 : index
      %swap3A_957 = tpu.vector_load %arg13[%swap3A_955, %swap3A_956] {strides = array<i32>} : memref<16x16xf32, #tpu.memory_space<vmem>>, vector<1x16xf32>,
      %swap3A_958 = vector.shape_cast %swap3A_957 : vector<1x16xf32> to vector<16xf32>
      %swap3A_959 = vector.shape_cast %add3A_953 : vector<16xf32> to vector<1x16xf32>
      tpu.vector_store %arg13[%swap3A_955, %swap3A_956], %swap3A_959 {strides = array<i32>} : memref<16x16xf32, #tpu.memory_space<vmem>>, vector<1x16xf32>,
    }
    %scan3A_173 = arith.constant 16 : i32
    %dma_wait3A_174 = arith.constant 0 : i32
    %dma_wait3A_175 = arith.constant 256 : i32
    %dma_wait3A_176 = tpu.memref_slice %arg8[%dma_wait3A_174, %dma_wait3A_175] : memref<16x512xf32, #tpu.memory_space<vmem>> -> memref<16x256xf32, #tpu.memory_space<vmem>>
    %dma_wait3A_177 = arith.constant 0 : i32
    %dma_wait3A_178 = arith.constant 256 : i32
    %dma_wait3A_179 = tpu.memref_slice %arg2[%add3A, %dma_wait3A_177, %dma_wait3A_178] : memref<32x16x512xf32, #tpu.memory_space<hbm>> -> memref<1x16x256xf32, #tpu.memory_space<hbm>>
    %dma_wait3A_180 = tpu.memref_squeeze %dma_wait3A_179 : memref<1x16x256xf32, #tpu.memory_space<hbm>> -> memref<16x256xf32, #tpu.memory_space<hbm>>
    %dma_wait3A_181 = arith.constant 0 : i32
    %dma_wait3A_182 = arith.constant 256 : i32
    %dma_wait3A_183 = tpu.memref_slice %arg8[%dma_wait3A_181, %dma_wait3A_182] : memref<16x512xf32, #tpu.memory_space<vmem>> -> memref<16x256xf32, #tpu.memory_space<vmem>>
    %dma_wait3A_184 = arith.constant 0 : i32
    %dma_wait3A_185 = arith.constant 256 : i32
    %dma_wait3A_186 = tpu.memref_slice %arg2[%add3A, %dma_wait3A_184, %dma_wait3A_185] : memref<32x16x512xf32, #tpu.memory_space<hbm>> -> memref<1x16x256xf32, #tpu.memory_space<hbm>>
    %dma_wait3A_187 = tpu.memref_squeeze %dma_wait3A_186 : memref<1x16x256xf32, #tpu.memory_space<hbm>> -> memref<16x256xf32, #tpu.memory_space<hbm>>
    tpu.wait_dma2 semaphore(%arg15 : memref<!tpu.dma_semaphore, #tpu.memory_space<semaphore_mem>>) src(%dma_wait3A_187 : memref<16x256xf32, #tpu.memory_space<hbm>>) dst(%dma_wait3A_183 : memref<16x256xf32, #tpu.memory_space<vmem>>)
    %scan3A_188 = arith.constant 0 : i32
    %scan3A_189 = arith.constant 16 : i32
    %scan3A_190 = arith.constant 16 : i32
    %scan3A_191 = arith.addi %scan3A_189, %scan3A_190 : i32
    %scan3A_192 = arith.constant 1 : i32
    scf.for %scan3A_226 = %scan3A_189 to %scan3A_191 step %scan3A_192  : i32 {
      %broadcast_in_dim3A_227 = arith.constant -1.000000e+30 : f32
      %broadcast_in_dim3A_228 = vector.broadcast %broadcast_in_dim3A_227 : f32 to vector<16xf32>
      %broadcast_in_dim3A_229 = arith.constant -1.000000e+30 : f32
      %broadcast_in_dim3A_230 = vector.broadcast %broadcast_in_dim3A_229 : f32 to vector<16xf32>
      %broadcast_in_dim3A_231 = arith.constant 0 : i32
      %broadcast_in_dim3A_232 = vector.broadcast %broadcast_in_dim3A_231 : i32 to vector<16xi32>
      %broadcast_in_dim3A_233 = arith.constant 0 : i32
      %broadcast_in_dim3A_234 = vector.broadcast %broadcast_in_dim3A_233 : i32 to vector<16xi32>
      %mul3A_235 = arith.constant 16 : i32
      %mul3A_236 = arith.muli %scan3A_226, %mul3A_235 : i32
      %get3A = arith.constant 0 : i32
      %get3A_237 = arith.index_cast %get3A : i32 to index
      %get3A_238 = arith.index_cast %mul3A_236 : i32 to index
      %get3A_239 = tpu.vector_load %arg8[%get3A_237, %get3A_238] {strides = array<i32>} : memref<16x512xf32, #tpu.memory_space<vmem>>, vector<1x16xf32>,
      %get3A_240 = vector.shape_cast %get3A_239 : vector<1x16xf32> to vector<16xf32>
      %broadcast_in_dim3A_241 = arith.constant 0 : i32
      %broadcast_in_dim3A_242 = vector.broadcast %broadcast_in_dim3A_241 : i32 to vector<16xi32>
      %gt3A = arith.cmpf ogt, %get3A_240, %broadcast_in_dim3A_228 : vector<16xf32>
      %gt3A_243 = arith.cmpf ogt, %get3A_240, %broadcast_in_dim3A_230 : vector<16xf32>
      %select_n3A = arith.select %gt3A_243, %get3A_240, %broadcast_in_dim3A_230 : vector<16xi1>, vector<16xf32>
      %select_n3A_244 = arith.select %gt3A, %broadcast_in_dim3A_228, %select_n3A : vector<16xi1>, vector<16xf32>
      %select_n3A_245 = arith.select %gt3A_243, %broadcast_in_dim3A_242, %broadcast_in_dim3A_234 : vector<16xi1>, vector<16xi32>
      %select_n3A_246 = arith.select %gt3A, %broadcast_in_dim3A_232, %select_n3A_245 : vector<16xi1>, vector<16xi32>
      %select_n3A_247 = arith.select %gt3A, %get3A_240, %broadcast_in_dim3A_228 : vector<16xi1>, vector<16xf32>
      %select_n3A_248 = arith.select %gt3A, %broadcast_in_dim3A_242, %broadcast_in_dim3A_232 : vector<16xi1>, vector<16xi32>
      %mul3A_249 = arith.constant 16 : i32
      %mul3A_250 = arith.muli %scan3A_226, %mul3A_249 : i32
      %get3A_251 = arith.constant 1 : i32
      %get3A_252 = arith.index_cast %get3A_251 : i32 to index
      %get3A_253 = arith.index_cast %mul3A_250 : i32 to index
      %get3A_254 = tpu.vector_load %arg8[%get3A_252, %get3A_253] {strides = array<i32>} : memref<16x512xf32, #tpu.memory_space<vmem>>, vector<1x16xf32>,
      %get3A_255 = vector.shape_cast %get3A_254 : vector<1x16xf32> to vector<16xf32>
      %broadcast_in_dim3A_256 = arith.constant 1 : i32
      %broadcast_in_dim3A_257 = vector.broadcast %broadcast_in_dim3A_256 : i32 to vector<16xi32>
      %gt3A_258 = arith.cmpf ogt, %get3A_255, %select_n3A_247 : vector<16xf32>
      %gt3A_259 = arith.cmpf ogt, %get3A_255, %select_n3A_244 : vector<16xf32>
      %select_n3A_260 = arith.select %gt3A_259, %get3A_255, %select_n3A_244 : vector<16xi1>, vector<16xf32>
      %select_n3A_261 = arith.select %gt3A_258, %select_n3A_247, %select_n3A_260 : vector<16xi1>, vector<16xf32>
      %select_n3A_262 = arith.select %gt3A_259, %broadcast_in_dim3A_257, %select_n3A_246 : vector<16xi1>, vector<16xi32>
      %select_n3A_263 = arith.select %gt3A_258, %select_n3A_248, %select_n3A_262 : vector<16xi1>, vector<16xi32>
      %select_n3A_264 = arith.select %gt3A_258, %get3A_255, %select_n3A_247 : vector<16xi1>, vector<16xf32>
      %select_n3A_265 = arith.select %gt3A_258, %broadcast_in_dim3A_257, %select_n3A_248 : vector<16xi1>, vector<16xi32>
      %mul3A_266 = arith.constant 16 : i32
      %mul3A_267 = arith.muli %scan3A_226, %mul3A_266 : i32
      %get3A_268 = arith.constant 2 : i32
      %get3A_269 = arith.index_cast %get3A_268 : i32 to index
      %get3A_270 = arith.index_cast %mul3A_267 : i32 to index
      %get3A_271 = tpu.vector_load %arg8[%get3A_269, %get3A_270] {strides = array<i32>} : memref<16x512xf32, #tpu.memory_space<vmem>>, vector<1x16xf32>,
      %get3A_272 = vector.shape_cast %get3A_271 : vector<1x16xf32> to vector<16xf32>
      %broadcast_in_dim3A_273 = arith.constant 2 : i32
      %broadcast_in_dim3A_274 = vector.broadcast %broadcast_in_dim3A_273 : i32 to vector<16xi32>
      %gt3A_275 = arith.cmpf ogt, %get3A_272, %select_n3A_264 : vector<16xf32>
      %gt3A_276 = arith.cmpf ogt, %get3A_272, %select_n3A_261 : vector<16xf32>
      %select_n3A_277 = arith.select %gt3A_276, %get3A_272, %select_n3A_261 : vector<16xi1>, vector<16xf32>
      %select_n3A_278 = arith.select %gt3A_275, %select_n3A_264, %select_n3A_277 : vector<16xi1>, vector<16xf32>
      %select_n3A_279 = arith.select %gt3A_276, %broadcast_in_dim3A_274, %select_n3A_263 : vector<16xi1>, vector<16xi32>
      %select_n3A_280 = arith.select %gt3A_275, %select_n3A_265, %select_n3A_279 : vector<16xi1>, vector<16xi32>
      %select_n3A_281 = arith.select %gt3A_275, %get3A_272, %select_n3A_264 : vector<16xi1>, vector<16xf32>
      %select_n3A_282 = arith.select %gt3A_275, %broadcast_in_dim3A_274, %select_n3A_265 : vector<16xi1>, vector<16xi32>
      %mul3A_283 = arith.constant 16 : i32
      %mul3A_284 = arith.muli %scan3A_226, %mul3A_283 : i32
      %get3A_285 = arith.constant 3 : i32
      %get3A_286 = arith.index_cast %get3A_285 : i32 to index
      %get3A_287 = arith.index_cast %mul3A_284 : i32 to index
      %get3A_288 = tpu.vector_load %arg8[%get3A_286, %get3A_287] {strides = array<i32>} : memref<16x512xf32, #tpu.memory_space<vmem>>, vector<1x16xf32>,
      %get3A_289 = vector.shape_cast %get3A_288 : vector<1x16xf32> to vector<16xf32>
      %broadcast_in_dim3A_290 = arith.constant 3 : i32
      %broadcast_in_dim3A_291 = vector.broadcast %broadcast_in_dim3A_290 : i32 to vector<16xi32>
      %gt3A_292 = arith.cmpf ogt, %get3A_289, %select_n3A_281 : vector<16xf32>
      %gt3A_293 = arith.cmpf ogt, %get3A_289, %select_n3A_278 : vector<16xf32>
      %select_n3A_294 = arith.select %gt3A_293, %get3A_289, %select_n3A_278 : vector<16xi1>, vector<16xf32>
      %select_n3A_295 = arith.select %gt3A_292, %select_n3A_281, %select_n3A_294 : vector<16xi1>, vector<16xf32>
      %select_n3A_296 = arith.select %gt3A_293, %broadcast_in_dim3A_291, %select_n3A_280 : vector<16xi1>, vector<16xi32>
      %select_n3A_297 = arith.select %gt3A_292, %select_n3A_282, %select_n3A_296 : vector<16xi1>, vector<16xi32>
      %select_n3A_298 = arith.select %gt3A_292, %get3A_289, %select_n3A_281 : vector<16xi1>, vector<16xf32>
      %select_n3A_299 = arith.select %gt3A_292, %broadcast_in_dim3A_291, %select_n3A_282 : vector<16xi1>, vector<16xi32>
      %mul3A_300 = arith.constant 16 : i32
      %mul3A_301 = arith.muli %scan3A_226, %mul3A_300 : i32
      %get3A_302 = arith.constant 4 : i32
      %get3A_303 = arith.index_cast %get3A_302 : i32 to index
      %get3A_304 = arith.index_cast %mul3A_301 : i32 to index
      %get3A_305 = tpu.vector_load %arg8[%get3A_303, %get3A_304] {strides = array<i32>} : memref<16x512xf32, #tpu.memory_space<vmem>>, vector<1x16xf32>,
      %get3A_306 = vector.shape_cast %get3A_305 : vector<1x16xf32> to vector<16xf32>
      %broadcast_in_dim3A_307 = arith.constant 4 : i32
      %broadcast_in_dim3A_308 = vector.broadcast %broadcast_in_dim3A_307 : i32 to vector<16xi32>
      %gt3A_309 = arith.cmpf ogt, %get3A_306, %select_n3A_298 : vector<16xf32>
      %gt3A_310 = arith.cmpf ogt, %get3A_306, %select_n3A_295 : vector<16xf32>
      %select_n3A_311 = arith.select %gt3A_310, %get3A_306, %select_n3A_295 : vector<16xi1>, vector<16xf32>
      %select_n3A_312 = arith.select %gt3A_309, %select_n3A_298, %select_n3A_311 : vector<16xi1>, vector<16xf32>
      %select_n3A_313 = arith.select %gt3A_310, %broadcast_in_dim3A_308, %select_n3A_297 : vector<16xi1>, vector<16xi32>
      %select_n3A_314 = arith.select %gt3A_309, %select_n3A_299, %select_n3A_313 : vector<16xi1>, vector<16xi32>
      %select_n3A_315 = arith.select %gt3A_309, %get3A_306, %select_n3A_298 : vector<16xi1>, vector<16xf32>
      %select_n3A_316 = arith.select %gt3A_309, %broadcast_in_dim3A_308, %select_n3A_299 : vector<16xi1>, vector<16xi32>
      %mul3A_317 = arith.constant 16 : i32
      %mul3A_318 = arith.muli %scan3A_226, %mul3A_317 : i32
      %get3A_319 = arith.constant 5 : i32
      %get3A_320 = arith.index_cast %get3A_319 : i32 to index
      %get3A_321 = arith.index_cast %mul3A_318 : i32 to index
      %get3A_322 = tpu.vector_load %arg8[%get3A_320, %get3A_321] {strides = array<i32>} : memref<16x512xf32, #tpu.memory_space<vmem>>, vector<1x16xf32>,
      %get3A_323 = vector.shape_cast %get3A_322 : vector<1x16xf32> to vector<16xf32>
      %broadcast_in_dim3A_324 = arith.constant 5 : i32
      %broadcast_in_dim3A_325 = vector.broadcast %broadcast_in_dim3A_324 : i32 to vector<16xi32>
      %gt3A_326 = arith.cmpf ogt, %get3A_323, %select_n3A_315 : vector<16xf32>
      %gt3A_327 = arith.cmpf ogt, %get3A_323, %select_n3A_312 : vector<16xf32>
      %select_n3A_328 = arith.select %gt3A_327, %get3A_323, %select_n3A_312 : vector<16xi1>, vector<16xf32>
      %select_n3A_329 = arith.select %gt3A_326, %select_n3A_315, %select_n3A_328 : vector<16xi1>, vector<16xf32>
      %select_n3A_330 = arith.select %gt3A_327, %broadcast_in_dim3A_325, %select_n3A_314 : vector<16xi1>, vector<16xi32>
      %select_n3A_331 = arith.select %gt3A_326, %select_n3A_316, %select_n3A_330 : vector<16xi1>, vector<16xi32>
      %select_n3A_332 = arith.select %gt3A_326, %get3A_323, %select_n3A_315 : vector<16xi1>, vector<16xf32>
      %select_n3A_333 = arith.select %gt3A_326, %broadcast_in_dim3A_325, %select_n3A_316 : vector<16xi1>, vector<16xi32>
      %mul3A_334 = arith.constant 16 : i32
      %mul3A_335 = arith.muli %scan3A_226, %mul3A_334 : i32
      %get3A_336 = arith.constant 6 : i32
      %get3A_337 = arith.index_cast %get3A_336 : i32 to index
      %get3A_338 = arith.index_cast %mul3A_335 : i32 to index
      %get3A_339 = tpu.vector_load %arg8[%get3A_337, %get3A_338] {strides = array<i32>} : memref<16x512xf32, #tpu.memory_space<vmem>>, vector<1x16xf32>,
      %get3A_340 = vector.shape_cast %get3A_339 : vector<1x16xf32> to vector<16xf32>
      %broadcast_in_dim3A_341 = arith.constant 6 : i32
      %broadcast_in_dim3A_342 = vector.broadcast %broadcast_in_dim3A_341 : i32 to vector<16xi32>
      %gt3A_343 = arith.cmpf ogt, %get3A_340, %select_n3A_332 : vector<16xf32>
      %gt3A_344 = arith.cmpf ogt, %get3A_340, %select_n3A_329 : vector<16xf32>
      %select_n3A_345 = arith.select %gt3A_344, %get3A_340, %select_n3A_329 : vector<16xi1>, vector<16xf32>
      %select_n3A_346 = arith.select %gt3A_343, %select_n3A_332, %select_n3A_345 : vector<16xi1>, vector<16xf32>
      %select_n3A_347 = arith.select %gt3A_344, %broadcast_in_dim3A_342, %select_n3A_331 : vector<16xi1>, vector<16xi32>
      %select_n3A_348 = arith.select %gt3A_343, %select_n3A_333, %select_n3A_347 : vector<16xi1>, vector<16xi32>
      %select_n3A_349 = arith.select %gt3A_343, %get3A_340, %select_n3A_332 : vector<16xi1>, vector<16xf32>
      %select_n3A_350 = arith.select %gt3A_343, %broadcast_in_dim3A_342, %select_n3A_333 : vector<16xi1>, vector<16xi32>
      %mul3A_351 = arith.constant 16 : i32
      %mul3A_352 = arith.muli %scan3A_226, %mul3A_351 : i32
      %get3A_353 = arith.constant 7 : i32
      %get3A_354 = arith.index_cast %get3A_353 : i32 to index
      %get3A_355 = arith.index_cast %mul3A_352 : i32 to index
      %get3A_356 = tpu.vector_load %arg8[%get3A_354, %get3A_355] {strides = array<i32>} : memref<16x512xf32, #tpu.memory_space<vmem>>, vector<1x16xf32>,
      %get3A_357 = vector.shape_cast %get3A_356 : vector<1x16xf32> to vector<16xf32>
      %broadcast_in_dim3A_358 = arith.constant 7 : i32
      %broadcast_in_dim3A_359 = vector.broadcast %broadcast_in_dim3A_358 : i32 to vector<16xi32>
      %gt3A_360 = arith.cmpf ogt, %get3A_357, %select_n3A_349 : vector<16xf32>
      %gt3A_361 = arith.cmpf ogt, %get3A_357, %select_n3A_346 : vector<16xf32>
      %select_n3A_362 = arith.select %gt3A_361, %get3A_357, %select_n3A_346 : vector<16xi1>, vector<16xf32>
      %select_n3A_363 = arith.select %gt3A_360, %select_n3A_349, %select_n3A_362 : vector<16xi1>, vector<16xf32>
      %select_n3A_364 = arith.select %gt3A_361, %broadcast_in_dim3A_359, %select_n3A_348 : vector<16xi1>, vector<16xi32>
      %select_n3A_365 = arith.select %gt3A_360, %select_n3A_350, %select_n3A_364 : vector<16xi1>, vector<16xi32>
      %select_n3A_366 = arith.select %gt3A_360, %get3A_357, %select_n3A_349 : vector<16xi1>, vector<16xf32>
      %select_n3A_367 = arith.select %gt3A_360, %broadcast_in_dim3A_359, %select_n3A_350 : vector<16xi1>, vector<16xi32>
      %mul3A_368 = arith.constant 16 : i32
      %mul3A_369 = arith.muli %scan3A_226, %mul3A_368 : i32
      %get3A_370 = arith.constant 8 : i32
      %get3A_371 = arith.index_cast %get3A_370 : i32 to index
      %get3A_372 = arith.index_cast %mul3A_369 : i32 to index
      %get3A_373 = tpu.vector_load %arg8[%get3A_371, %get3A_372] {strides = array<i32>} : memref<16x512xf32, #tpu.memory_space<vmem>>, vector<1x16xf32>,
      %get3A_374 = vector.shape_cast %get3A_373 : vector<1x16xf32> to vector<16xf32>
      %broadcast_in_dim3A_375 = arith.constant 8 : i32
      %broadcast_in_dim3A_376 = vector.broadcast %broadcast_in_dim3A_375 : i32 to vector<16xi32>
      %gt3A_377 = arith.cmpf ogt, %get3A_374, %select_n3A_366 : vector<16xf32>
      %gt3A_378 = arith.cmpf ogt, %get3A_374, %select_n3A_363 : vector<16xf32>
      %select_n3A_379 = arith.select %gt3A_378, %get3A_374, %select_n3A_363 : vector<16xi1>, vector<16xf32>
      %select_n3A_380 = arith.select %gt3A_377, %select_n3A_366, %select_n3A_379 : vector<16xi1>, vector<16xf32>
      %select_n3A_381 = arith.select %gt3A_378, %broadcast_in_dim3A_376, %select_n3A_365 : vector<16xi1>, vector<16xi32>
      %select_n3A_382 = arith.select %gt3A_377, %select_n3A_367, %select_n3A_381 : vector<16xi1>, vector<16xi32>
      %select_n3A_383 = arith.select %gt3A_377, %get3A_374, %select_n3A_366 : vector<16xi1>, vector<16xf32>
      %select_n3A_384 = arith.select %gt3A_377, %broadcast_in_dim3A_376, %select_n3A_367 : vector<16xi1>, vector<16xi32>
      %mul3A_385 = arith.constant 16 : i32
      %mul3A_386 = arith.muli %scan3A_226, %mul3A_385 : i32
      %get3A_387 = arith.constant 9 : i32
      %get3A_388 = arith.index_cast %get3A_387 : i32 to index
      %get3A_389 = arith.index_cast %mul3A_386 : i32 to index
      %get3A_390 = tpu.vector_load %arg8[%get3A_388, %get3A_389] {strides = array<i32>} : memref<16x512xf32, #tpu.memory_space<vmem>>, vector<1x16xf32>,
      %get3A_391 = vector.shape_cast %get3A_390 : vector<1x16xf32> to vector<16xf32>
      %broadcast_in_dim3A_392 = arith.constant 9 : i32
      %broadcast_in_dim3A_393 = vector.broadcast %broadcast_in_dim3A_392 : i32 to vector<16xi32>
      %gt3A_394 = arith.cmpf ogt, %get3A_391, %select_n3A_383 : vector<16xf32>
      %gt3A_395 = arith.cmpf ogt, %get3A_391, %select_n3A_380 : vector<16xf32>
      %select_n3A_396 = arith.select %gt3A_395, %get3A_391, %select_n3A_380 : vector<16xi1>, vector<16xf32>
      %select_n3A_397 = arith.select %gt3A_394, %select_n3A_383, %select_n3A_396 : vector<16xi1>, vector<16xf32>
      %select_n3A_398 = arith.select %gt3A_395, %broadcast_in_dim3A_393, %select_n3A_382 : vector<16xi1>, vector<16xi32>
      %select_n3A_399 = arith.select %gt3A_394, %select_n3A_384, %select_n3A_398 : vector<16xi1>, vector<16xi32>
      %select_n3A_400 = arith.select %gt3A_394, %get3A_391, %select_n3A_383 : vector<16xi1>, vector<16xf32>
      %select_n3A_401 = arith.select %gt3A_394, %broadcast_in_dim3A_393, %select_n3A_384 : vector<16xi1>, vector<16xi32>
      %mul3A_402 = arith.constant 16 : i32
      %mul3A_403 = arith.muli %scan3A_226, %mul3A_402 : i32
      %get3A_404 = arith.constant 10 : i32
      %get3A_405 = arith.index_cast %get3A_404 : i32 to index
      %get3A_406 = arith.index_cast %mul3A_403 : i32 to index
      %get3A_407 = tpu.vector_load %arg8[%get3A_405, %get3A_406] {strides = array<i32>} : memref<16x512xf32, #tpu.memory_space<vmem>>, vector<1x16xf32>,
      %get3A_408 = vector.shape_cast %get3A_407 : vector<1x16xf32> to vector<16xf32>
      %broadcast_in_dim3A_409 = arith.constant 10 : i32
      %broadcast_in_dim3A_410 = vector.broadcast %broadcast_in_dim3A_409 : i32 to vector<16xi32>
      %gt3A_411 = arith.cmpf ogt, %get3A_408, %select_n3A_400 : vector<16xf32>
      %gt3A_412 = arith.cmpf ogt, %get3A_408, %select_n3A_397 : vector<16xf32>
      %select_n3A_413 = arith.select %gt3A_412, %get3A_408, %select_n3A_397 : vector<16xi1>, vector<16xf32>
      %select_n3A_414 = arith.select %gt3A_411, %select_n3A_400, %select_n3A_413 : vector<16xi1>, vector<16xf32>
      %select_n3A_415 = arith.select %gt3A_412, %broadcast_in_dim3A_410, %select_n3A_399 : vector<16xi1>, vector<16xi32>
      %select_n3A_416 = arith.select %gt3A_411, %select_n3A_401, %select_n3A_415 : vector<16xi1>, vector<16xi32>
      %select_n3A_417 = arith.select %gt3A_411, %get3A_408, %select_n3A_400 : vector<16xi1>, vector<16xf32>
      %select_n3A_418 = arith.select %gt3A_411, %broadcast_in_dim3A_410, %select_n3A_401 : vector<16xi1>, vector<16xi32>
      %mul3A_419 = arith.constant 16 : i32
      %mul3A_420 = arith.muli %scan3A_226, %mul3A_419 : i32
      %get3A_421 = arith.constant 11 : i32
      %get3A_422 = arith.index_cast %get3A_421 : i32 to index
      %get3A_423 = arith.index_cast %mul3A_420 : i32 to index
      %get3A_424 = tpu.vector_load %arg8[%get3A_422, %get3A_423] {strides = array<i32>} : memref<16x512xf32, #tpu.memory_space<vmem>>, vector<1x16xf32>,
      %get3A_425 = vector.shape_cast %get3A_424 : vector<1x16xf32> to vector<16xf32>
      %broadcast_in_dim3A_426 = arith.constant 11 : i32
      %broadcast_in_dim3A_427 = vector.broadcast %broadcast_in_dim3A_426 : i32 to vector<16xi32>
      %gt3A_428 = arith.cmpf ogt, %get3A_425, %select_n3A_417 : vector<16xf32>
      %gt3A_429 = arith.cmpf ogt, %get3A_425, %select_n3A_414 : vector<16xf32>
      %select_n3A_430 = arith.select %gt3A_429, %get3A_425, %select_n3A_414 : vector<16xi1>, vector<16xf32>
      %select_n3A_431 = arith.select %gt3A_428, %select_n3A_417, %select_n3A_430 : vector<16xi1>, vector<16xf32>
      %select_n3A_432 = arith.select %gt3A_429, %broadcast_in_dim3A_427, %select_n3A_416 : vector<16xi1>, vector<16xi32>
      %select_n3A_433 = arith.select %gt3A_428, %select_n3A_418, %select_n3A_432 : vector<16xi1>, vector<16xi32>
      %select_n3A_434 = arith.select %gt3A_428, %get3A_425, %select_n3A_417 : vector<16xi1>, vector<16xf32>
      %select_n3A_435 = arith.select %gt3A_428, %broadcast_in_dim3A_427, %select_n3A_418 : vector<16xi1>, vector<16xi32>
      %mul3A_436 = arith.constant 16 : i32
      %mul3A_437 = arith.muli %scan3A_226, %mul3A_436 : i32
      %get3A_438 = arith.constant 12 : i32
      %get3A_439 = arith.index_cast %get3A_438 : i32 to index
      %get3A_440 = arith.index_cast %mul3A_437 : i32 to index
      %get3A_441 = tpu.vector_load %arg8[%get3A_439, %get3A_440] {strides = array<i32>} : memref<16x512xf32, #tpu.memory_space<vmem>>, vector<1x16xf32>,
      %get3A_442 = vector.shape_cast %get3A_441 : vector<1x16xf32> to vector<16xf32>
      %broadcast_in_dim3A_443 = arith.constant 12 : i32
      %broadcast_in_dim3A_444 = vector.broadcast %broadcast_in_dim3A_443 : i32 to vector<16xi32>
      %gt3A_445 = arith.cmpf ogt, %get3A_442, %select_n3A_434 : vector<16xf32>
      %gt3A_446 = arith.cmpf ogt, %get3A_442, %select_n3A_431 : vector<16xf32>
      %select_n3A_447 = arith.select %gt3A_446, %get3A_442, %select_n3A_431 : vector<16xi1>, vector<16xf32>
      %select_n3A_448 = arith.select %gt3A_445, %select_n3A_434, %select_n3A_447 : vector<16xi1>, vector<16xf32>
      %select_n3A_449 = arith.select %gt3A_446, %broadcast_in_dim3A_444, %select_n3A_433 : vector<16xi1>, vector<16xi32>
      %select_n3A_450 = arith.select %gt3A_445, %select_n3A_435, %select_n3A_449 : vector<16xi1>, vector<16xi32>
      %select_n3A_451 = arith.select %gt3A_445, %get3A_442, %select_n3A_434 : vector<16xi1>, vector<16xf32>
      %select_n3A_452 = arith.select %gt3A_445, %broadcast_in_dim3A_444, %select_n3A_435 : vector<16xi1>, vector<16xi32>
      %mul3A_453 = arith.constant 16 : i32
      %mul3A_454 = arith.muli %scan3A_226, %mul3A_453 : i32
      %get3A_455 = arith.constant 13 : i32
      %get3A_456 = arith.index_cast %get3A_455 : i32 to index
      %get3A_457 = arith.index_cast %mul3A_454 : i32 to index
      %get3A_458 = tpu.vector_load %arg8[%get3A_456, %get3A_457] {strides = array<i32>} : memref<16x512xf32, #tpu.memory_space<vmem>>, vector<1x16xf32>,
      %get3A_459 = vector.shape_cast %get3A_458 : vector<1x16xf32> to vector<16xf32>
      %broadcast_in_dim3A_460 = arith.constant 13 : i32
      %broadcast_in_dim3A_461 = vector.broadcast %broadcast_in_dim3A_460 : i32 to vector<16xi32>
      %gt3A_462 = arith.cmpf ogt, %get3A_459, %select_n3A_451 : vector<16xf32>
      %gt3A_463 = arith.cmpf ogt, %get3A_459, %select_n3A_448 : vector<16xf32>
      %select_n3A_464 = arith.select %gt3A_463, %get3A_459, %select_n3A_448 : vector<16xi1>, vector<16xf32>
      %select_n3A_465 = arith.select %gt3A_462, %select_n3A_451, %select_n3A_464 : vector<16xi1>, vector<16xf32>
      %select_n3A_466 = arith.select %gt3A_463, %broadcast_in_dim3A_461, %select_n3A_450 : vector<16xi1>, vector<16xi32>
      %select_n3A_467 = arith.select %gt3A_462, %select_n3A_452, %select_n3A_466 : vector<16xi1>, vector<16xi32>
      %select_n3A_468 = arith.select %gt3A_462, %get3A_459, %select_n3A_451 : vector<16xi1>, vector<16xf32>
      %select_n3A_469 = arith.select %gt3A_462, %broadcast_in_dim3A_461, %select_n3A_452 : vector<16xi1>, vector<16xi32>
      %mul3A_470 = arith.constant 16 : i32
      %mul3A_471 = arith.muli %scan3A_226, %mul3A_470 : i32
      %get3A_472 = arith.constant 14 : i32
      %get3A_473 = arith.index_cast %get3A_472 : i32 to index
      %get3A_474 = arith.index_cast %mul3A_471 : i32 to index
      %get3A_475 = tpu.vector_load %arg8[%get3A_473, %get3A_474] {strides = array<i32>} : memref<16x512xf32, #tpu.memory_space<vmem>>, vector<1x16xf32>,
      %get3A_476 = vector.shape_cast %get3A_475 : vector<1x16xf32> to vector<16xf32>
      %broadcast_in_dim3A_477 = arith.constant 14 : i32
      %broadcast_in_dim3A_478 = vector.broadcast %broadcast_in_dim3A_477 : i32 to vector<16xi32>
      %gt3A_479 = arith.cmpf ogt, %get3A_476, %select_n3A_468 : vector<16xf32>
      %gt3A_480 = arith.cmpf ogt, %get3A_476, %select_n3A_465 : vector<16xf32>
      %select_n3A_481 = arith.select %gt3A_480, %get3A_476, %select_n3A_465 : vector<16xi1>, vector<16xf32>
      %select_n3A_482 = arith.select %gt3A_479, %select_n3A_468, %select_n3A_481 : vector<16xi1>, vector<16xf32>
      %select_n3A_483 = arith.select %gt3A_480, %broadcast_in_dim3A_478, %select_n3A_467 : vector<16xi1>, vector<16xi32>
      %select_n3A_484 = arith.select %gt3A_479, %select_n3A_469, %select_n3A_483 : vector<16xi1>, vector<16xi32>
      %select_n3A_485 = arith.select %gt3A_479, %get3A_476, %select_n3A_468 : vector<16xi1>, vector<16xf32>
      %select_n3A_486 = arith.select %gt3A_479, %broadcast_in_dim3A_478, %select_n3A_469 : vector<16xi1>, vector<16xi32>
      %mul3A_487 = arith.constant 16 : i32
      %mul3A_488 = arith.muli %scan3A_226, %mul3A_487 : i32
      %get3A_489 = arith.constant 15 : i32
      %get3A_490 = arith.index_cast %get3A_489 : i32 to index
      %get3A_491 = arith.index_cast %mul3A_488 : i32 to index
      %get3A_492 = tpu.vector_load %arg8[%get3A_490, %get3A_491] {strides = array<i32>} : memref<16x512xf32, #tpu.memory_space<vmem>>, vector<1x16xf32>,
      %get3A_493 = vector.shape_cast %get3A_492 : vector<1x16xf32> to vector<16xf32>
      %broadcast_in_dim3A_494 = arith.constant 15 : i32
      %broadcast_in_dim3A_495 = vector.broadcast %broadcast_in_dim3A_494 : i32 to vector<16xi32>
      %gt3A_496 = arith.cmpf ogt, %get3A_493, %select_n3A_485 : vector<16xf32>
      %gt3A_497 = arith.cmpf ogt, %get3A_493, %select_n3A_482 : vector<16xf32>
      %select_n3A_498 = arith.select %gt3A_497, %get3A_493, %select_n3A_482 : vector<16xi1>, vector<16xf32>
      %select_n3A_499 = arith.select %gt3A_496, %select_n3A_485, %select_n3A_498 : vector<16xi1>, vector<16xf32>
      %select_n3A_500 = arith.select %gt3A_497, %broadcast_in_dim3A_495, %select_n3A_484 : vector<16xi1>, vector<16xi32>
      %select_n3A_501 = arith.select %gt3A_496, %select_n3A_486, %select_n3A_500 : vector<16xi1>, vector<16xi32>
      %select_n3A_502 = arith.select %gt3A_496, %get3A_493, %select_n3A_485 : vector<16xi1>, vector<16xf32>
      %select_n3A_503 = arith.select %gt3A_496, %broadcast_in_dim3A_495, %select_n3A_486 : vector<16xi1>, vector<16xi32>
      %sub3A = arith.subf %select_n3A_499, %select_n3A_502 : vector<16xf32>
      %exp3A = math.exp %sub3A : vector<16xf32>
      %add3A_504 = arith.constant 1.000000e+00 : f32
      %add3A_505 = vector.broadcast %add3A_504 : f32 to vector<16xf32>
      %add3A_506 = arith.addf %add3A_505, %exp3A : vector<16xf32>
      %div3A = arith.constant 1.000000e+00 : f32
      %div3A_507 = vector.broadcast %div3A : f32 to vector<16xf32>
      %div3A_508 = arith.divf %div3A_507, %add3A_506 : vector<16xf32>
      %mul3A_509 = arith.constant 16 : i32
      %mul3A_510 = arith.muli %scan3A_226, %mul3A_509 : i32
      %swap3A_511 = arith.index_cast %mul3A_510 : i32 to index
      %swap3A_512 = tpu.vector_load %arg9[%swap3A_511] {strides = array<i32>} : memref<512xi32, #tpu.memory_space<vmem>>, vector<16xi32>,
      %swap3A_513 = vector.shape_cast %swap3A_512 : vector<16xi32> to vector<16xi32>
      %swap3A_514 = vector.shape_cast %select_n3A_503 : vector<16xi32> to vector<16xi32>
      tpu.vector_store %arg9[%swap3A_511], %swap3A_514 {strides = array<i32>} : memref<512xi32, #tpu.memory_space<vmem>>, vector<16xi32>,
      %swap3A_515 = arith.index_cast %mul3A_510 : i32 to index
      %swap3A_516 = tpu.vector_load %arg10[%swap3A_515] {strides = array<i32>} : memref<512xi32, #tpu.memory_space<vmem>>, vector<16xi32>,
      %swap3A_517 = vector.shape_cast %swap3A_516 : vector<16xi32> to vector<16xi32>
      %swap3A_518 = vector.shape_cast %select_n3A_501 : vector<16xi32> to vector<16xi32>
      tpu.vector_store %arg10[%swap3A_515], %swap3A_518 {strides = array<i32>} : memref<512xi32, #tpu.memory_space<vmem>>, vector<16xi32>,
      %swap3A_519 = arith.index_cast %mul3A_510 : i32 to index
      %swap3A_520 = tpu.vector_load %arg11[%swap3A_519] {strides = array<i32>} : memref<512xf32, #tpu.memory_space<vmem>>, vector<16xf32>,
      %swap3A_521 = vector.shape_cast %swap3A_520 : vector<16xf32> to vector<16xf32>
      %swap3A_522 = vector.shape_cast %div3A_508 : vector<16xf32> to vector<16xf32>
      tpu.vector_store %arg11[%swap3A_519], %swap3A_522 {strides = array<i32>} : memref<512xf32, #tpu.memory_space<vmem>>, vector<16xf32>,
      %sub3A_523 = arith.constant 1.000000e+00 : f32
      %sub3A_524 = vector.broadcast %sub3A_523 : f32 to vector<16xf32>
      %sub3A_525 = arith.subf %sub3A_524, %div3A_508 : vector<16xf32>
      %swap3A_526 = arith.index_cast %mul3A_510 : i32 to index
      %swap3A_527 = tpu.vector_load %arg12[%swap3A_526] {strides = array<i32>} : memref<512xf32, #tpu.memory_space<vmem>>, vector<16xf32>,
      %swap3A_528 = vector.shape_cast %swap3A_527 : vector<16xf32> to vector<16xf32>
      %swap3A_529 = vector.shape_cast %sub3A_525 : vector<16xf32> to vector<16xf32>
      tpu.vector_store %arg12[%swap3A_526], %swap3A_529 {strides = array<i32>} : memref<512xf32, #tpu.memory_space<vmem>>, vector<16xf32>,
      %broadcast_in_dim3A_530 = arith.constant 0 : i32
      %broadcast_in_dim3A_531 = vector.broadcast %broadcast_in_dim3A_530 : i32 to vector<16xi32>
      %eq3A = arith.cmpi eq, %select_n3A_503, %broadcast_in_dim3A_531 : vector<16xi32>
      %jit3A = arith.constant 1.000000e+00 : f32
      %jit3A_532 = arith.constant 0.000000e+00 : f32
      %broadcast_in_dim3A_533 = vector.broadcast %jit3A : f32 to vector<16xf32>
      %broadcast_in_dim3A_534 = vector.broadcast %jit3A_532 : f32 to vector<16xf32>
      %select_n3A_535 = arith.select %eq3A, %broadcast_in_dim3A_533, %broadcast_in_dim3A_534 : vector<16xi1>, vector<16xf32>
      %eq3A_536 = arith.cmpi eq, %select_n3A_501, %broadcast_in_dim3A_531 : vector<16xi32>
      %jit3A_537 = arith.constant 1.000000e+00 : f32
      %jit3A_538 = arith.constant 0.000000e+00 : f32
      %broadcast_in_dim3A_539 = vector.broadcast %jit3A_537 : f32 to vector<16xf32>
      %broadcast_in_dim3A_540 = vector.broadcast %jit3A_538 : f32 to vector<16xf32>
      %select_n3A_541 = arith.select %eq3A_536, %broadcast_in_dim3A_539, %broadcast_in_dim3A_540 : vector<16xi1>, vector<16xf32>
      %add3A_542 = arith.addf %select_n3A_535, %select_n3A_541 : vector<16xf32>
      %get3A_543 = arith.constant 0 : i32
      %get3A_544 = arith.index_cast %get3A_543 : i32 to index
      %get3A_545 = arith.constant 0 : index
      %get3A_546 = tpu.vector_load %arg13[%get3A_544, %get3A_545] {strides = array<i32>} : memref<16x16xf32, #tpu.memory_space<vmem>>, vector<1x16xf32>,
      %get3A_547 = vector.shape_cast %get3A_546 : vector<1x16xf32> to vector<16xf32>
      %add3A_548 = arith.addf %get3A_547, %add3A_542 : vector<16xf32>
      %swap3A_549 = arith.constant 0 : i32
      %swap3A_550 = arith.index_cast %swap3A_549 : i32 to index
      %swap3A_551 = arith.constant 0 : index
      %swap3A_552 = tpu.vector_load %arg13[%swap3A_550, %swap3A_551] {strides = array<i32>} : memref<16x16xf32, #tpu.memory_space<vmem>>, vector<1x16xf32>,
      %swap3A_553 = vector.shape_cast %swap3A_552 : vector<1x16xf32> to vector<16xf32>
      %swap3A_554 = vector.shape_cast %add3A_548 : vector<16xf32> to vector<1x16xf32>
      tpu.vector_store %arg13[%swap3A_550, %swap3A_551], %swap3A_554 {strides = array<i32>} : memref<16x16xf32, #tpu.memory_space<vmem>>, vector<1x16xf32>,
      %broadcast_in_dim3A_555 = arith.constant 1 : i32
      %broadcast_in_dim3A_556 = vector.broadcast %broadcast_in_dim3A_555 : i32 to vector<16xi32>
      %eq3A_557 = arith.cmpi eq, %select_n3A_503, %broadcast_in_dim3A_556 : vector<16xi32>
      %jit3A_558 = arith.constant 1.000000e+00 : f32
      %jit3A_559 = arith.constant 0.000000e+00 : f32
      %broadcast_in_dim3A_560 = vector.broadcast %jit3A_558 : f32 to vector<16xf32>
      %broadcast_in_dim3A_561 = vector.broadcast %jit3A_559 : f32 to vector<16xf32>
      %select_n3A_562 = arith.select %eq3A_557, %broadcast_in_dim3A_560, %broadcast_in_dim3A_561 : vector<16xi1>, vector<16xf32>
      %eq3A_563 = arith.cmpi eq, %select_n3A_501, %broadcast_in_dim3A_556 : vector<16xi32>
      %jit3A_564 = arith.constant 1.000000e+00 : f32
      %jit3A_565 = arith.constant 0.000000e+00 : f32
      %broadcast_in_dim3A_566 = vector.broadcast %jit3A_564 : f32 to vector<16xf32>
      %broadcast_in_dim3A_567 = vector.broadcast %jit3A_565 : f32 to vector<16xf32>
      %select_n3A_568 = arith.select %eq3A_563, %broadcast_in_dim3A_566, %broadcast_in_dim3A_567 : vector<16xi1>, vector<16xf32>
      %add3A_569 = arith.addf %select_n3A_562, %select_n3A_568 : vector<16xf32>
      %get3A_570 = arith.constant 1 : i32
      %get3A_571 = arith.index_cast %get3A_570 : i32 to index
      %get3A_572 = arith.constant 0 : index
      %get3A_573 = tpu.vector_load %arg13[%get3A_571, %get3A_572] {strides = array<i32>} : memref<16x16xf32, #tpu.memory_space<vmem>>, vector<1x16xf32>,
      %get3A_574 = vector.shape_cast %get3A_573 : vector<1x16xf32> to vector<16xf32>
      %add3A_575 = arith.addf %get3A_574, %add3A_569 : vector<16xf32>
      %swap3A_576 = arith.constant 1 : i32
      %swap3A_577 = arith.index_cast %swap3A_576 : i32 to index
      %swap3A_578 = arith.constant 0 : index
      %swap3A_579 = tpu.vector_load %arg13[%swap3A_577, %swap3A_578] {strides = array<i32>} : memref<16x16xf32, #tpu.memory_space<vmem>>, vector<1x16xf32>,
      %swap3A_580 = vector.shape_cast %swap3A_579 : vector<1x16xf32> to vector<16xf32>
      %swap3A_581 = vector.shape_cast %add3A_575 : vector<16xf32> to vector<1x16xf32>
      tpu.vector_store %arg13[%swap3A_577, %swap3A_578], %swap3A_581 {strides = array<i32>} : memref<16x16xf32, #tpu.memory_space<vmem>>, vector<1x16xf32>,
      %broadcast_in_dim3A_582 = arith.constant 2 : i32
      %broadcast_in_dim3A_583 = vector.broadcast %broadcast_in_dim3A_582 : i32 to vector<16xi32>
      %eq3A_584 = arith.cmpi eq, %select_n3A_503, %broadcast_in_dim3A_583 : vector<16xi32>
      %jit3A_585 = arith.constant 1.000000e+00 : f32
      %jit3A_586 = arith.constant 0.000000e+00 : f32
      %broadcast_in_dim3A_587 = vector.broadcast %jit3A_585 : f32 to vector<16xf32>
      %broadcast_in_dim3A_588 = vector.broadcast %jit3A_586 : f32 to vector<16xf32>
      %select_n3A_589 = arith.select %eq3A_584, %broadcast_in_dim3A_587, %broadcast_in_dim3A_588 : vector<16xi1>, vector<16xf32>
      %eq3A_590 = arith.cmpi eq, %select_n3A_501, %broadcast_in_dim3A_583 : vector<16xi32>
      %jit3A_591 = arith.constant 1.000000e+00 : f32
      %jit3A_592 = arith.constant 0.000000e+00 : f32
      %broadcast_in_dim3A_593 = vector.broadcast %jit3A_591 : f32 to vector<16xf32>
      %broadcast_in_dim3A_594 = vector.broadcast %jit3A_592 : f32 to vector<16xf32>
      %select_n3A_595 = arith.select %eq3A_590, %broadcast_in_dim3A_593, %broadcast_in_dim3A_594 : vector<16xi1>, vector<16xf32>
      %add3A_596 = arith.addf %select_n3A_589, %select_n3A_595 : vector<16xf32>
      %get3A_597 = arith.constant 2 : i32
      %get3A_598 = arith.index_cast %get3A_597 : i32 to index
      %get3A_599 = arith.constant 0 : index
      %get3A_600 = tpu.vector_load %arg13[%get3A_598, %get3A_599] {strides = array<i32>} : memref<16x16xf32, #tpu.memory_space<vmem>>, vector<1x16xf32>,
      %get3A_601 = vector.shape_cast %get3A_600 : vector<1x16xf32> to vector<16xf32>
      %add3A_602 = arith.addf %get3A_601, %add3A_596 : vector<16xf32>
      %swap3A_603 = arith.constant 2 : i32
      %swap3A_604 = arith.index_cast %swap3A_603 : i32 to index
      %swap3A_605 = arith.constant 0 : index
      %swap3A_606 = tpu.vector_load %arg13[%swap3A_604, %swap3A_605] {strides = array<i32>} : memref<16x16xf32, #tpu.memory_space<vmem>>, vector<1x16xf32>,
      %swap3A_607 = vector.shape_cast %swap3A_606 : vector<1x16xf32> to vector<16xf32>
      %swap3A_608 = vector.shape_cast %add3A_602 : vector<16xf32> to vector<1x16xf32>
      tpu.vector_store %arg13[%swap3A_604, %swap3A_605], %swap3A_608 {strides = array<i32>} : memref<16x16xf32, #tpu.memory_space<vmem>>, vector<1x16xf32>,
      %broadcast_in_dim3A_609 = arith.constant 3 : i32
      %broadcast_in_dim3A_610 = vector.broadcast %broadcast_in_dim3A_609 : i32 to vector<16xi32>
      %eq3A_611 = arith.cmpi eq, %select_n3A_503, %broadcast_in_dim3A_610 : vector<16xi32>
      %jit3A_612 = arith.constant 1.000000e+00 : f32
      %jit3A_613 = arith.constant 0.000000e+00 : f32
      %broadcast_in_dim3A_614 = vector.broadcast %jit3A_612 : f32 to vector<16xf32>
      %broadcast_in_dim3A_615 = vector.broadcast %jit3A_613 : f32 to vector<16xf32>
      %select_n3A_616 = arith.select %eq3A_611, %broadcast_in_dim3A_614, %broadcast_in_dim3A_615 : vector<16xi1>, vector<16xf32>
      %eq3A_617 = arith.cmpi eq, %select_n3A_501, %broadcast_in_dim3A_610 : vector<16xi32>
      %jit3A_618 = arith.constant 1.000000e+00 : f32
      %jit3A_619 = arith.constant 0.000000e+00 : f32
      %broadcast_in_dim3A_620 = vector.broadcast %jit3A_618 : f32 to vector<16xf32>
      %broadcast_in_dim3A_621 = vector.broadcast %jit3A_619 : f32 to vector<16xf32>
      %select_n3A_622 = arith.select %eq3A_617, %broadcast_in_dim3A_620, %broadcast_in_dim3A_621 : vector<16xi1>, vector<16xf32>
      %add3A_623 = arith.addf %select_n3A_616, %select_n3A_622 : vector<16xf32>
      %get3A_624 = arith.constant 3 : i32
      %get3A_625 = arith.index_cast %get3A_624 : i32 to index
      %get3A_626 = arith.constant 0 : index
      %get3A_627 = tpu.vector_load %arg13[%get3A_625, %get3A_626] {strides = array<i32>} : memref<16x16xf32, #tpu.memory_space<vmem>>, vector<1x16xf32>,
      %get3A_628 = vector.shape_cast %get3A_627 : vector<1x16xf32> to vector<16xf32>
      %add3A_629 = arith.addf %get3A_628, %add3A_623 : vector<16xf32>
      %swap3A_630 = arith.constant 3 : i32
      %swap3A_631 = arith.index_cast %swap3A_630 : i32 to index
      %swap3A_632 = arith.constant 0 : index
      %swap3A_633 = tpu.vector_load %arg13[%swap3A_631, %swap3A_632] {strides = array<i32>} : memref<16x16xf32, #tpu.memory_space<vmem>>, vector<1x16xf32>,
      %swap3A_634 = vector.shape_cast %swap3A_633 : vector<1x16xf32> to vector<16xf32>
      %swap3A_635 = vector.shape_cast %add3A_629 : vector<16xf32> to vector<1x16xf32>
      tpu.vector_store %arg13[%swap3A_631, %swap3A_632], %swap3A_635 {strides = array<i32>} : memref<16x16xf32, #tpu.memory_space<vmem>>, vector<1x16xf32>,
      %broadcast_in_dim3A_636 = arith.constant 4 : i32
      %broadcast_in_dim3A_637 = vector.broadcast %broadcast_in_dim3A_636 : i32 to vector<16xi32>
      %eq3A_638 = arith.cmpi eq, %select_n3A_503, %broadcast_in_dim3A_637 : vector<16xi32>
      %jit3A_639 = arith.constant 1.000000e+00 : f32
      %jit3A_640 = arith.constant 0.000000e+00 : f32
      %broadcast_in_dim3A_641 = vector.broadcast %jit3A_639 : f32 to vector<16xf32>
      %broadcast_in_dim3A_642 = vector.broadcast %jit3A_640 : f32 to vector<16xf32>
      %select_n3A_643 = arith.select %eq3A_638, %broadcast_in_dim3A_641, %broadcast_in_dim3A_642 : vector<16xi1>, vector<16xf32>
      %eq3A_644 = arith.cmpi eq, %select_n3A_501, %broadcast_in_dim3A_637 : vector<16xi32>
      %jit3A_645 = arith.constant 1.000000e+00 : f32
      %jit3A_646 = arith.constant 0.000000e+00 : f32
      %broadcast_in_dim3A_647 = vector.broadcast %jit3A_645 : f32 to vector<16xf32>
      %broadcast_in_dim3A_648 = vector.broadcast %jit3A_646 : f32 to vector<16xf32>
      %select_n3A_649 = arith.select %eq3A_644, %broadcast_in_dim3A_647, %broadcast_in_dim3A_648 : vector<16xi1>, vector<16xf32>
      %add3A_650 = arith.addf %select_n3A_643, %select_n3A_649 : vector<16xf32>
      %get3A_651 = arith.constant 4 : i32
      %get3A_652 = arith.index_cast %get3A_651 : i32 to index
      %get3A_653 = arith.constant 0 : index
      %get3A_654 = tpu.vector_load %arg13[%get3A_652, %get3A_653] {strides = array<i32>} : memref<16x16xf32, #tpu.memory_space<vmem>>, vector<1x16xf32>,
      %get3A_655 = vector.shape_cast %get3A_654 : vector<1x16xf32> to vector<16xf32>
      %add3A_656 = arith.addf %get3A_655, %add3A_650 : vector<16xf32>
      %swap3A_657 = arith.constant 4 : i32
      %swap3A_658 = arith.index_cast %swap3A_657 : i32 to index
      %swap3A_659 = arith.constant 0 : index
      %swap3A_660 = tpu.vector_load %arg13[%swap3A_658, %swap3A_659] {strides = array<i32>} : memref<16x16xf32, #tpu.memory_space<vmem>>, vector<1x16xf32>,
      %swap3A_661 = vector.shape_cast %swap3A_660 : vector<1x16xf32> to vector<16xf32>
      %swap3A_662 = vector.shape_cast %add3A_656 : vector<16xf32> to vector<1x16xf32>
      tpu.vector_store %arg13[%swap3A_658, %swap3A_659], %swap3A_662 {strides = array<i32>} : memref<16x16xf32, #tpu.memory_space<vmem>>, vector<1x16xf32>,
      %broadcast_in_dim3A_663 = arith.constant 5 : i32
      %broadcast_in_dim3A_664 = vector.broadcast %broadcast_in_dim3A_663 : i32 to vector<16xi32>
      %eq3A_665 = arith.cmpi eq, %select_n3A_503, %broadcast_in_dim3A_664 : vector<16xi32>
      %jit3A_666 = arith.constant 1.000000e+00 : f32
      %jit3A_667 = arith.constant 0.000000e+00 : f32
      %broadcast_in_dim3A_668 = vector.broadcast %jit3A_666 : f32 to vector<16xf32>
      %broadcast_in_dim3A_669 = vector.broadcast %jit3A_667 : f32 to vector<16xf32>
      %select_n3A_670 = arith.select %eq3A_665, %broadcast_in_dim3A_668, %broadcast_in_dim3A_669 : vector<16xi1>, vector<16xf32>
      %eq3A_671 = arith.cmpi eq, %select_n3A_501, %broadcast_in_dim3A_664 : vector<16xi32>
      %jit3A_672 = arith.constant 1.000000e+00 : f32
      %jit3A_673 = arith.constant 0.000000e+00 : f32
      %broadcast_in_dim3A_674 = vector.broadcast %jit3A_672 : f32 to vector<16xf32>
      %broadcast_in_dim3A_675 = vector.broadcast %jit3A_673 : f32 to vector<16xf32>
      %select_n3A_676 = arith.select %eq3A_671, %broadcast_in_dim3A_674, %broadcast_in_dim3A_675 : vector<16xi1>, vector<16xf32>
      %add3A_677 = arith.addf %select_n3A_670, %select_n3A_676 : vector<16xf32>
      %get3A_678 = arith.constant 5 : i32
      %get3A_679 = arith.index_cast %get3A_678 : i32 to index
      %get3A_680 = arith.constant 0 : index
      %get3A_681 = tpu.vector_load %arg13[%get3A_679, %get3A_680] {strides = array<i32>} : memref<16x16xf32, #tpu.memory_space<vmem>>, vector<1x16xf32>,
      %get3A_682 = vector.shape_cast %get3A_681 : vector<1x16xf32> to vector<16xf32>
      %add3A_683 = arith.addf %get3A_682, %add3A_677 : vector<16xf32>
      %swap3A_684 = arith.constant 5 : i32
      %swap3A_685 = arith.index_cast %swap3A_684 : i32 to index
      %swap3A_686 = arith.constant 0 : index
      %swap3A_687 = tpu.vector_load %arg13[%swap3A_685, %swap3A_686] {strides = array<i32>} : memref<16x16xf32, #tpu.memory_space<vmem>>, vector<1x16xf32>,
      %swap3A_688 = vector.shape_cast %swap3A_687 : vector<1x16xf32> to vector<16xf32>
      %swap3A_689 = vector.shape_cast %add3A_683 : vector<16xf32> to vector<1x16xf32>
      tpu.vector_store %arg13[%swap3A_685, %swap3A_686], %swap3A_689 {strides = array<i32>} : memref<16x16xf32, #tpu.memory_space<vmem>>, vector<1x16xf32>,
      %broadcast_in_dim3A_690 = arith.constant 6 : i32
      %broadcast_in_dim3A_691 = vector.broadcast %broadcast_in_dim3A_690 : i32 to vector<16xi32>
      %eq3A_692 = arith.cmpi eq, %select_n3A_503, %broadcast_in_dim3A_691 : vector<16xi32>
      %jit3A_693 = arith.constant 1.000000e+00 : f32
      %jit3A_694 = arith.constant 0.000000e+00 : f32
      %broadcast_in_dim3A_695 = vector.broadcast %jit3A_693 : f32 to vector<16xf32>
      %broadcast_in_dim3A_696 = vector.broadcast %jit3A_694 : f32 to vector<16xf32>
      %select_n3A_697 = arith.select %eq3A_692, %broadcast_in_dim3A_695, %broadcast_in_dim3A_696 : vector<16xi1>, vector<16xf32>
      %eq3A_698 = arith.cmpi eq, %select_n3A_501, %broadcast_in_dim3A_691 : vector<16xi32>
      %jit3A_699 = arith.constant 1.000000e+00 : f32
      %jit3A_700 = arith.constant 0.000000e+00 : f32
      %broadcast_in_dim3A_701 = vector.broadcast %jit3A_699 : f32 to vector<16xf32>
      %broadcast_in_dim3A_702 = vector.broadcast %jit3A_700 : f32 to vector<16xf32>
      %select_n3A_703 = arith.select %eq3A_698, %broadcast_in_dim3A_701, %broadcast_in_dim3A_702 : vector<16xi1>, vector<16xf32>
      %add3A_704 = arith.addf %select_n3A_697, %select_n3A_703 : vector<16xf32>
      %get3A_705 = arith.constant 6 : i32
      %get3A_706 = arith.index_cast %get3A_705 : i32 to index
      %get3A_707 = arith.constant 0 : index
      %get3A_708 = tpu.vector_load %arg13[%get3A_706, %get3A_707] {strides = array<i32>} : memref<16x16xf32, #tpu.memory_space<vmem>>, vector<1x16xf32>,
      %get3A_709 = vector.shape_cast %get3A_708 : vector<1x16xf32> to vector<16xf32>
      %add3A_710 = arith.addf %get3A_709, %add3A_704 : vector<16xf32>
      %swap3A_711 = arith.constant 6 : i32
      %swap3A_712 = arith.index_cast %swap3A_711 : i32 to index
      %swap3A_713 = arith.constant 0 : index
      %swap3A_714 = tpu.vector_load %arg13[%swap3A_712, %swap3A_713] {strides = array<i32>} : memref<16x16xf32, #tpu.memory_space<vmem>>, vector<1x16xf32>,
      %swap3A_715 = vector.shape_cast %swap3A_714 : vector<1x16xf32> to vector<16xf32>
      %swap3A_716 = vector.shape_cast %add3A_710 : vector<16xf32> to vector<1x16xf32>
      tpu.vector_store %arg13[%swap3A_712, %swap3A_713], %swap3A_716 {strides = array<i32>} : memref<16x16xf32, #tpu.memory_space<vmem>>, vector<1x16xf32>,
      %broadcast_in_dim3A_717 = arith.constant 7 : i32
      %broadcast_in_dim3A_718 = vector.broadcast %broadcast_in_dim3A_717 : i32 to vector<16xi32>
      %eq3A_719 = arith.cmpi eq, %select_n3A_503, %broadcast_in_dim3A_718 : vector<16xi32>
      %jit3A_720 = arith.constant 1.000000e+00 : f32
      %jit3A_721 = arith.constant 0.000000e+00 : f32
      %broadcast_in_dim3A_722 = vector.broadcast %jit3A_720 : f32 to vector<16xf32>
      %broadcast_in_dim3A_723 = vector.broadcast %jit3A_721 : f32 to vector<16xf32>
      %select_n3A_724 = arith.select %eq3A_719, %broadcast_in_dim3A_722, %broadcast_in_dim3A_723 : vector<16xi1>, vector<16xf32>
      %eq3A_725 = arith.cmpi eq, %select_n3A_501, %broadcast_in_dim3A_718 : vector<16xi32>
      %jit3A_726 = arith.constant 1.000000e+00 : f32
      %jit3A_727 = arith.constant 0.000000e+00 : f32
      %broadcast_in_dim3A_728 = vector.broadcast %jit3A_726 : f32 to vector<16xf32>
      %broadcast_in_dim3A_729 = vector.broadcast %jit3A_727 : f32 to vector<16xf32>
      %select_n3A_730 = arith.select %eq3A_725, %broadcast_in_dim3A_728, %broadcast_in_dim3A_729 : vector<16xi1>, vector<16xf32>
      %add3A_731 = arith.addf %select_n3A_724, %select_n3A_730 : vector<16xf32>
      %get3A_732 = arith.constant 7 : i32
      %get3A_733 = arith.index_cast %get3A_732 : i32 to index
      %get3A_734 = arith.constant 0 : index
      %get3A_735 = tpu.vector_load %arg13[%get3A_733, %get3A_734] {strides = array<i32>} : memref<16x16xf32, #tpu.memory_space<vmem>>, vector<1x16xf32>,
      %get3A_736 = vector.shape_cast %get3A_735 : vector<1x16xf32> to vector<16xf32>
      %add3A_737 = arith.addf %get3A_736, %add3A_731 : vector<16xf32>
      %swap3A_738 = arith.constant 7 : i32
      %swap3A_739 = arith.index_cast %swap3A_738 : i32 to index
      %swap3A_740 = arith.constant 0 : index
      %swap3A_741 = tpu.vector_load %arg13[%swap3A_739, %swap3A_740] {strides = array<i32>} : memref<16x16xf32, #tpu.memory_space<vmem>>, vector<1x16xf32>,
      %swap3A_742 = vector.shape_cast %swap3A_741 : vector<1x16xf32> to vector<16xf32>
      %swap3A_743 = vector.shape_cast %add3A_737 : vector<16xf32> to vector<1x16xf32>
      tpu.vector_store %arg13[%swap3A_739, %swap3A_740], %swap3A_743 {strides = array<i32>} : memref<16x16xf32, #tpu.memory_space<vmem>>, vector<1x16xf32>,
      %broadcast_in_dim3A_744 = arith.constant 8 : i32
      %broadcast_in_dim3A_745 = vector.broadcast %broadcast_in_dim3A_744 : i32 to vector<16xi32>
      %eq3A_746 = arith.cmpi eq, %select_n3A_503, %broadcast_in_dim3A_745 : vector<16xi32>
      %jit3A_747 = arith.constant 1.000000e+00 : f32
      %jit3A_748 = arith.constant 0.000000e+00 : f32
      %broadcast_in_dim3A_749 = vector.broadcast %jit3A_747 : f32 to vector<16xf32>
      %broadcast_in_dim3A_750 = vector.broadcast %jit3A_748 : f32 to vector<16xf32>
      %select_n3A_751 = arith.select %eq3A_746, %broadcast_in_dim3A_749, %broadcast_in_dim3A_750 : vector<16xi1>, vector<16xf32>
      %eq3A_752 = arith.cmpi eq, %select_n3A_501, %broadcast_in_dim3A_745 : vector<16xi32>
      %jit3A_753 = arith.constant 1.000000e+00 : f32
      %jit3A_754 = arith.constant 0.000000e+00 : f32
      %broadcast_in_dim3A_755 = vector.broadcast %jit3A_753 : f32 to vector<16xf32>
      %broadcast_in_dim3A_756 = vector.broadcast %jit3A_754 : f32 to vector<16xf32>
      %select_n3A_757 = arith.select %eq3A_752, %broadcast_in_dim3A_755, %broadcast_in_dim3A_756 : vector<16xi1>, vector<16xf32>
      %add3A_758 = arith.addf %select_n3A_751, %select_n3A_757 : vector<16xf32>
      %get3A_759 = arith.constant 8 : i32
      %get3A_760 = arith.index_cast %get3A_759 : i32 to index
      %get3A_761 = arith.constant 0 : index
      %get3A_762 = tpu.vector_load %arg13[%get3A_760, %get3A_761] {strides = array<i32>} : memref<16x16xf32, #tpu.memory_space<vmem>>, vector<1x16xf32>,
      %get3A_763 = vector.shape_cast %get3A_762 : vector<1x16xf32> to vector<16xf32>
      %add3A_764 = arith.addf %get3A_763, %add3A_758 : vector<16xf32>
      %swap3A_765 = arith.constant 8 : i32
      %swap3A_766 = arith.index_cast %swap3A_765 : i32 to index
      %swap3A_767 = arith.constant 0 : index
      %swap3A_768 = tpu.vector_load %arg13[%swap3A_766, %swap3A_767] {strides = array<i32>} : memref<16x16xf32, #tpu.memory_space<vmem>>, vector<1x16xf32>,
      %swap3A_769 = vector.shape_cast %swap3A_768 : vector<1x16xf32> to vector<16xf32>
      %swap3A_770 = vector.shape_cast %add3A_764 : vector<16xf32> to vector<1x16xf32>
      tpu.vector_store %arg13[%swap3A_766, %swap3A_767], %swap3A_770 {strides = array<i32>} : memref<16x16xf32, #tpu.memory_space<vmem>>, vector<1x16xf32>,
      %broadcast_in_dim3A_771 = arith.constant 9 : i32
      %broadcast_in_dim3A_772 = vector.broadcast %broadcast_in_dim3A_771 : i32 to vector<16xi32>
      %eq3A_773 = arith.cmpi eq, %select_n3A_503, %broadcast_in_dim3A_772 : vector<16xi32>
      %jit3A_774 = arith.constant 1.000000e+00 : f32
      %jit3A_775 = arith.constant 0.000000e+00 : f32
      %broadcast_in_dim3A_776 = vector.broadcast %jit3A_774 : f32 to vector<16xf32>
      %broadcast_in_dim3A_777 = vector.broadcast %jit3A_775 : f32 to vector<16xf32>
      %select_n3A_778 = arith.select %eq3A_773, %broadcast_in_dim3A_776, %broadcast_in_dim3A_777 : vector<16xi1>, vector<16xf32>
      %eq3A_779 = arith.cmpi eq, %select_n3A_501, %broadcast_in_dim3A_772 : vector<16xi32>
      %jit3A_780 = arith.constant 1.000000e+00 : f32
      %jit3A_781 = arith.constant 0.000000e+00 : f32
      %broadcast_in_dim3A_782 = vector.broadcast %jit3A_780 : f32 to vector<16xf32>
      %broadcast_in_dim3A_783 = vector.broadcast %jit3A_781 : f32 to vector<16xf32>
      %select_n3A_784 = arith.select %eq3A_779, %broadcast_in_dim3A_782, %broadcast_in_dim3A_783 : vector<16xi1>, vector<16xf32>
      %add3A_785 = arith.addf %select_n3A_778, %select_n3A_784 : vector<16xf32>
      %get3A_786 = arith.constant 9 : i32
      %get3A_787 = arith.index_cast %get3A_786 : i32 to index
      %get3A_788 = arith.constant 0 : index
      %get3A_789 = tpu.vector_load %arg13[%get3A_787, %get3A_788] {strides = array<i32>} : memref<16x16xf32, #tpu.memory_space<vmem>>, vector<1x16xf32>,
      %get3A_790 = vector.shape_cast %get3A_789 : vector<1x16xf32> to vector<16xf32>
      %add3A_791 = arith.addf %get3A_790, %add3A_785 : vector<16xf32>
      %swap3A_792 = arith.constant 9 : i32
      %swap3A_793 = arith.index_cast %swap3A_792 : i32 to index
      %swap3A_794 = arith.constant 0 : index
      %swap3A_795 = tpu.vector_load %arg13[%swap3A_793, %swap3A_794] {strides = array<i32>} : memref<16x16xf32, #tpu.memory_space<vmem>>, vector<1x16xf32>,
      %swap3A_796 = vector.shape_cast %swap3A_795 : vector<1x16xf32> to vector<16xf32>
      %swap3A_797 = vector.shape_cast %add3A_791 : vector<16xf32> to vector<1x16xf32>
      tpu.vector_store %arg13[%swap3A_793, %swap3A_794], %swap3A_797 {strides = array<i32>} : memref<16x16xf32, #tpu.memory_space<vmem>>, vector<1x16xf32>,
      %broadcast_in_dim3A_798 = arith.constant 10 : i32
      %broadcast_in_dim3A_799 = vector.broadcast %broadcast_in_dim3A_798 : i32 to vector<16xi32>
      %eq3A_800 = arith.cmpi eq, %select_n3A_503, %broadcast_in_dim3A_799 : vector<16xi32>
      %jit3A_801 = arith.constant 1.000000e+00 : f32
      %jit3A_802 = arith.constant 0.000000e+00 : f32
      %broadcast_in_dim3A_803 = vector.broadcast %jit3A_801 : f32 to vector<16xf32>
      %broadcast_in_dim3A_804 = vector.broadcast %jit3A_802 : f32 to vector<16xf32>
      %select_n3A_805 = arith.select %eq3A_800, %broadcast_in_dim3A_803, %broadcast_in_dim3A_804 : vector<16xi1>, vector<16xf32>
      %eq3A_806 = arith.cmpi eq, %select_n3A_501, %broadcast_in_dim3A_799 : vector<16xi32>
      %jit3A_807 = arith.constant 1.000000e+00 : f32
      %jit3A_808 = arith.constant 0.000000e+00 : f32
      %broadcast_in_dim3A_809 = vector.broadcast %jit3A_807 : f32 to vector<16xf32>
      %broadcast_in_dim3A_810 = vector.broadcast %jit3A_808 : f32 to vector<16xf32>
      %select_n3A_811 = arith.select %eq3A_806, %broadcast_in_dim3A_809, %broadcast_in_dim3A_810 : vector<16xi1>, vector<16xf32>
      %add3A_812 = arith.addf %select_n3A_805, %select_n3A_811 : vector<16xf32>
      %get3A_813 = arith.constant 10 : i32
      %get3A_814 = arith.index_cast %get3A_813 : i32 to index
      %get3A_815 = arith.constant 0 : index
      %get3A_816 = tpu.vector_load %arg13[%get3A_814, %get3A_815] {strides = array<i32>} : memref<16x16xf32, #tpu.memory_space<vmem>>, vector<1x16xf32>,
      %get3A_817 = vector.shape_cast %get3A_816 : vector<1x16xf32> to vector<16xf32>
      %add3A_818 = arith.addf %get3A_817, %add3A_812 : vector<16xf32>
      %swap3A_819 = arith.constant 10 : i32
      %swap3A_820 = arith.index_cast %swap3A_819 : i32 to index
      %swap3A_821 = arith.constant 0 : index
      %swap3A_822 = tpu.vector_load %arg13[%swap3A_820, %swap3A_821] {strides = array<i32>} : memref<16x16xf32, #tpu.memory_space<vmem>>, vector<1x16xf32>,
      %swap3A_823 = vector.shape_cast %swap3A_822 : vector<1x16xf32> to vector<16xf32>
      %swap3A_824 = vector.shape_cast %add3A_818 : vector<16xf32> to vector<1x16xf32>
      tpu.vector_store %arg13[%swap3A_820, %swap3A_821], %swap3A_824 {strides = array<i32>} : memref<16x16xf32, #tpu.memory_space<vmem>>, vector<1x16xf32>,
      %broadcast_in_dim3A_825 = arith.constant 11 : i32
      %broadcast_in_dim3A_826 = vector.broadcast %broadcast_in_dim3A_825 : i32 to vector<16xi32>
      %eq3A_827 = arith.cmpi eq, %select_n3A_503, %broadcast_in_dim3A_826 : vector<16xi32>
      %jit3A_828 = arith.constant 1.000000e+00 : f32
      %jit3A_829 = arith.constant 0.000000e+00 : f32
      %broadcast_in_dim3A_830 = vector.broadcast %jit3A_828 : f32 to vector<16xf32>
      %broadcast_in_dim3A_831 = vector.broadcast %jit3A_829 : f32 to vector<16xf32>
      %select_n3A_832 = arith.select %eq3A_827, %broadcast_in_dim3A_830, %broadcast_in_dim3A_831 : vector<16xi1>, vector<16xf32>
      %eq3A_833 = arith.cmpi eq, %select_n3A_501, %broadcast_in_dim3A_826 : vector<16xi32>
      %jit3A_834 = arith.constant 1.000000e+00 : f32
      %jit3A_835 = arith.constant 0.000000e+00 : f32
      %broadcast_in_dim3A_836 = vector.broadcast %jit3A_834 : f32 to vector<16xf32>
      %broadcast_in_dim3A_837 = vector.broadcast %jit3A_835 : f32 to vector<16xf32>
      %select_n3A_838 = arith.select %eq3A_833, %broadcast_in_dim3A_836, %broadcast_in_dim3A_837 : vector<16xi1>, vector<16xf32>
      %add3A_839 = arith.addf %select_n3A_832, %select_n3A_838 : vector<16xf32>
      %get3A_840 = arith.constant 11 : i32
      %get3A_841 = arith.index_cast %get3A_840 : i32 to index
      %get3A_842 = arith.constant 0 : index
      %get3A_843 = tpu.vector_load %arg13[%get3A_841, %get3A_842] {strides = array<i32>} : memref<16x16xf32, #tpu.memory_space<vmem>>, vector<1x16xf32>,
      %get3A_844 = vector.shape_cast %get3A_843 : vector<1x16xf32> to vector<16xf32>
      %add3A_845 = arith.addf %get3A_844, %add3A_839 : vector<16xf32>
      %swap3A_846 = arith.constant 11 : i32
      %swap3A_847 = arith.index_cast %swap3A_846 : i32 to index
      %swap3A_848 = arith.constant 0 : index
      %swap3A_849 = tpu.vector_load %arg13[%swap3A_847, %swap3A_848] {strides = array<i32>} : memref<16x16xf32, #tpu.memory_space<vmem>>, vector<1x16xf32>,
      %swap3A_850 = vector.shape_cast %swap3A_849 : vector<1x16xf32> to vector<16xf32>
      %swap3A_851 = vector.shape_cast %add3A_845 : vector<16xf32> to vector<1x16xf32>
      tpu.vector_store %arg13[%swap3A_847, %swap3A_848], %swap3A_851 {strides = array<i32>} : memref<16x16xf32, #tpu.memory_space<vmem>>, vector<1x16xf32>,
      %broadcast_in_dim3A_852 = arith.constant 12 : i32
      %broadcast_in_dim3A_853 = vector.broadcast %broadcast_in_dim3A_852 : i32 to vector<16xi32>
      %eq3A_854 = arith.cmpi eq, %select_n3A_503, %broadcast_in_dim3A_853 : vector<16xi32>
      %jit3A_855 = arith.constant 1.000000e+00 : f32
      %jit3A_856 = arith.constant 0.000000e+00 : f32
      %broadcast_in_dim3A_857 = vector.broadcast %jit3A_855 : f32 to vector<16xf32>
      %broadcast_in_dim3A_858 = vector.broadcast %jit3A_856 : f32 to vector<16xf32>
      %select_n3A_859 = arith.select %eq3A_854, %broadcast_in_dim3A_857, %broadcast_in_dim3A_858 : vector<16xi1>, vector<16xf32>
      %eq3A_860 = arith.cmpi eq, %select_n3A_501, %broadcast_in_dim3A_853 : vector<16xi32>
      %jit3A_861 = arith.constant 1.000000e+00 : f32
      %jit3A_862 = arith.constant 0.000000e+00 : f32
      %broadcast_in_dim3A_863 = vector.broadcast %jit3A_861 : f32 to vector<16xf32>
      %broadcast_in_dim3A_864 = vector.broadcast %jit3A_862 : f32 to vector<16xf32>
      %select_n3A_865 = arith.select %eq3A_860, %broadcast_in_dim3A_863, %broadcast_in_dim3A_864 : vector<16xi1>, vector<16xf32>
      %add3A_866 = arith.addf %select_n3A_859, %select_n3A_865 : vector<16xf32>
      %get3A_867 = arith.constant 12 : i32
      %get3A_868 = arith.index_cast %get3A_867 : i32 to index
      %get3A_869 = arith.constant 0 : index
      %get3A_870 = tpu.vector_load %arg13[%get3A_868, %get3A_869] {strides = array<i32>} : memref<16x16xf32, #tpu.memory_space<vmem>>, vector<1x16xf32>,
      %get3A_871 = vector.shape_cast %get3A_870 : vector<1x16xf32> to vector<16xf32>
      %add3A_872 = arith.addf %get3A_871, %add3A_866 : vector<16xf32>
      %swap3A_873 = arith.constant 12 : i32
      %swap3A_874 = arith.index_cast %swap3A_873 : i32 to index
      %swap3A_875 = arith.constant 0 : index
      %swap3A_876 = tpu.vector_load %arg13[%swap3A_874, %swap3A_875] {strides = array<i32>} : memref<16x16xf32, #tpu.memory_space<vmem>>, vector<1x16xf32>,
      %swap3A_877 = vector.shape_cast %swap3A_876 : vector<1x16xf32> to vector<16xf32>
      %swap3A_878 = vector.shape_cast %add3A_872 : vector<16xf32> to vector<1x16xf32>
      tpu.vector_store %arg13[%swap3A_874, %swap3A_875], %swap3A_878 {strides = array<i32>} : memref<16x16xf32, #tpu.memory_space<vmem>>, vector<1x16xf32>,
      %broadcast_in_dim3A_879 = arith.constant 13 : i32
      %broadcast_in_dim3A_880 = vector.broadcast %broadcast_in_dim3A_879 : i32 to vector<16xi32>
      %eq3A_881 = arith.cmpi eq, %select_n3A_503, %broadcast_in_dim3A_880 : vector<16xi32>
      %jit3A_882 = arith.constant 1.000000e+00 : f32
      %jit3A_883 = arith.constant 0.000000e+00 : f32
      %broadcast_in_dim3A_884 = vector.broadcast %jit3A_882 : f32 to vector<16xf32>
      %broadcast_in_dim3A_885 = vector.broadcast %jit3A_883 : f32 to vector<16xf32>
      %select_n3A_886 = arith.select %eq3A_881, %broadcast_in_dim3A_884, %broadcast_in_dim3A_885 : vector<16xi1>, vector<16xf32>
      %eq3A_887 = arith.cmpi eq, %select_n3A_501, %broadcast_in_dim3A_880 : vector<16xi32>
      %jit3A_888 = arith.constant 1.000000e+00 : f32
      %jit3A_889 = arith.constant 0.000000e+00 : f32
      %broadcast_in_dim3A_890 = vector.broadcast %jit3A_888 : f32 to vector<16xf32>
      %broadcast_in_dim3A_891 = vector.broadcast %jit3A_889 : f32 to vector<16xf32>
      %select_n3A_892 = arith.select %eq3A_887, %broadcast_in_dim3A_890, %broadcast_in_dim3A_891 : vector<16xi1>, vector<16xf32>
      %add3A_893 = arith.addf %select_n3A_886, %select_n3A_892 : vector<16xf32>
      %get3A_894 = arith.constant 13 : i32
      %get3A_895 = arith.index_cast %get3A_894 : i32 to index
      %get3A_896 = arith.constant 0 : index
      %get3A_897 = tpu.vector_load %arg13[%get3A_895, %get3A_896] {strides = array<i32>} : memref<16x16xf32, #tpu.memory_space<vmem>>, vector<1x16xf32>,
      %get3A_898 = vector.shape_cast %get3A_897 : vector<1x16xf32> to vector<16xf32>
      %add3A_899 = arith.addf %get3A_898, %add3A_893 : vector<16xf32>
      %swap3A_900 = arith.constant 13 : i32
      %swap3A_901 = arith.index_cast %swap3A_900 : i32 to index
      %swap3A_902 = arith.constant 0 : index
      %swap3A_903 = tpu.vector_load %arg13[%swap3A_901, %swap3A_902] {strides = array<i32>} : memref<16x16xf32, #tpu.memory_space<vmem>>, vector<1x16xf32>,
      %swap3A_904 = vector.shape_cast %swap3A_903 : vector<1x16xf32> to vector<16xf32>
      %swap3A_905 = vector.shape_cast %add3A_899 : vector<16xf32> to vector<1x16xf32>
      tpu.vector_store %arg13[%swap3A_901, %swap3A_902], %swap3A_905 {strides = array<i32>} : memref<16x16xf32, #tpu.memory_space<vmem>>, vector<1x16xf32>,
      %broadcast_in_dim3A_906 = arith.constant 14 : i32
      %broadcast_in_dim3A_907 = vector.broadcast %broadcast_in_dim3A_906 : i32 to vector<16xi32>
      %eq3A_908 = arith.cmpi eq, %select_n3A_503, %broadcast_in_dim3A_907 : vector<16xi32>
      %jit3A_909 = arith.constant 1.000000e+00 : f32
      %jit3A_910 = arith.constant 0.000000e+00 : f32
      %broadcast_in_dim3A_911 = vector.broadcast %jit3A_909 : f32 to vector<16xf32>
      %broadcast_in_dim3A_912 = vector.broadcast %jit3A_910 : f32 to vector<16xf32>
      %select_n3A_913 = arith.select %eq3A_908, %broadcast_in_dim3A_911, %broadcast_in_dim3A_912 : vector<16xi1>, vector<16xf32>
      %eq3A_914 = arith.cmpi eq, %select_n3A_501, %broadcast_in_dim3A_907 : vector<16xi32>
      %jit3A_915 = arith.constant 1.000000e+00 : f32
      %jit3A_916 = arith.constant 0.000000e+00 : f32
      %broadcast_in_dim3A_917 = vector.broadcast %jit3A_915 : f32 to vector<16xf32>
      %broadcast_in_dim3A_918 = vector.broadcast %jit3A_916 : f32 to vector<16xf32>
      %select_n3A_919 = arith.select %eq3A_914, %broadcast_in_dim3A_917, %broadcast_in_dim3A_918 : vector<16xi1>, vector<16xf32>
      %add3A_920 = arith.addf %select_n3A_913, %select_n3A_919 : vector<16xf32>
      %get3A_921 = arith.constant 14 : i32
      %get3A_922 = arith.index_cast %get3A_921 : i32 to index
      %get3A_923 = arith.constant 0 : index
      %get3A_924 = tpu.vector_load %arg13[%get3A_922, %get3A_923] {strides = array<i32>} : memref<16x16xf32, #tpu.memory_space<vmem>>, vector<1x16xf32>,
      %get3A_925 = vector.shape_cast %get3A_924 : vector<1x16xf32> to vector<16xf32>
      %add3A_926 = arith.addf %get3A_925, %add3A_920 : vector<16xf32>
      %swap3A_927 = arith.constant 14 : i32
      %swap3A_928 = arith.index_cast %swap3A_927 : i32 to index
      %swap3A_929 = arith.constant 0 : index
      %swap3A_930 = tpu.vector_load %arg13[%swap3A_928, %swap3A_929] {strides = array<i32>} : memref<16x16xf32, #tpu.memory_space<vmem>>, vector<1x16xf32>,
      %swap3A_931 = vector.shape_cast %swap3A_930 : vector<1x16xf32> to vector<16xf32>
      %swap3A_932 = vector.shape_cast %add3A_926 : vector<16xf32> to vector<1x16xf32>
      tpu.vector_store %arg13[%swap3A_928, %swap3A_929], %swap3A_932 {strides = array<i32>} : memref<16x16xf32, #tpu.memory_space<vmem>>, vector<1x16xf32>,
      %broadcast_in_dim3A_933 = arith.constant 15 : i32
      %broadcast_in_dim3A_934 = vector.broadcast %broadcast_in_dim3A_933 : i32 to vector<16xi32>
      %eq3A_935 = arith.cmpi eq, %select_n3A_503, %broadcast_in_dim3A_934 : vector<16xi32>
      %jit3A_936 = arith.constant 1.000000e+00 : f32
      %jit3A_937 = arith.constant 0.000000e+00 : f32
      %broadcast_in_dim3A_938 = vector.broadcast %jit3A_936 : f32 to vector<16xf32>
      %broadcast_in_dim3A_939 = vector.broadcast %jit3A_937 : f32 to vector<16xf32>
      %select_n3A_940 = arith.select %eq3A_935, %broadcast_in_dim3A_938, %broadcast_in_dim3A_939 : vector<16xi1>, vector<16xf32>
      %eq3A_941 = arith.cmpi eq, %select_n3A_501, %broadcast_in_dim3A_934 : vector<16xi32>
      %jit3A_942 = arith.constant 1.000000e+00 : f32
      %jit3A_943 = arith.constant 0.000000e+00 : f32
      %broadcast_in_dim3A_944 = vector.broadcast %jit3A_942 : f32 to vector<16xf32>
      %broadcast_in_dim3A_945 = vector.broadcast %jit3A_943 : f32 to vector<16xf32>
      %select_n3A_946 = arith.select %eq3A_941, %broadcast_in_dim3A_944, %broadcast_in_dim3A_945 : vector<16xi1>, vector<16xf32>
      %add3A_947 = arith.addf %select_n3A_940, %select_n3A_946 : vector<16xf32>
      %get3A_948 = arith.constant 15 : i32
      %get3A_949 = arith.index_cast %get3A_948 : i32 to index
      %get3A_950 = arith.constant 0 : index
      %get3A_951 = tpu.vector_load %arg13[%get3A_949, %get3A_950] {strides = array<i32>} : memref<16x16xf32, #tpu.memory_space<vmem>>, vector<1x16xf32>,
      %get3A_952 = vector.shape_cast %get3A_951 : vector<1x16xf32> to vector<16xf32>
      %add3A_953 = arith.addf %get3A_952, %add3A_947 : vector<16xf32>
      %swap3A_954 = arith.constant 15 : i32
      %swap3A_955 = arith.index_cast %swap3A_954 : i32 to index
      %swap3A_956 = arith.constant 0 : index
      %swap3A_957 = tpu.vector_load %arg13[%swap3A_955, %swap3A_956] {strides = array<i32>} : memref<16x16xf32, #tpu.memory_space<vmem>>, vector<1x16xf32>,
      %swap3A_958 = vector.shape_cast %swap3A_957 : vector<1x16xf32> to vector<16xf32>
      %swap3A_959 = vector.shape_cast %add3A_953 : vector<16xf32> to vector<1x16xf32>
      tpu.vector_store %arg13[%swap3A_955, %swap3A_956], %swap3A_959 {strides = array<i32>} : memref<16x16xf32, #tpu.memory_space<vmem>>, vector<1x16xf32>,
    }
    %scan3A_193 = arith.constant 16 : i32
    %dma_start3A_194 = tpu.memref_slice %arg3[%mul3A_2] : memref<16384xi32, #tpu.memory_space<hbm>> -> memref<512xi32, #tpu.memory_space<hbm>>
    %dma_start3A_195 = tpu.memref_slice %arg3[%mul3A_2] : memref<16384xi32, #tpu.memory_space<hbm>> -> memref<512xi32, #tpu.memory_space<hbm>>
    tpu.enqueue_dma source(%arg9 : memref<512xi32, #tpu.memory_space<vmem>>) target(%dma_start3A_195 : memref<512xi32, #tpu.memory_space<hbm>>) target_semaphore(%arg16 : memref<!tpu.dma_semaphore, #tpu.memory_space<semaphore_mem>>)
    %dma_start3A_196 = tpu.memref_slice %arg4[%mul3A_2] : memref<16384xi32, #tpu.memory_space<hbm>> -> memref<512xi32, #tpu.memory_space<hbm>>
    %dma_start3A_197 = tpu.memref_slice %arg4[%mul3A_2] : memref<16384xi32, #tpu.memory_space<hbm>> -> memref<512xi32, #tpu.memory_space<hbm>>
    tpu.enqueue_dma source(%arg10 : memref<512xi32, #tpu.memory_space<vmem>>) target(%dma_start3A_197 : memref<512xi32, #tpu.memory_space<hbm>>) target_semaphore(%arg16 : memref<!tpu.dma_semaphore, #tpu.memory_space<semaphore_mem>>)
    %dma_start3A_198 = tpu.memref_slice %arg5[%mul3A_2] : memref<16384xf32, #tpu.memory_space<hbm>> -> memref<512xf32, #tpu.memory_space<hbm>>
    %dma_start3A_199 = tpu.memref_slice %arg5[%mul3A_2] : memref<16384xf32, #tpu.memory_space<hbm>> -> memref<512xf32, #tpu.memory_space<hbm>>
    tpu.enqueue_dma source(%arg11 : memref<512xf32, #tpu.memory_space<vmem>>) target(%dma_start3A_199 : memref<512xf32, #tpu.memory_space<hbm>>) target_semaphore(%arg16 : memref<!tpu.dma_semaphore, #tpu.memory_space<semaphore_mem>>)
    %dma_start3A_200 = tpu.memref_slice %arg6[%mul3A_2] : memref<16384xf32, #tpu.memory_space<hbm>> -> memref<512xf32, #tpu.memory_space<hbm>>
    %dma_start3A_201 = tpu.memref_slice %arg6[%mul3A_2] : memref<16384xf32, #tpu.memory_space<hbm>> -> memref<512xf32, #tpu.memory_space<hbm>>
    tpu.enqueue_dma source(%arg12 : memref<512xf32, #tpu.memory_space<vmem>>) target(%dma_start3A_201 : memref<512xf32, #tpu.memory_space<hbm>>) target_semaphore(%arg16 : memref<!tpu.dma_semaphore, #tpu.memory_space<semaphore_mem>>)
    %dma_start3A_202 = arith.constant 0 : i32
    %dma_start3A_203 = arith.constant 0 : i32
    %dma_start3A_204 = tpu.memref_slice %arg7[%add3A, %dma_start3A_202, %dma_start3A_203] : memref<32x16x16xf32, #tpu.memory_space<hbm>> -> memref<1x16x16xf32, #tpu.memory_space<hbm>>
    %dma_start3A_205 = tpu.memref_squeeze %dma_start3A_204 : memref<1x16x16xf32, #tpu.memory_space<hbm>> -> memref<16x16xf32, #tpu.memory_space<hbm>>
    %dma_start3A_206 = arith.constant 0 : i32
    %dma_start3A_207 = arith.constant 0 : i32
    %dma_start3A_208 = tpu.memref_slice %arg7[%add3A, %dma_start3A_206, %dma_start3A_207] : memref<32x16x16xf32, #tpu.memory_space<hbm>> -> memref<1x16x16xf32, #tpu.memory_space<hbm>>
    %dma_start3A_209 = tpu.memref_squeeze %dma_start3A_208 : memref<1x16x16xf32, #tpu.memory_space<hbm>> -> memref<16x16xf32, #tpu.memory_space<hbm>>
    tpu.enqueue_dma source(%arg13 : memref<16x16xf32, #tpu.memory_space<vmem>>) target(%dma_start3A_209 : memref<16x16xf32, #tpu.memory_space<hbm>>) target_semaphore(%arg16 : memref<!tpu.dma_semaphore, #tpu.memory_space<semaphore_mem>>)
    %dma_wait3A_210 = tpu.memref_slice %arg3[%mul3A_2] : memref<16384xi32, #tpu.memory_space<hbm>> -> memref<512xi32, #tpu.memory_space<hbm>>
    %dma_wait3A_211 = tpu.memref_slice %arg3[%mul3A_2] : memref<16384xi32, #tpu.memory_space<hbm>> -> memref<512xi32, #tpu.memory_space<hbm>>
    tpu.wait_dma2 semaphore(%arg16 : memref<!tpu.dma_semaphore, #tpu.memory_space<semaphore_mem>>) src(%arg9 : memref<512xi32, #tpu.memory_space<vmem>>) dst(%dma_wait3A_211 : memref<512xi32, #tpu.memory_space<hbm>>)
    %dma_wait3A_212 = tpu.memref_slice %arg4[%mul3A_2] : memref<16384xi32, #tpu.memory_space<hbm>> -> memref<512xi32, #tpu.memory_space<hbm>>
    %dma_wait3A_213 = tpu.memref_slice %arg4[%mul3A_2] : memref<16384xi32, #tpu.memory_space<hbm>> -> memref<512xi32, #tpu.memory_space<hbm>>
    tpu.wait_dma2 semaphore(%arg16 : memref<!tpu.dma_semaphore, #tpu.memory_space<semaphore_mem>>) src(%arg10 : memref<512xi32, #tpu.memory_space<vmem>>) dst(%dma_wait3A_213 : memref<512xi32, #tpu.memory_space<hbm>>)
    %dma_wait3A_214 = tpu.memref_slice %arg5[%mul3A_2] : memref<16384xf32, #tpu.memory_space<hbm>> -> memref<512xf32, #tpu.memory_space<hbm>>
    %dma_wait3A_215 = tpu.memref_slice %arg5[%mul3A_2] : memref<16384xf32, #tpu.memory_space<hbm>> -> memref<512xf32, #tpu.memory_space<hbm>>
    tpu.wait_dma2 semaphore(%arg16 : memref<!tpu.dma_semaphore, #tpu.memory_space<semaphore_mem>>) src(%arg11 : memref<512xf32, #tpu.memory_space<vmem>>) dst(%dma_wait3A_215 : memref<512xf32, #tpu.memory_space<hbm>>)
    %dma_wait3A_216 = tpu.memref_slice %arg6[%mul3A_2] : memref<16384xf32, #tpu.memory_space<hbm>> -> memref<512xf32, #tpu.memory_space<hbm>>
    %dma_wait3A_217 = tpu.memref_slice %arg6[%mul3A_2] : memref<16384xf32, #tpu.memory_space<hbm>> -> memref<512xf32, #tpu.memory_space<hbm>>
    tpu.wait_dma2 semaphore(%arg16 : memref<!tpu.dma_semaphore, #tpu.memory_space<semaphore_mem>>) src(%arg12 : memref<512xf32, #tpu.memory_space<vmem>>) dst(%dma_wait3A_217 : memref<512xf32, #tpu.memory_space<hbm>>)
    %dma_wait3A_218 = arith.constant 0 : i32
    %dma_wait3A_219 = arith.constant 0 : i32
    %dma_wait3A_220 = tpu.memref_slice %arg7[%add3A, %dma_wait3A_218, %dma_wait3A_219] : memref<32x16x16xf32, #tpu.memory_space<hbm>> -> memref<1x16x16xf32, #tpu.memory_space<hbm>>
    %dma_wait3A_221 = tpu.memref_squeeze %dma_wait3A_220 : memref<1x16x16xf32, #tpu.memory_space<hbm>> -> memref<16x16xf32, #tpu.memory_space<hbm>>
    %dma_wait3A_222 = arith.constant 0 : i32
    %dma_wait3A_223 = arith.constant 0 : i32
    %dma_wait3A_224 = tpu.memref_slice %arg7[%add3A, %dma_wait3A_222, %dma_wait3A_223] : memref<32x16x16xf32, #tpu.memory_space<hbm>> -> memref<1x16x16xf32, #tpu.memory_space<hbm>>
    %dma_wait3A_225 = tpu.memref_squeeze %dma_wait3A_224 : memref<1x16x16xf32, #tpu.memory_space<hbm>> -> memref<16x16xf32, #tpu.memory_space<hbm>>
    tpu.wait_dma2 semaphore(%arg16 : memref<!tpu.dma_semaphore, #tpu.memory_space<semaphore_mem>>) src(%arg13 : memref<16x16xf32, #tpu.memory_space<vmem>>) dst(%dma_wait3A_225 : memref<16x16xf32, #tpu.memory_space<hbm>>)
    return
  }
}

module attributes {stable_mosaic.version = 14 : i64} {
  func.func @_logits_body(%arg0: i32, %arg1: memref<2048x2048xf32, #tpu.memory_space<vmem>>, %arg2: memref<16x2048xf32, #tpu.memory_space<vmem>>, %arg3: memref<16x8xf32, #tpu.memory_space<vmem>>, %arg4: memref<4x16x512xf32, #tpu.memory_space<vmem>>) attributes {dimension_semantics = [#tpu.dimension_semantics<arbitrary>], iteration_bounds = array<i64: 8>, scalar_prefetch = 0 : i64, scratch_operands = 0 : i64, tpu.core_type = #tpu.core_type<tc>, window_params = [{transform_indices = @transform_0, window_bounds = array<i64: 2048, 2048>}, {pipeline_mode = #tpu.pipeline_mode<synchronous>, transform_indices = @transform_1, window_bounds = array<i64: 16, 2048>}, {pipeline_mode = #tpu.pipeline_mode<synchronous>, transform_indices = @transform_2, window_bounds = array<i64: 16, 8>}, {transform_indices = @transform_3, window_bounds = array<i64: 4, 16, 512>}]} {
    %get3A = arith.constant 0 : index
    %get3A_0 = arith.constant 0 : index
    %get3A_1 = vector.load %arg2[%get3A, %get3A_0] : memref<16x2048xf32, #tpu.memory_space<vmem>>, vector<16x2048xf32>
    %get3A_2 = arith.constant 0 : index
    %get3A_3 = arith.constant 0 : index
    %get3A_4 = vector.load %arg1[%get3A_2, %get3A_3] : memref<2048x2048xf32, #tpu.memory_space<vmem>>, vector<2048x2048xf32>
    %dot_general3A = arith.constant dense<0.000000e+00> : vector<16x2048xf32>
    %dot_general3A_5 = tpu.matmul %get3A_1, %get3A_4, %dot_general3A {dimension_numbers = #tpu.dot_dimension_numbers<[1], [1], [0], [0], [0, 0, 1, 0], [], []>, transpose_lhs_hint = false} : vector<16x2048xf32>, vector<2048x2048xf32>, vector<16x2048xf32> -> vector<16x2048xf32>
    %get3A_6 = arith.constant 0 : index
    %get3A_7 = arith.constant 0 : index
    %get3A_8 = vector.load %arg3[%get3A_6, %get3A_7] : memref<16x8xf32, #tpu.memory_space<vmem>>, vector<16x1xf32>
    %add3A = vector.broadcast %get3A_8 : vector<16x1xf32> to vector<16x2048xf32>
    %add3A_9 = arith.addf %dot_general3A_5, %add3A : vector<16x2048xf32>
    %slice3A = vector.extract_strided_slice %add3A_9 {offsets = [0, 0], sizes = [16, 512], strides = [1, 1]} : vector<16x2048xf32> to vector<16x512xf32>
    %swap3A = arith.constant 0 : index
    %swap3A_10 = arith.constant 0 : index
    %swap3A_11 = arith.constant 0 : index
    %swap3A_12 = vector.load %arg4[%swap3A, %swap3A_10, %swap3A_11] : memref<4x16x512xf32, #tpu.memory_space<vmem>>, vector<1x16x512xf32>
    %swap3A_13 = vector.shape_cast %swap3A_12 : vector<1x16x512xf32> to vector<16x512xf32>
    %swap3A_14 = vector.shape_cast %slice3A : vector<16x512xf32> to vector<1x16x512xf32>
    tpu.vector_store %arg4[%swap3A, %swap3A_10, %swap3A_11], %swap3A_14 {strides = array<i32>} : memref<4x16x512xf32, #tpu.memory_space<vmem>>, vector<1x16x512xf32>,
    %slice3A_15 = vector.extract_strided_slice %add3A_9 {offsets = [0, 512], sizes = [16, 512], strides = [1, 1]} : vector<16x2048xf32> to vector<16x512xf32>
    %swap3A_16 = arith.constant 1 : index
    %swap3A_17 = arith.constant 0 : index
    %swap3A_18 = arith.constant 0 : index
    %swap3A_19 = vector.load %arg4[%swap3A_16, %swap3A_17, %swap3A_18] : memref<4x16x512xf32, #tpu.memory_space<vmem>>, vector<1x16x512xf32>
    %swap3A_20 = vector.shape_cast %swap3A_19 : vector<1x16x512xf32> to vector<16x512xf32>
    %swap3A_21 = vector.shape_cast %slice3A_15 : vector<16x512xf32> to vector<1x16x512xf32>
    tpu.vector_store %arg4[%swap3A_16, %swap3A_17, %swap3A_18], %swap3A_21 {strides = array<i32>} : memref<4x16x512xf32, #tpu.memory_space<vmem>>, vector<1x16x512xf32>,
    %slice3A_22 = vector.extract_strided_slice %add3A_9 {offsets = [0, 1024], sizes = [16, 512], strides = [1, 1]} : vector<16x2048xf32> to vector<16x512xf32>
    %swap3A_23 = arith.constant 2 : index
    %swap3A_24 = arith.constant 0 : index
    %swap3A_25 = arith.constant 0 : index
    %swap3A_26 = vector.load %arg4[%swap3A_23, %swap3A_24, %swap3A_25] : memref<4x16x512xf32, #tpu.memory_space<vmem>>, vector<1x16x512xf32>
    %swap3A_27 = vector.shape_cast %swap3A_26 : vector<1x16x512xf32> to vector<16x512xf32>
    %swap3A_28 = vector.shape_cast %slice3A_22 : vector<16x512xf32> to vector<1x16x512xf32>
    tpu.vector_store %arg4[%swap3A_23, %swap3A_24, %swap3A_25], %swap3A_28 {strides = array<i32>} : memref<4x16x512xf32, #tpu.memory_space<vmem>>, vector<1x16x512xf32>,
    %slice3A_29 = vector.extract_strided_slice %add3A_9 {offsets = [0, 1536], sizes = [16, 512], strides = [1, 1]} : vector<16x2048xf32> to vector<16x512xf32>
    %swap3A_30 = arith.constant 3 : index
    %swap3A_31 = arith.constant 0 : index
    %swap3A_32 = arith.constant 0 : index
    %swap3A_33 = vector.load %arg4[%swap3A_30, %swap3A_31, %swap3A_32] : memref<4x16x512xf32, #tpu.memory_space<vmem>>, vector<1x16x512xf32>
    %swap3A_34 = vector.shape_cast %swap3A_33 : vector<1x16x512xf32> to vector<16x512xf32>
    %swap3A_35 = vector.shape_cast %slice3A_29 : vector<16x512xf32> to vector<1x16x512xf32>
    tpu.vector_store %arg4[%swap3A_30, %swap3A_31, %swap3A_32], %swap3A_35 {strides = array<i32>} : memref<4x16x512xf32, #tpu.memory_space<vmem>>, vector<1x16x512xf32>,
    return
  }
  func.func @transform_0(%arg0: i32) -> (i32, i32) {
    %c0_i32 = arith.constant 0 : i32
    %c0_i32_0 = arith.constant 0 : i32
    return %arg0, %c0_i32 : i32, i32
  }
  func.func @transform_1(%arg0: i32) -> (i32, i32) {
    %c0_i32 = arith.constant 0 : i32
    %c0_i32_0 = arith.constant 0 : i32
    %c0_i32_1 = arith.constant 0 : i32
    return %c0_i32, %c0_i32_0 : i32, i32
  }
  func.func @transform_2(%arg0: i32) -> (i32, i32) {
    %c0_i32 = arith.constant 0 : i32
    %c0_i32_0 = arith.constant 0 : i32
    %c0_i32_1 = arith.constant 0 : i32
    return %c0_i32, %c0_i32_0 : i32, i32
  }
  func.func @transform_3(%arg0: i32) -> (i32, i32, i32) {
    %c0_i32 = arith.constant 0 : i32
    %c0_i32_0 = arith.constant 0 : i32
    %c0_i32_1 = arith.constant 0 : i32
    return %arg0, %c0_i32, %c0_i32_0 : i32, i32, i32
  }
}

</mosaic_0001>

<sc_bundles>
// kernel: kernel.4.cloned.1.call-start
scs
__scs_entry_jumppad:
0x0: {  	(pc) =	sbr.rel $0x88, $3  }
0x1: {  	(tag) =	ssettag $0x0;
	lr =	simm.s32 $0x1  }
0x2: {  	[smem:$0x3F9E] =	sst lr;
	_ =	strace $0xD0000000  }
0x3: {  	_ = 	snop  }
0x4: {  	_ = 	snop  }
0x5: {  	_ = 	snop  }
0x6: {  	_ = 	snop  }
0x7: {  	_ = 	snop  }
__scs_overlays_trampoline_lowered:
0x8: {  	[smem:$0x3FAD] =	sst s0  }
0x9: {  	[smem:$0x3FAE] =	sst s1  }
0xa: {  	[smem:$0x3FAF] =	sst s2  }
0xb: {  	[smem:$0x3FB0] =	sst s3  }
0xc: {  	[smem:$0x3FB1] =	sst s4  }
0xd: {  	[smem:$0x3FB2] =	sst s5  }
0xe: {  	[smem:$0x3FB3] =	sst s6  }
0xf: {  	[smem:$0x3FB4] =	sst s7  }
0x10: {  	[smem:$0x3FB5] =	sst s8  }
0x11: {  	[smem:$0x3FB6] =	sst s9;
	s0 =	simm.s32 @!p0 $0x0  }
0x12: {  	s1 =	sld [smem:$0x3F9C];
	s0 =	simm.s32 @p0 $0x1  }
0x13: {  	[smem:$0x3FB7] =	sst s0;
	s0 =	simm.s32 @!p1 $0x0  }
0x14: {  	s2 =	sld [smem:$0x3F9B];
	s0 =	simm.s32 @p1 $0x1  }
0x15: {  	[smem:$0x3FB8] =	sst s0;
	s0 =	simm.s32 @!p2 $0x0  }
0x16: {  	s3 =	sld [smem:$0x3FDB];
	s0 =	simm.s32 @p2 $0x1  }
0x17: {  	s4 =	simm.s32 $0x1BF5;
	[smem:$0x3FBA] =	sst s0  }
0x18: {  	s0 =	sld [smem:$0x3F9D];
	_ =	swait.ge [sflag:s4], $0x0  }
0x19: {  	s7 =	sld [smem:$0x3F9E]  }
0x1a: {  	s8 =	sadd.s32 $0xFFFFE003, lr  }
0x1b: {  	s9 =	sadd.s32 $0xFFFFFEF7, lr;
	s5 =	simm.s32 $0xFFFFFFFF;
	p2 =	slt.u32 s8, $0xFFFFF086  }
0x1c: {  	p1 =	slt.u32 s9, $0xF7A;
	s5 =	simm.s32 @!p2 $0x0  }
0x1d: {  	s5 =	simm.s32 @p1 $0x1;
	p0 =	seq.s32 s7, s2  }
0x1e: {  	s7 =	smul.u32 @!p0 $0xF7A, s2;
	p2 =	seq.s32 @!p0 s5, $0x0  }
0x1f: {  	s9 =	smul.u32 $0xF7A, s1;
	s8 =	simm.s32 @!p0 $0x1BF5;
	p2 =	por !p2, p0  }
0x20: {  	[sflag:s8] =	ssyncset.s32 @!p0 $0xFFFFF086;
	s6 =	sadd.s32 @!p0 s3, s7;
	s7 =	simm.s32 @!p0 $0x108  }
0x21: {  	s3 =	sadd.s32 s3, s9;
	s6 =	sadd.s32 @!p0 $0x88, s6;
	s7 =	simm.s32 @p2 $0x1082  }
0x22: {  	[simem:s7], [sflag:s8] =	dma.local @!p0 [hbm:s6], $0xF7A  }
0x23: {  	s9 =	sor.u32 $0xD0000000, s2;
	s6 =	simm.s32 $0x108;
	_ =	swait.ge @!p0 [sflag:s8], $0x0  }
0x24: {  	s3 =	sadd.s32 $0x88, s3;
	s6 =	simm.s32 @!p1 $0x1082;
	[sflag:s4] =	ssyncset.s32 $0xFFFFF086  }
0x25: {  	[simem:s6], [sflag:s4] =	dma.local [hbm:s3], $0xF7A  }
0x26: {  	[smem:$0x3F9E] =	sst s1;
	(tag) =	ssettag s2;
	_ =	strace s9  }
0x27: {  	s1 =	sld [smem:$0x3FAE]  }
0x28: {  	s2 =	sld [smem:$0x3FAF]  }
0x29: {  	s4 =	sld [smem:$0x3FB1]  }
0x2a: {  	p0 =	seq.s32 s5, $0x0;
	s5 =	sld [smem:$0x3FB2]  }
0x2b: {  	s6 =	sld [smem:$0x3FB3]  }
0x2c: {  	s7 =	sld [smem:$0x3FB4]  }
0x2d: {  	s3 =	simm.s32 $0x108;
	s8 =	sld [smem:$0x3FB5]  }
0x2e: {  	s3 =	simm.s32 @!p0 $0x1082;
	s9 =	sld [smem:$0x3FB6]  }
0x2f: {  	lr =	sadd.s32 s0, s3;
	s0 =	sld [smem:$0x3FAD]  }
0x30: {  	s3 =	sld [smem:$0x3FB0]  }
0x31: {  	[smem:$0x3FB9] =	sst s10  }
0x32: {  	s10 =	sld [smem:$0x3FB7];
	_ =	sdelay $0x3  }
0x33: {  	p0 =	seq.s32 s10, $0x1;
	s10 =	sld [smem:$0x3FB9];
	_ =	sdelay $0x3  }
0x34: {  	[smem:$0x3FB9] =	sst s10  }
0x35: {  	s10 =	sld [smem:$0x3FB8];
	_ =	sdelay $0x3  }
0x36: {  	p1 =	seq.s32 s10, $0x1;
	s10 =	sld [smem:$0x3FB9];
	_ =	sdelay $0x3  }
0x37: {  	[smem:$0x3FB9] =	sst s10  }
0x38: {  	s10 =	sld [smem:$0x3FBA]  }
0x39: {  	_ = 	snop;
	(pc) =	sbr.ind lr, $3  }
0x3a: {  	_ = 	snop  }
0x3b: {  	_ = 	snop  }
0x3c: {  	p2 =	seq.s32 s10, $0x1;
	s10 =	sld [smem:$0x3FB9]  }
0x3d: {  	_ =	shalt  }
0x3e: {  	_ =	shalt  }
0x3f: {  	_ =	shalt  }
0x40: {  	_ =	shalt  }
0x41: {  	_ =	shalt  }
0x42: {  	_ =	shalt  }
0x43: {  	_ =	shalt  }
0x44: {  	_ =	shalt  }
0x45: {  	_ =	shalt  }
0x46: {  	_ =	shalt  }
0x47: {  	_ =	shalt  }
0x48: {  	_ =	shalt  }
0x49: {  	_ =	shalt  }
0x4a: {  	_ =	shalt  }
0x4b: {  	_ =	shalt  }
0x4c: {  	_ =	shalt  }
0x4d: {  	_ =	shalt  }
0x4e: {  	_ =	shalt  }
0x4f: {  	_ =	shalt  }
0x50: {  	_ =	shalt  }
0x51: {  	_ =	shalt  }
0x52: {  	_ =	shalt  }
0x53: {  	_ =	shalt  }
0x54: {  	_ =	shalt  }
0x55: {  	_ =	shalt  }
0x56: {  	_ =	shalt  }
0x57: {  	_ =	shalt  }
0x58: {  	_ =	shalt  }
0x59: {  	_ =	shalt  }
0x5a: {  	_ =	shalt  }
0x5b: {  	_ =	shalt  }
0x5c: {  	_ =	shalt  }
0x5d: {  	_ =	shalt  }
0x5e: {  	_ =	shalt  }
0x5f: {  	_ =	shalt  }
0x60: {  	_ =	shalt  }
0x61: {  	_ =	shalt  }
0x62: {  	_ =	shalt  }
0x63: {  	_ =	shalt  }
0x64: {  	_ =	shalt  }
0x65: {  	_ =	shalt  }
0x66: {  	_ =	shalt  }
0x67: {  	_ =	shalt  }
0x68: {  	_ =	shalt  }
0x69: {  	_ =	shalt  }
0x6a: {  	_ =	shalt  }
0x6b: {  	_ =	shalt  }
0x6c: {  	_ =	shalt  }
0x6d: {  	_ =	shalt  }
0x6e: {  	_ =	shalt  }
0x6f: {  	_ =	shalt  }
0x70: {  	_ =	shalt  }
0x71: {  	_ =	shalt  }
0x72: {  	_ =	shalt  }
0x73: {  	_ =	shalt  }
0x74: {  	_ =	shalt  }
0x75: {  	_ =	shalt  }
0x76: {  	_ =	shalt  }
0x77: {  	_ =	shalt  }
0x78: {  	_ =	shalt  }
0x79: {  	_ =	shalt  }
0x7a: {  	_ =	shalt  }
0x7b: {  	_ =	shalt  }
0x7c: {  	_ =	shalt  }
0x7d: {  	_ =	shalt  }
0x7e: {  	_ =	shalt  }
0x7f: {  	_ =	shalt  }
0x80: {  	_ =	shalt  }
0x81: {  	_ =	shalt  }
0x82: {  	_ =	shalt  }
0x83: {  	_ =	shalt  }
0x84: {  	_ =	shalt  }
0x85: {  	_ =	shalt  }
0x86: {  	_ =	shalt  }
0x87: {  	_ =	shalt  }
.Lfunc_end0:
.L_simem_size_0:
called_computation_lowered:
.L_overlay_start_0:
0x88: {  	s2 =	sld [smem:$0x3FD9]  }
0x89: {  	s3 =	sld [smem:$0x3FFE];
	_ =	sdelay $0x1  }
0x8a: {  	s1 =	srdreg.scid  }
0x8b: {  	s0 =	sand.u32 $0x1, s1  }
0x8c: {  	s14 =	sshll.u32 s0, $0xA;
	s2 =	sadd.s32 s3, s2  }
0x8d: {  	s2 =	sadd.s32 s2, s14  }
0x8e: {  	[smem:$0x3FC5] =	sst s2  }
0x8f: {  	_ = 	snop  }
0x90: {  	s2 =	sld [smem:$0x3FD0];
	_ =	sdelay $0x2  }
0x91: {  	s15 =	simm.s32 $0xA;
	s4 =	simm.s32 $0x10  }
0x92: {  	[smem:s4], [sflag:s15] =	dma.local [hbm:s2], $0x1  }
0x93: {  	_ =	swait.eq [sflag:s15], $0x1  }
0x94: {  	[sflag:s15] =	ssyncset.done $0x0  }
0x95: {  	[sflag:s15] =	ssyncadd.s32 $0xFFFFFFFF  }
0x96: {  	s16 =	sld [smem:$0x11];
	(tm) =	ssettm $0x1  }
0x97: {  	s17 =	sld [smem:$0x3FFB];
	_ =	sdelay $0x3  }
0x98: {  	_ =	strace s17  }
0x99: {  	s3 =	sld [smem:$0x3FFC];
	_ =	sdelay $0x3  }
0x9a: {  	_ =	strace s3  }
0x9b: {  	s3 =	sld [smem:$0x3FFD];
	_ =	sdelay $0x3  }
0x9c: {  	_ =	strace s3  }
0x9d: {  	_ =	strace $0x8FFFFFFF  }
0x9e: {  	s18 =	sld [smem:$0x3FDB];
	_ =	sdelay $0x1  }
0x9f: {  	s19 =	simm.s32 $_scs_section_size  }
0xa0: {  	s5 =	simm.s32 $_size__tile_overlayer_lowered;
	s6 =	simm.s32 $_tile_overlayer_lowered  }
0xa1: {  	s22 =	simm.s32 $0x1BFF;
	s21 =	sshll.u32 s6, $0x1;
	s3 =	sadd.s32 s19, s18  }
0xa2: {  	s7 =	simm.s32 $0x0;
	s20 =	sshll.u32 s5, $0x1;
	s5 =	sadd.s32 s21, s3  }
0xa3: {  	[timem:s7], [sflag:s22] =	dma.local [hbm:s5], s20  }
0xa4: {  	_ =	swait.ge [sflag:s22], s20  }
0xa5: {  	s4 =	ssub.s32 $0x0, s20;
	[sflag:s22] =	ssyncset.done $0x0  }
0xa6: {  	[sflag:s22] =	ssyncadd.s32 s4;
	_ =	sdelay $0x1  }
0xa7: {  	s23 =	simm.s32 $0x1B8B  }
0xa8: {  	_ =	swait.ge [sflag:s23], $0x1  }
0xa9: {  	[sflag:s23] =	ssyncset.done $0x0  }
0xaa: {  	s25 =	simm.s32 $0x1B8E;
	s24 =	sld [smem:$0x3FFE];
	[sflag:s23] =	ssyncadd.s32 $0xFFFFFFFF  }
0xab: {  	s26 =	simm.s32 $execute0_lowered;
	[smem:$0x3FD2] =	sst s25  }
0xac: {  	s5 =	sshll.u32 s26, $0x1;
	_ =	strace $0x80000046;
	[dreg:$0x1] =	wrdreg $0xFFFFFFFF  }
0xad: {  	s28 =	simm.s32 $_size_execute0_lowered;
	s3 =	sadd.s32 s3, s5;
	[dreg:$0x0] =	wrdreg $0x0  }
0xae: {  	s5 =	sshll.u32 s28, $0x1;
	[dreg:$0x2] =	wrdreg s3  }
0xaf: {  	[dreg:$0x3] =	wrdreg s5  }
0xb0: {  	[dreg:$0x4] =	wrdreg $0xC0  }
0xb1: {  	_ =	task [dreg:s7], $0x5FFFF  }
0xb2: {  	[dreg:$0x1] =	wrdreg $0xFFFFFFFF  }
0xb3: {  	[dreg:$0x0] =	wrdreg $0x60  }
0xb4: {  	[dreg:$0x2] =	wrdreg s24  }
0xb5: {  	[dreg:$0x3] =	wrdreg s16  }
0xb6: {  	[dreg:$0x4] =	wrdreg $0x9  }
0xb7: {  	_ =	task.clear_ibuf [dreg:s7], $0x5FFFF;
	_ =	strace $0x90000046  }
0xb8: {  	s29 =	simm.s32 $0x9;
	_ =	strace $0x80000048  }
0xb9: {  	_ =	swait.ge [sflag:s29], $0x1  }
0xba: {  	[sflag:s29] =	ssyncadd.s32 $0xFFFFFFFF  }
0xbb: {  	_ =	strace $0x90000048  }
0xbc: {  	_ =	sfence  }
0xbd: {  	s30 =	sld [smem:$0x0];
	_ =	sdelay $0x2  }
0xbe: {  	s31 =	sshll.u32 s1, $0xD;
	s1 =	sshrl.u32 s1, $0x2  }
0xbf: {  	s3 =	sand.u32 $0x4000, s31;
	s1 =	sadd.s32 s1, s30  }
0xc0: {  	s0 =	sor.u32 s3, s0;
	s1 =	sshll.u32 s1, $0x11  }
0xc1: {  	s0 =	sor.u32 s1, s0  }
0xc2: {  	s0 =	sadd.s32 $0x8F2B, s0  }
0xc3: {  	[sflag:s0] =	ssyncadd.remote.s32 $0x1  }
0xc4: {  	_ =	sfence.sel $0xFFFF  }
0xc5: {  	[dreg:$0x0] =	wrdreg $0xFFFFFFFF;
	(pc) =	sbr.abs _section_cstart, $3  }
0xc6: {  	[dreg:$0x1] =	wrdreg $0xFFFFFFFF  }
0xc7: {  	_ =	task.clear_ibuf [dreg:s7], $0x2FFFF;
	_ =	strace $0x9FFFFFFF  }
0xc8: {  	(tm) =	ssettm $0x7FFFFFFF  }
0xc9: {  	_ =	shalt  }
tec
execute0_lowered:
.L_overlay_start_1:
0x0: {  	(tag) =	ssettag $0x1  }
0x1: {  	s1 =	rddreg [dreg:$0x0];
	s2 =	srdreg.scid  }
0x2: {  	s0 =	stileid.u32;
	s5 =	rddreg [dreg:$0x1]  }
0x3: {  	s13 =	simm.s32 $0x1000;
	s14 =	simm.s32 $0x800;
	s15 =	simm.s32 $0x1800  }
0x4: {  	s16 =	simm.s32 $0x1;
	s17 =	simm.s32 $0x2;
	s18 =	simm.s32 $0x2000  }
0x5: {  	s19 =	simm.s32 $0x2200;
	s20 =	simm.s32 $0x2400;
	s21 =	simm.s32 $0x2600  }
0x6: {  	s22 =	simm.s32 $0x2800;
	s23 =	simm.s32 $0x3;
	s24 =	simm.s32 $0x0  }
0x7: {  	s3 =	sand.u32 $0x1, s2;
	s4 =	sshll.u32 s0, $0x1;
	s2 =	simm.s32 $0x0  }
0x8: {  	s4 =	sor.u32 s3, s4;
	[smem:$0x7FF] =	sst s2;
	s3 =	ssub.s32 $0x2, s3  }
0x9: {  	s6 =	sshll.u32 s4, $0x6;
	_ =	strace $0x80000047;
	s7 =	sshll.u32 s4, $0x8  }
0xa: {  	s9 =	sshrl.u32 s3, $0x1;
	s4 =	sshll.u32 s4, $0xA;
	s8 =	sadd.s32 s6, s1  }
0xb: {  	s10 =	sadd.s32 s7, s1;
	s11 =	ssub.s32 s3, s9;
	s3 =	sadd.s32 s1, s4  }
0xc: {  	s5 =	sadd.s32 s5, s6;
	s4 =	sadd.s32 $0x100, s3;
	s6 =	sadd.s32 $0xA000, s8  }
0xd: {  	s7 =	sadd.s32 $0xA800, s8;
	s8 =	sadd.s32 $0xB000, s8;
	s9 =	sadd.s32 $0x8000, s10  }
0xe: {  	v0 =	vimm.f32 $0.0e+00;
	v1 =	vimm.s32 $0x0;
	s10 =	smax.u32 s11, $0x1;
	s11 =	sadd.s32 $0x200, s3;
	s12 =	sadd.s32 $0x300, s3  }
.LBB2_1:
0xf: {  	[tilespmem:s2], [sflag:$0x1] =	stream.linear.gather [hbm4b:s3+s2], $0x800, $0x38;
	[tilespmem:$0x3000] =	vst v63  }
0x10: {  	_ = 	snop  }
0x11: {  	[tilespmem:s13], [sflag:$0x1] =	stream.linear.gather [hbm4b:s11+s2], $0x800, $0x38;
	[tilespmem:$0x3000] =	vst v63  }
0x12: {  	_ = 	snop  }
0x13: {  	[tilespmem:s14], [sflag:$0x2] =	stream.linear.gather [hbm4b:s4+s2], $0x800, $0x38;
	[tilespmem:$0x3000] =	vst v63  }
0x14: {  	_ = 	snop  }
0x15: {  	[tilespmem:s15], [sflag:$0x2] =	stream.linear.gather [hbm4b:s12+s2], $0x800, $0x38;
	[tilespmem:$0x3000] =	vst v63  }
0x16: {  	[tilespmem:$0x2800] =	vst v0  }
0x17: {  	[tilespmem:$0x2880] =	vst v0  }
0x18: {  	[tilespmem:$0x2900] =	vst v0  }
0x19: {  	[tilespmem:$0x2980] =	vst v0  }
0x1a: {  	[tilespmem:$0x2A00] =	vst v0  }
0x1b: {  	[tilespmem:$0x2A80] =	vst v0  }
0x1c: {  	[tilespmem:$0x2B00] =	vst v0  }
0x1d: {  	[tilespmem:$0x2B80] =	vst v0  }
0x1e: {  	[tilespmem:$0x2C00] =	vst v0  }
0x1f: {  	[tilespmem:$0x2C80] =	vst v0  }
0x20: {  	[tilespmem:$0x2D00] =	vst v0  }
0x21: {  	[tilespmem:$0x2D80] =	vst v0  }
0x22: {  	[tilespmem:$0x2E00] =	vst v0  }
0x23: {  	[tilespmem:$0x2E80] =	vst v0  }
0x24: {  	[tilespmem:$0x2F00] =	vst v0  }
0x25: {  	[tilespmem:$0x2F80] =	vst v0  }
0x26: {  	_ =	swait.ge [sflag:s16], $0x1000  }
0x27: {  	s1 =	sand.u32 $0x70, s2;
	s25 =	sand.u32 $0x400, s2;
	[sflag:s16] =	ssyncset.done $0x0  }
0x28: {  	s1 =	sor.u32 s1, s25;
	[sflag:s16] =	ssyncadd.s32 $0xFFFFF000  }
0x29: {  	v2 =	vld [tilespmem:s1+$0x0];
	_ =	sdelay $0x1  }
0x2a: {  	v3 =	vld [tilespmem:s1+$0x80];
	_ =	sdelay $0x2  }
0x2b: {  	v4 =	vld [tilespmem:s1+$0x100];
	vm0 =	vgt.f32 v2, $-1.000000020e+30  }
0x2c: {  	v2 =	vnsel vm0, $0xF149F2CA, v2  }
0x2d: {  	vm11 =	vgt.f32 v3, $-1.000000020e+30;
	vm13 =	vgt.f32 v3, v2  }
0x2e: {  	v6 =	vld [tilespmem:s1+$0x180];
	v5 =	vnsel vm11, $0xF149F2CA, v3;
	vm4 =	vmneg vm13  }
0x2f: {  	v5 =	vsel vm4, v5, v2  }
0x30: {  	v2 =	vsel vm4, v2, v3;
	vm8 =	vgt.f32 v4, v5  }
0x31: {  	v3 =	vld [tilespmem:s1+$0x200];
	vm15 =	vgt.f32 v4, v2;
	v5 =	vsel vm8, v4, v5  }
0x32: {  	v5 =	vsel vm15, v2, v5  }
0x33: {  	v2 =	vsel vm15, v4, v2;
	vm6 =	vgt.f32 v6, v5  }
0x34: {  	v4 =	vld [tilespmem:s1+$0x280];
	vm12 =	vgt.f32 v6, v2;
	v5 =	vsel vm6, v6, v5  }
0x35: {  	v5 =	vsel vm12, v2, v5  }
0x36: {  	v2 =	vsel vm12, v6, v2;
	vm14 =	vgt.f32 v3, v5  }
0x37: {  	v6 =	vld [tilespmem:s1+$0x300];
	vm7 =	vgt.f32 v3, v2;
	v5 =	vsel vm14, v3, v5  }
0x38: {  	v5 =	vsel vm7, v2, v5  }
0x39: {  	v2 =	vsel vm7, v3, v2;
	vm10 =	vgt.f32 v4, v5  }
0x3a: {  	v3 =	vld [tilespmem:s1+$0x380];
	vm3 =	vgt.f32 v4, v2;
	v5 =	vsel vm10, v4, v5  }
0x3b: {  	v5 =	vsel vm3, v2, v5  }
0x3c: {  	v2 =	vsel vm3, v4, v2;
	vm9 =	vgt.f32 v6, v5  }
0x3d: {  	vm0 =	vgt.f32 v6, v2;
	v5 =	vsel vm9, v6, v5  }
0x3e: {  	v4 =	vld [tilespmem:s1+$0x1000];
	v5 =	vsel vm0, v2, v5  }
0x3f: {  	v2 =	vsel vm0, v6, v2;
	v6 =	vimm.s32 $0x0;
	vm2 =	vgt.f32 v3, v5  }
0x40: {  	v6 =	vsel vm2, $0xFFFFFFFF, v6  }
0x41: {  	vm1 =	vgt.f32 v3, v2;
	v5 =	vsel vm2, v3, v5;
	[tilespmem:$0x1FFD0] =	vst v6;
	v6 =	vld [tilespmem:s1+$0x1080]  }
0x42: {  	v5 =	vsel vm1, v2, v5  }
0x43: {  	v2 =	vsel vm1, v3, v2;
	v3 =	vimm.s32 $0x0;
	vm2 =	vgt.f32 v4, v5  }
0x44: {  	v3 =	vsel vm2, $0xFFFFFFFF, v3;
	v5 =	vsel vm2, v4, v5;
	vm2 =	vgt.f32 v4, v2  }
0x45: {  	[tilespmem:$0x1FFE0] =	vst v3;
	v3 =	vld [tilespmem:s1+$0x1100];
	v5 =	vsel vm2, v2, v5  }
0x46: {  	v2 =	vsel vm2, v4, v2;
	v4 =	vimm.s32 $0x0;
	vm5 =	vgt.f32 v6, v5  }
0x47: {  	v7 =	vsel vm13, $0x1, v1;
	v4 =	vsel vm5, $0xFFFFFFFF, v4  }
0x48: {  	vm4 =	vmand vm11, vm4;
	v5 =	vsel vm5, v6, v5;
	vm5 =	vgt.f32 v6, v2;
	[tilespmem:$0x1FFF0] =	vst v4;
	v4 =	vld [tilespmem:s1+$0x1180]  }
0x49: {  	v5 =	vsel vm5, v2, v5;
	v2 =	vsel vm5, v6, v2;
	v6 =	vsel vm4, $0x1, v1  }
0x4a: {  	v9 =	vsel vm15, $0x2, v7;
	vm11 =	vgt.f32 v3, v5;
	v6 =	vsel vm8, $0x2, v6  }
0x4b: {  	v8 =	vld [tilespmem:s1+$0x1200];
	vm13 =	vgt.f32 v3, v2;
	v5 =	vsel vm11, v3, v5;
	v6 =	vsel vm15, v7, v6  }
0x4c: {  	v5 =	vsel vm13, v2, v5;
	v2 =	vsel vm13, v3, v2;
	v3 =	vsel vm6, $0x3, v6  }
0x4d: {  	v7 =	vsel vm12, $0x3, v9;
	v3 =	vsel vm12, v9, v3;
	vm4 =	vgt.f32 v4, v5  }
0x4e: {  	v6 =	vld [tilespmem:s1+$0x1280];
	vm6 =	vgt.f32 v4, v2;
	v3 =	vsel vm14, $0x4, v3;
	v5 =	vsel vm4, v4, v5  }
0x4f: {  	v3 =	vsel vm7, v7, v3;
	v5 =	vsel vm6, v2, v5  }
0x50: {  	v7 =	vsel vm7, $0x4, v7;
	v2 =	vsel vm6, v4, v2;
	vm8 =	vgt.f32 v8, v5  }
0x51: {  	v3 =	vsel vm10, $0x5, v3;
	vm12 =	vgt.f32 v8, v2;
	v4 =	vsel vm8, v8, v5  }
0x52: {  	v3 =	vsel vm3, v7, v3;
	v7 =	vsel vm3, $0x5, v7;
	v4 =	vsel vm12, v2, v4  }
0x53: {  	v3 =	vsel vm9, $0x6, v3;
	v2 =	vsel vm12, v8, v2;
	vm7 =	vgt.f32 v6, v4  }
0x54: {  	v5 =	vld [tilespmem:s1+$0x1300];
	v3 =	vsel vm0, v7, v3;
	vm10 =	vgt.f32 v6, v2;
	v4 =	vsel vm7, v6, v4  }
0x55: {  	v4 =	vsel vm10, v2, v4;
	v2 =	vsel vm10, v6, v2;
	v6 =	vsel vm0, $0x6, v7;
	v7 =	vld [tilespmem:$0x1FFD0];
	_ =	sdelay $0x3  }
0x56: {  	vm3 =	vgt.f32 v5, v4  }
0x57: {  	vm9 =	vgt.f32 v5, v2;
	v4 =	vsel vm3, v5, v4;
	vm0 =	vnez.u8 v7  }
0x58: {  	v8 =	vld [tilespmem:s1+$0x1380];
	v4 =	vsel vm9, v2, v4;
	v3 =	vsel vm0, $0x7, v3  }
0x59: {  	v2 =	vsel vm9, v5, v2;
	v5 =	vsel vm1, $0x7, v6;
	v3 =	vsel vm1, v6, v3;
	v6 =	vld [tilespmem:$0x1FFE0];
	_ =	sdelay $0x4  }
0x5a: {  	vm0 =	vgt.f32 v8, v4;
	vm1 =	vgt.f32 v8, v2;
	vm14 =	vnez.u8 v6  }
0x5b: {  	v4 =	vsel vm0, v8, v4;
	v6 =	vsel vm1, v8, v2;
	v3 =	vsel vm14, $0x8, v3  }
0x5c: {  	v2 =	vsel vm1, v2, v4;
	v4 =	vsel vm2, $0x8, v5;
	v3 =	vsel vm2, v5, v3;
	v5 =	vld [tilespmem:$0x1FFF0];
	_ =	sdelay $0x4  }
0x5d: {  	vm2 =	vnez.u8 v5  }
0x5e: {  	v2 =	vsub.f32 v2, v6;
	v3 =	vsel vm2, $0x9, v3  }
0x5f: {  	v3 =	vsel vm5, v4, v3  }
0x60: {  	v2 =	vmul.f32 $1.442695020e+00, v2;
	v4 =	vsel vm5, $0x9, v4;
	v3 =	vsel vm11, $0xA, v3  }
0x61: {  	v3 =	vsel vm13, v4, v3  }
0x62: {  	(erf) = vpow2.f32 v2;
	v2 =	vsel vm13, $0xA, v4;
	v3 =	vsel vm4, $0xB, v3  }
0x63: {  	v3 =	vsel vm6, v2, v3  }
0x64: {  	v2 =	vsel vm6, $0xB, v2;
	v3 =	vsel vm8, $0xC, v3  }
0x65: {  	v3 =	vsel vm12, v2, v3  }
0x66: {  	v2 =	vsel vm12, $0xC, v2;
	v3 =	vsel vm7, $0xD, v3  }
0x67: {  	v3 =	vsel vm10, v2, v3  }
0x68: {  	v2 =	vsel vm10, $0xD, v2;
	v3 =	vsel vm3, $0xE, v3  }
0x69: {  	v4 =	vsel vm9, $0xE, v2  }
0x6a: {  	v2 =	vsel vm9, v2, v3;
	v21 =	vsel vm1, $0xF, v4  }
0x6b: {  	v2 =	vsel vm0, $0xF, v2;
	vm3 =	veq.s32 v21, $0xF;
	v3 =	vpop (erf)  }
0x6c: {  	vm4 =	veq.s32 v21, $0x3;
	v17 =	vsel vm1, v4, v2;
	v2 =	vadd.f32 $1.000000000e+00, v3  }
0x6d: {  	vm6 =	veq.s32 v21, $0xC;
	vm12 =	veq.s32 v21, $0x2;
	vm10 =	veq.s32 v21, $0x7  }
0x6e: {  	vm9 =	veq.s32 v21, $0x5;
	vm1 =	veq.s32 v21, $0x9;
	(erf) = vrcp.f32 v2  }
0x6f: {  	v9 =	vsel vm4, $0x3F800000, v0;
	v26 =	vsel vm12, $0x3F800000, v0;
	vm2 =	veq.s32 v17, $0x2  }
0x70: {  	vm0 =	veq.s32 v17, $0x4;
	vm5 =	veq.s32 v17, $0x9;
	vm7 =	veq.s32 v17, $0x3  }
0x71: {  	vm8 =	veq.s32 v17, $0x5;
	vm11 =	veq.s32 v17, $0x0;
	vm4 =	veq.s32 v17, $0xA  }
0x72: {  	v23 =	vsel vm1, $0x3F800000, v0;
	vm1 =	veq.s32 v17, $0xF;
	v13 =	vsel vm0, $0x3F800000, v0  }
0x73: {  	vm0 =	veq.s32 v17, $0x6;
	v10 =	vsel vm8, $0x3F800000, v0;
	vm8 =	veq.s32 v21, $0x4  }
0x74: {  	v14 =	vsel vm7, $0x3F800000, v0;
	v7 =	vsel vm4, $0x3F800000, v0;
	v2 =	vsel vm0, $0x3F800000, v0  }
0x75: {  	vm4 =	veq.s32 v17, $0xB;
	vm7 =	veq.s32 v21, $0xA;
	vm0 =	veq.s32 v21, $0x6  }
0x76: {  	v24 =	vsel vm5, $0x3F800000, v0;
	vm5 =	veq.s32 v21, $0xE;
	v3 =	vsel vm0, $0x3F800000, v0  }
0x77: {  	[tilespmem:s18+$0x0] =	vst v21;
	v15 =	vsel vm8, $0x3F800000, v0;
	vm8 =	veq.s32 v17, $0x7;
	v12 =	vadd.f32 v2, v3;
	v2 =	vpop (erf)  }
0x78: {  	[tilespmem:s19+$0x0] =	vst v17;
	v6 =	vsel vm4, $0x3F800000, v0;
	vm4 =	veq.s32 v17, $0xD;
	v18 =	vsub.f32 $1.000000000e+00, v2  }
0x79: {  	v16 =	vadd.f32 v14, v9;
	v14 =	vsel vm3, $0x3F800000, v0;
	vm3 =	veq.s32 v17, $0xC;
	[tilespmem:s20+$0x0] =	vst v2  }
0x7a: {  	v11 =	vsel vm8, $0x3F800000, v0;
	v4 =	vsel vm4, $0x3F800000, v0;
	vm4 =	veq.s32 v17, $0xE;
	[tilespmem:s21+$0x0] =	vst v18  }
0x7b: {  	vm8 =	veq.s32 v17, $0x8;
	v5 =	vsel vm4, $0x3F800000, v0;
	vm4 =	veq.s32 v17, $0x1;
	v22 =	vld [tilespmem:$0x2800]  }
0x7c: {  	v8 =	vsel vm8, $0x3F800000, v0;
	v2 =	vsel vm4, $0x3F800000, v0;
	vm4 =	veq.s32 v21, $0x0;
	v9 =	vld [tilespmem:$0x2880]  }
0x7d: {  	v3 =	vsel vm6, $0x3F800000, v0;
	v19 =	vsel vm4, $0x3F800000, v0;
	v18 =	vsel vm11, $0x3F800000, v0;
	v20 =	vld [tilespmem:$0x2900]  }
0x7e: {  	vm8 =	veq.s32 v21, $0x8;
	vm6 =	veq.s32 v21, $0xB;
	v25 =	vadd.f32 v18, v19;
	v18 =	vld [tilespmem:$0x2980]  }
0x7f: {  	s26 =	simm.s32 $0x2410;
	s28 =	simm.s32 $0x2610;
	s29 =	simm.s32 $0x0;
	v17 =	vadd.f32 v24, v23;
	v23 =	vsel vm2, $0x3F800000, v0;
	vm2 =	veq.s32 v21, $0x1;
	v19 =	vld [tilespmem:$0x2A00]  }
0x80: {  	s30 =	simm.s32 $0x2000;
	s31 =	simm.s32 $0x2200;
	s25 =	simm.s32 $0x10;
	v23 =	vadd.f32 v23, v26;
	vm4 =	veq.s32 v21, $0xD;
	v21 =	vld [tilespmem:$0x2A80];
	v22 =	vadd.f32 v25, v22  }
.LBB2_2:
0x81: {  	v24 =	vld [tilespmem:$0x2B00]  }
0x82: {  	v13 =	vadd.f32 v13, v15;
	v15 =	vsel vm9, $0x3F800000, v0;
	[tilespmem:$0x2800] =	vst v22;
	v22 =	vld [tilespmem:$0x2B80];
	v20 =	vadd.f32 v23, v20  }
0x83: {  	v10 =	vadd.f32 v10, v15;
	v15 =	vld [tilespmem:$0x2C00];
	v16 =	vadd.f32 v16, v18  }
0x84: {  	v13 =	vadd.f32 v13, v19;
	v18 =	vsel vm10, $0x3F800000, v0;
	v19 =	vld [tilespmem:$0x2C80];
	[tilespmem:$0x2900] =	vst v20  }
0x85: {  	v10 =	vadd.f32 v10, v21;
	v11 =	vadd.f32 v11, v18;
	v18 =	vld [tilespmem:$0x2D00];
	[tilespmem:$0x2980] =	vst v16;
	v16 =	vsel vm8, $0x3F800000, v0  }
0x86: {  	v12 =	vadd.f32 v12, v24;
	[tilespmem:$0x2A00] =	vst v13;
	v13 =	vld [tilespmem:$0x2D80];
	v8 =	vadd.f32 v8, v16  }
0x87: {  	[tilespmem:$0x2A80] =	vst v10;
	v10 =	vadd.f32 v11, v22;
	v11 =	vsel vm7, $0x3F800000, v0;
	v16 =	vld [tilespmem:$0x2E00]  }
0x88: {  	[tilespmem:$0x2B00] =	vst v12;
	v12 =	vld [tilespmem:$0x2E80];
	v7 =	vadd.f32 v7, v11;
	v11 =	vsel vm6, $0x3F800000, v0;
	v8 =	vadd.f32 v8, v15  }
0x89: {  	[tilespmem:$0x2B80] =	vst v10;
	v10 =	vadd.f32 v17, v19;
	v6 =	vadd.f32 v6, v11;
	v11 =	vsel vm3, $0x3F800000, v0;
	v15 =	vld [tilespmem:$0x2F00]  }
0x8a: {  	v7 =	vadd.f32 v7, v18;
	v3 =	vadd.f32 v11, v3;
	v11 =	vld [tilespmem:$0x2F80];
	[tilespmem:$0x2C00] =	vst v8;
	v8 =	vsel vm4, $0x3F800000, v0  }
0x8b: {  	[tilespmem:$0x2C80] =	vst v10;
	v6 =	vadd.f32 v6, v13;
	v4 =	vadd.f32 v4, v8;
	v8 =	vsel vm5, $0x3F800000, v0  }
0x8c: {  	[tilespmem:$0x2D00] =	vst v7;
	v3 =	vadd.f32 v3, v16;
	v7 =	vsel vm1, $0x3F800000, v0;
	v5 =	vadd.f32 v5, v8  }
0x8d: {  	v8 =	vsel vm2, $0x3F800000, v0;
	[tilespmem:$0x2D80] =	vst v6;
	v6 =	vadd.f32 v7, v14;
	v4 =	vadd.f32 v4, v12  }
0x8e: {  	v2 =	vadd.f32 v2, v8;
	[tilespmem:$0x2E00] =	vst v3;
	v3 =	vadd.f32 v5, v15  }
0x8f: {  	[tilespmem:$0x2E80] =	vst v4;
	v4 =	vadd.f32 v11, v6  }
0x90: {  	s29 =	sadd.s32 $0x80, s29;
	s1 =	smov.u32 s25;
	v2 =	vadd.f32 v2, v9;
	[tilespmem:$0x2F00] =	vst v3  }
0x91: {  	s1 =	sand.u32 $0x70, s1;
	s0 =	sand.u32 $0x400, s29;
	[tilespmem:$0x2F80] =	vst v4  }
0x92: {  	s1 =	sor.u32 s1, s0;
	[tilespmem:$0x2880] =	vst v2  }
0x93: {  	v2 =	vld [tilespmem:s1+$0x0];
	_ =	sdelay $0x1  }
0x94: {  	v3 =	vld [tilespmem:s1+$0x80];
	_ =	sdelay $0x2  }
0x95: {  	v4 =	vld [tilespmem:s1+$0x100];
	vm0 =	vgt.f32 v2, $-1.000000020e+30  }
0x96: {  	v2 =	vnsel vm0, $0xF149F2CA, v2  }
0x97: {  	vm0 =	vgt.f32 v3, $-1.000000020e+30;
	vm1 =	vgt.f32 v3, v2  }
0x98: {  	v6 =	vld [tilespmem:s1+$0x180];
	v5 =	vnsel vm0, $0xF149F2CA, v3;
	vm2 =	vmneg vm1  }
0x99: {  	v5 =	vsel vm2, v5, v2;
	v2 =	vsel vm2, v2, v3  }
0x9a: {  	v3 =	vsel vm1, $0x1, v1;
	vm0 =	vmand vm0, vm2;
	vm2 =	vgt.f32 v4, v5  }
0x9b: {  	v7 =	vld [tilespmem:s1+$0x200];
	vm1 =	vgt.f32 v4, v2;
	v8 =	vsel vm0, $0x1, v1;
	v5 =	vsel vm2, v4, v5  }
0x9c: {  	v4 =	vsel vm1, v4, v2;
	v2 =	vsel vm1, v2, v5;
	v5 =	vsel vm2, $0x2, v8  }
0x9d: {  	v8 =	vsel vm1, $0x2, v3;
	v3 =	vsel vm1, v3, v5;
	vm1 =	vgt.f32 v6, v2  }
0x9e: {  	vm0 =	vgt.f32 v6, v4;
	v5 =	vld [tilespmem:s1+$0x280];
	v2 =	vsel vm1, v6, v2  }
0x9f: {  	v3 =	vsel vm1, $0x3, v3;
	v2 =	vsel vm0, v4, v2  }
0xa0: {  	v6 =	vsel vm0, v6, v4;
	v3 =	vsel vm0, v8, v3;
	vm1 =	vgt.f32 v7, v2  }
0xa1: {  	v4 =	vsel vm0, $0x3, v8;
	vm0 =	vgt.f32 v7, v6;
	v8 =	vld [tilespmem:s1+$0x300];
	v2 =	vsel vm1, v7, v2  }
0xa2: {  	v3 =	vsel vm1, $0x4, v3;
	v2 =	vsel vm0, v6, v2  }
0xa3: {  	v7 =	vsel vm0, v7, v6;
	v3 =	vsel vm0, v4, v3;
	vm1 =	vgt.f32 v5, v2  }
0xa4: {  	v4 =	vsel vm0, $0x4, v4;
	vm0 =	vgt.f32 v5, v7;
	v6 =	vld [tilespmem:s1+$0x380];
	v2 =	vsel vm1, v5, v2  }
0xa5: {  	v3 =	vsel vm1, $0x5, v3;
	v2 =	vsel vm0, v7, v2  }
0xa6: {  	v5 =	vsel vm0, v5, v7;
	v3 =	vsel vm0, v4, v3;
	vm1 =	vgt.f32 v8, v2  }
0xa7: {  	v4 =	vsel vm0, $0x5, v4;
	vm0 =	vgt.f32 v8, v5;
	v7 =	vld [tilespmem:s1+$0x1000];
	v2 =	vsel vm1, v8, v2  }
0xa8: {  	v3 =	vsel vm1, $0x6, v3;
	v2 =	vsel vm0, v5, v2  }
0xa9: {  	v8 =	vsel vm0, v8, v5;
	v3 =	vsel vm0, v4, v3;
	vm1 =	vgt.f32 v6, v2  }
0xaa: {  	v4 =	vsel vm0, $0x6, v4;
	vm0 =	vgt.f32 v6, v8;
	v5 =	vld [tilespmem:s1+$0x1080];
	v2 =	vsel vm1, v6, v2  }
0xab: {  	v3 =	vsel vm1, $0x7, v3;
	v2 =	vsel vm0, v8, v2  }
0xac: {  	v6 =	vsel vm0, v6, v8;
	v3 =	vsel vm0, v4, v3;
	vm1 =	vgt.f32 v7, v2  }
0xad: {  	v4 =	vsel vm0, $0x7, v4;
	vm0 =	vgt.f32 v7, v6;
	v8 =	vld [tilespmem:s1+$0x1100];
	v2 =	vsel vm1, v7, v2  }
0xae: {  	v9 =	vsel vm0, $0x8, v4;
	v7 =	vsel vm0, v7, v6;
	v2 =	vsel vm0, v6, v2  }
0xaf: {  	v3 =	vsel vm1, $0x8, v3;
	vm1 =	vgt.f32 v5, v7;
	vm2 =	vgt.f32 v5, v2  }
0xb0: {  	v6 =	vld [tilespmem:s1+$0x1180];
	v3 =	vsel vm0, v4, v3;
	v4 =	vsel vm1, v5, v7;
	v2 =	vsel vm2, v5, v2  }
0xb1: {  	v3 =	vsel vm2, $0x9, v3;
	v5 =	vsel vm1, $0x9, v9;
	v2 =	vsel vm1, v7, v2  }
0xb2: {  	vm0 =	vgt.f32 v8, v4;
	v3 =	vsel vm1, v9, v3;
	vm1 =	vgt.f32 v8, v2  }
0xb3: {  	v7 =	vsel vm0, v8, v4;
	v2 =	vsel vm1, v8, v2;
	v3 =	vsel vm1, $0xA, v3;
	v8 =	vld [tilespmem:s1+$0x1200]  }
0xb4: {  	v2 =	vsel vm0, v4, v2;
	v3 =	vsel vm0, v5, v3  }
0xb5: {  	v4 =	vsel vm0, $0xA, v5;
	vm0 =	vgt.f32 v6, v7;
	vm1 =	vgt.f32 v6, v2  }
0xb6: {  	v5 =	vsel vm0, v6, v7;
	v2 =	vsel vm1, v6, v2;
	v3 =	vsel vm1, $0xB, v3;
	v6 =	vld [tilespmem:s1+$0x1280]  }
0xb7: {  	v2 =	vsel vm0, v7, v2;
	v3 =	vsel vm0, v4, v3  }
0xb8: {  	v4 =	vsel vm0, $0xB, v4;
	vm0 =	vgt.f32 v8, v5;
	vm1 =	vgt.f32 v8, v2  }
0xb9: {  	v2 =	vsel vm1, v8, v2;
	v3 =	vsel vm1, $0xC, v3;
	v7 =	vsel vm0, v8, v5;
	v8 =	vld [tilespmem:s1+$0x1300]  }
0xba: {  	v2 =	vsel vm0, v5, v2;
	v3 =	vsel vm0, v4, v3  }
0xbb: {  	v4 =	vsel vm0, $0xC, v4;
	vm0 =	vgt.f32 v6, v7;
	vm1 =	vgt.f32 v6, v2  }
0xbc: {  	v2 =	vsel vm1, v6, v2;
	v5 =	vsel vm0, v6, v7;
	v6 =	vld [tilespmem:s1+$0x1380]  }
0xbd: {  	v3 =	vsel vm1, $0xD, v3;
	v2 =	vsel vm0, v7, v2  }
0xbe: {  	v3 =	vsel vm0, v4, v3;
	vm1 =	vgt.f32 v8, v2  }
0xbf: {  	v4 =	vsel vm0, $0xD, v4;
	vm0 =	vgt.f32 v8, v5;
	v2 =	vsel vm1, v8, v2  }
0xc0: {  	v3 =	vsel vm1, $0xE, v3;
	v2 =	vsel vm0, v5, v2  }
0xc1: {  	v7 =	vsel vm0, v8, v5;
	v3 =	vsel vm0, v4, v3;
	vm1 =	vgt.f32 v6, v2  }
0xc2: {  	v4 =	vsel vm0, $0xE, v4;
	vm0 =	vgt.f32 v6, v7;
	v2 =	vsel vm1, v6, v2  }
0xc3: {  	v5 =	vsel vm0, v6, v7;
	v2 =	vsel vm0, v7, v2  }
0xc4: {  	v2 =	vsub.f32 v2, v5;
	_ =	sdelay $0x1  }
0xc5: {  	v2 =	vmul.f32 $1.442695020e+00, v2;
	_ =	sdelay $0x1  }
0xc6: {  	v3 =	vsel vm1, $0xF, v3;
	(erf) = vpow2.f32 v2  }
0xc7: {  	v9 =	vsel vm0, $0xF, v4;
	v14 =	vsel vm0, v4, v3  }
0xc8: {  	v3 =	vimm.s32 $0x0;
	vm0 =	veq.s32 v14, $0x2;
	vm2 =	veq.s32 v14, $0x4  }
0xc9: {  	vm6 =	veq.s32 v14, $0x6;
	v13 =	vsel vm2, $0x3F800000, v0;
	vm2 =	veq.s32 v9, $0x4  }
0xca: {  	v3 =	vsel vm0, $0xFFFFFFFF, v3;
	v15 =	vsel vm2, $0x3F800000, v0;
	vm2 =	veq.s32 v9, $0x6  }
0xcb: {  	vm3 =	veq.s32 v9, $0x3;
	[tilespmem:$0x1FFC0] =	vst v3;
	v3 =	vsel vm2, $0x3F800000, v0;
	v2 =	vsel vm6, $0x3F800000, v0  }
0xcc: {  	v12 =	vadd.f32 v2, v3;
	v2 =	vsel vm3, $0x3F800000, v0  }
0xcd: {  	vm4 =	veq.s32 v14, $0x3  }
0xce: {  	v3 =	vsel vm4, $0x3F800000, v0  }
0xcf: {  	v16 =	vadd.f32 v3, v2;
	v2 =	vpop (erf)  }
0xd0: {  	v2 =	vadd.f32 $1.000000000e+00, v2;
	_ =	sdelay $0x1  }
0xd1: {  	(erf) = vrcp.f32 v2  }
0xd2: {  	vm12 =	veq.s32 v9, $0xF;
	vm11 =	veq.s32 v9, $0x9  }
0xd3: {  	vm1 =	veq.s32 v9, $0xC;
	vm13 =	veq.s32 v9, $0x2;
	vm14 =	veq.s32 v14, $0x9  }
0xd4: {  	vm5 =	veq.s32 v14, $0x5;
	vm15 =	veq.s32 v14, $0x0;
	v19 =	vsel vm11, $0x3F800000, v0  }
0xd5: {  	v10 =	vsel vm5, $0x3F800000, v0;
	vm5 =	veq.s32 v14, $0x7;
	vm2 =	veq.s32 v14, $0x8  }
0xd6: {  	vm0 =	veq.s32 v14, $0x1;
	v22 =	vsel vm14, $0x3F800000, v0;
	v8 =	vsel vm2, $0x3F800000, v0  }
0xd7: {  	vm2 =	veq.s32 v14, $0xA;
	v3 =	vsel vm1, $0x3F800000, v0;
	vm1 =	veq.s32 v14, $0xD  }
0xd8: {  	s30 =	sadd.s32 $0x10, s30;
	v7 =	vsel vm2, $0x3F800000, v0;
	v4 =	vsel vm1, $0x3F800000, v0;
	vm1 =	veq.s32 v14, $0xE  }
0xd9: {  	s31 =	sadd.s32 $0x10, s31;
	[tilespmem:s30+$0x0] =	vst v9;
	vm2 =	veq.s32 v14, $0xB;
	vm3 =	veq.s32 v14, $0xC;
	v5 =	vsel vm1, $0x3F800000, v0  }
0xda: {  	[tilespmem:s31+$0x0] =	vst v14;
	vm1 =	veq.s32 v14, $0xF;
	v2 =	vsel vm0, $0x3F800000, v0;
	vm0 =	veq.s32 v9, $0x0;
	v17 =	vpop (erf)  }
0xdb: {  	v18 =	vsel vm0, $0x3F800000, v0;
	v14 =	vsub.f32 $1.000000000e+00, v17;
	[tilespmem:s26+$0x0] =	vst v17;
	v17 =	vsel vm15, $0x3F800000, v0  }
0xdc: {  	vm10 =	veq.s32 v9, $0x7;
	v23 =	vadd.f32 v17, v18;
	v17 =	vadd.f32 v22, v19;
	v19 =	vld [tilespmem:$0x1FFC0]  }
0xdd: {  	vm9 =	veq.s32 v9, $0x5;
	vm8 =	veq.s32 v9, $0x8;
	vm7 =	veq.s32 v9, $0xA;
	[tilespmem:s28+$0x0] =	vst v14  }
0xde: {  	p0 =	sne.s32 s25, $0xF0;
	v11 =	vsel vm5, $0x3F800000, v0;
	vm5 =	veq.s32 v9, $0xE;
	vm6 =	veq.s32 v9, $0xB;
	v21 =	vld [tilespmem:$0x2800]  }
.Ltmp0:
0xdf: {  	vm4 =	veq.s32 v9, $0xD;
	v6 =	vsel vm2, $0x3F800000, v0;
	vm2 =	veq.s32 v9, $0x1;
	v9 =	vld [tilespmem:$0x2880];
	(pc) =	sbr.rel @p0 .LBB2_2-.Ltmp0, $4  }
0xe0: {  	v20 =	vld [tilespmem:$0x2900]  }
0xe1: {  	v18 =	vld [tilespmem:$0x2980];
	vm0 =	vnez.u8 v19  }
0xe2: {  	v63 =	vsel vm13, $0x3F800000, v0;
	v19 =	vld [tilespmem:$0x2A00];
	v25 =	vsel vm0, $0x3F800000, v0  }
0xe3: {  	s25 =	sadd.s32 $0x10, s25;
	s26 =	sadd.s32 $0x10, s26;
	v14 =	vsel vm12, $0x3F800000, v0;
	s28 =	sadd.s32 $0x10, s28;
	v22 =	vadd.f32 v23, v21;
	v23 =	vadd.f32 v25, v63;
	v21 =	vld [tilespmem:$0x2A80]  }
0xe4: {  	v24 =	vld [tilespmem:$0x2B00]  }
0xe5: {  	v13 =	vadd.f32 v13, v15;
	v15 =	vsel vm9, $0x3F800000, v0;
	v20 =	vadd.f32 v23, v20;
	v23 =	vld [tilespmem:$0x2B80]  }
0xe6: {  	[tilespmem:$0x2800] =	vst v22;
	v10 =	vadd.f32 v10, v15;
	v15 =	vld [tilespmem:$0x2C00];
	v16 =	vadd.f32 v16, v18  }
0xe7: {  	v18 =	vsel vm10, $0x3F800000, v0;
	[tilespmem:$0x2900] =	vst v20;
	v13 =	vadd.f32 v13, v19;
	v19 =	vld [tilespmem:$0x2C80]  }
0xe8: {  	v11 =	vadd.f32 v11, v18;
	v18 =	vld [tilespmem:$0x2D00];
	[tilespmem:$0x2980] =	vst v16;
	v10 =	vadd.f32 v10, v21;
	v16 =	vsel vm8, $0x3F800000, v0  }
0xe9: {  	[tilespmem:$0x2A00] =	vst v13;
	v12 =	vadd.f32 v12, v24;
	v8 =	vadd.f32 v8, v16;
	v13 =	vld [tilespmem:$0x2D80]  }
0xea: {  	v16 =	vld [tilespmem:$0x2E00];
	[tilespmem:$0x2A80] =	vst v10;
	v10 =	vadd.f32 v11, v23;
	v11 =	vsel vm7, $0x3F800000, v0  }
0xeb: {  	[tilespmem:$0x2B00] =	vst v12;
	v8 =	vadd.f32 v8, v15;
	v7 =	vadd.f32 v7, v11;
	v11 =	vsel vm6, $0x3F800000, v0;
	v12 =	vld [tilespmem:$0x2E80]  }
0xec: {  	v15 =	vld [tilespmem:$0x2F00];
	[tilespmem:$0x2B80] =	vst v10;
	v10 =	vadd.f32 v17, v19;
	v6 =	vadd.f32 v6, v11;
	v11 =	vsel vm3, $0x3F800000, v0  }
0xed: {  	[tilespmem:$0x2C00] =	vst v8;
	v7 =	vadd.f32 v7, v18;
	v3 =	vadd.f32 v11, v3;
	v8 =	vsel vm4, $0x3F800000, v0;
	v11 =	vld [tilespmem:$0x2F80]  }
0xee: {  	[tilespmem:$0x2C80] =	vst v10;
	v6 =	vadd.f32 v6, v13;
	v4 =	vadd.f32 v4, v8;
	v8 =	vsel vm5, $0x3F800000, v0  }
0xef: {  	[tilespmem:$0x2D00] =	vst v7;
	v3 =	vadd.f32 v3, v16;
	v5 =	vadd.f32 v5, v8;
	v7 =	vsel vm1, $0x3F800000, v0  }
0xf0: {  	v8 =	vsel vm2, $0x3F800000, v0;
	[tilespmem:$0x2D80] =	vst v6;
	v4 =	vadd.f32 v4, v12;
	v6 =	vadd.f32 v7, v14  }
0xf1: {  	v2 =	vadd.f32 v2, v8;
	[tilespmem:$0x2E00] =	vst v3;
	v3 =	vadd.f32 v5, v15  }
0xf2: {  	[tilespmem:$0x2E80] =	vst v4;
	v4 =	vadd.f32 v11, v6  }
0xf3: {  	v2 =	vadd.f32 v2, v9;
	[tilespmem:$0x2F00] =	vst v3  }
0xf4: {  	[tilespmem:$0x2F80] =	vst v4  }
0xf5: {  	[tilespmem:$0x2880] =	vst v2  }
0xf6: {  	s0 =	simm.s32 $0x100;
	s25 =	simm.s32 $0x800;
	_ =	swait.ge [sflag:s17], $0x1000  }
0xf7: {  	s0 =	sand.u32 $0x70, s0;
	s1 =	sand.u32 $0xC00, s25;
	[sflag:s17] =	ssyncset.done $0x0  }
0xf8: {  	s1 =	sor.u32 s0, s1;
	[sflag:s17] =	ssyncadd.s32 $0xFFFFF000  }
0xf9: {  	v2 =	vld [tilespmem:s1+$0x0];
	_ =	sdelay $0x1  }
0xfa: {  	v3 =	vld [tilespmem:s1+$0x80];
	_ =	sdelay $0x2  }
0xfb: {  	v4 =	vld [tilespmem:s1+$0x100];
	vm0 =	vgt.f32 v2, $-1.000000020e+30  }
0xfc: {  	v2 =	vnsel vm0, $0xF149F2CA, v2  }
0xfd: {  	vm11 =	vgt.f32 v3, $-1.000000020e+30;
	vm13 =	vgt.f32 v3, v2  }
0xfe: {  	v6 =	vld [tilespmem:s1+$0x180];
	v5 =	vnsel vm11, $0xF149F2CA, v3;
	vm4 =	vmneg vm13  }
0xff: {  	v5 =	vsel vm4, v5, v2  }
0x100: {  	v2 =	vsel vm4, v2, v3;
	vm8 =	vgt.f32 v4, v5  }
0x101: {  	v3 =	vld [tilespmem:s1+$0x200];
	vm15 =	vgt.f32 v4, v2;
	v5 =	vsel vm8, v4, v5  }
0x102: {  	v5 =	vsel vm15, v2, v5  }
0x103: {  	v2 =	vsel vm15, v4, v2;
	vm6 =	vgt.f32 v6, v5  }
0x104: {  	v4 =	vld [tilespmem:s1+$0x280];
	vm12 =	vgt.f32 v6, v2;
	v5 =	vsel vm6, v6, v5  }
0x105: {  	v5 =	vsel vm12, v2, v5  }
0x106: {  	v2 =	vsel vm12, v6, v2;
	vm14 =	vgt.f32 v3, v5  }
0x107: {  	v6 =	vld [tilespmem:s1+$0x300];
	vm7 =	vgt.f32 v3, v2;
	v5 =	vsel vm14, v3, v5  }
0x108: {  	v5 =	vsel vm7, v2, v5  }
0x109: {  	v2 =	vsel vm7, v3, v2;
	vm10 =	vgt.f32 v4, v5  }
0x10a: {  	v3 =	vld [tilespmem:s1+$0x380];
	vm3 =	vgt.f32 v4, v2;
	v5 =	vsel vm10, v4, v5  }
0x10b: {  	v5 =	vsel vm3, v2, v5  }
0x10c: {  	v2 =	vsel vm3, v4, v2;
	vm9 =	vgt.f32 v6, v5  }
0x10d: {  	vm0 =	vgt.f32 v6, v2;
	v5 =	vsel vm9, v6, v5  }
0x10e: {  	v4 =	vld [tilespmem:s1+$0x1000];
	v5 =	vsel vm0, v2, v5  }
0x10f: {  	v2 =	vsel vm0, v6, v2;
	v6 =	vimm.s32 $0x0;
	vm2 =	vgt.f32 v3, v5  }
0x110: {  	v6 =	vsel vm2, $0xFFFFFFFF, v6  }
0x111: {  	vm1 =	vgt.f32 v3, v2;
	v5 =	vsel vm2, v3, v5;
	[tilespmem:$0x1FF90] =	vst v6;
	v6 =	vld [tilespmem:s1+$0x1080]  }
0x112: {  	v5 =	vsel vm1, v2, v5  }
0x113: {  	v2 =	vsel vm1, v3, v2;
	v3 =	vimm.s32 $0x0;
	vm2 =	vgt.f32 v4, v5  }
0x114: {  	v3 =	vsel vm2, $0xFFFFFFFF, v3;
	v5 =	vsel vm2, v4, v5;
	vm2 =	vgt.f32 v4, v2  }
0x115: {  	[tilespmem:$0x1FFA0] =	vst v3;
	v3 =	vld [tilespmem:s1+$0x1100];
	v5 =	vsel vm2, v2, v5  }
0x116: {  	v2 =	vsel vm2, v4, v2;
	v4 =	vimm.s32 $0x0;
	vm5 =	vgt.f32 v6, v5  }
0x117: {  	v7 =	vsel vm13, $0x1, v1;
	v4 =	vsel vm5, $0xFFFFFFFF, v4  }
0x118: {  	vm4 =	vmand vm11, vm4;
	v5 =	vsel vm5, v6, v5;
	vm5 =	vgt.f32 v6, v2;
	[tilespmem:$0x1FFB0] =	vst v4;
	v4 =	vld [tilespmem:s1+$0x1180]  }
0x119: {  	v5 =	vsel vm5, v2, v5;
	v2 =	vsel vm5, v6, v2;
	v6 =	vsel vm4, $0x1, v1  }
0x11a: {  	v9 =	vsel vm15, $0x2, v7;
	vm11 =	vgt.f32 v3, v5;
	v6 =	vsel vm8, $0x2, v6  }
0x11b: {  	v8 =	vld [tilespmem:s1+$0x1200];
	vm13 =	vgt.f32 v3, v2;
	v5 =	vsel vm11, v3, v5;
	v6 =	vsel vm15, v7, v6  }
0x11c: {  	v5 =	vsel vm13, v2, v5;
	v2 =	vsel vm13, v3, v2;
	v3 =	vsel vm6, $0x3, v6  }
0x11d: {  	v7 =	vsel vm12, $0x3, v9;
	v3 =	vsel vm12, v9, v3;
	vm4 =	vgt.f32 v4, v5  }
0x11e: {  	v6 =	vld [tilespmem:s1+$0x1280];
	vm6 =	vgt.f32 v4, v2;
	v3 =	vsel vm14, $0x4, v3;
	v5 =	vsel vm4, v4, v5  }
0x11f: {  	v3 =	vsel vm7, v7, v3;
	v5 =	vsel vm6, v2, v5  }
0x120: {  	v7 =	vsel vm7, $0x4, v7;
	v2 =	vsel vm6, v4, v2;
	vm8 =	vgt.f32 v8, v5  }
0x121: {  	v3 =	vsel vm10, $0x5, v3;
	vm12 =	vgt.f32 v8, v2;
	v4 =	vsel vm8, v8, v5  }
0x122: {  	v3 =	vsel vm3, v7, v3;
	v7 =	vsel vm3, $0x5, v7;
	v4 =	vsel vm12, v2, v4  }
0x123: {  	v3 =	vsel vm9, $0x6, v3;
	v2 =	vsel vm12, v8, v2;
	vm7 =	vgt.f32 v6, v4  }
0x124: {  	v5 =	vld [tilespmem:s1+$0x1300];
	v3 =	vsel vm0, v7, v3;
	vm10 =	vgt.f32 v6, v2;
	v4 =	vsel vm7, v6, v4  }
0x125: {  	v4 =	vsel vm10, v2, v4;
	v2 =	vsel vm10, v6, v2;
	v6 =	vsel vm0, $0x6, v7;
	v7 =	vld [tilespmem:$0x1FF90];
	_ =	sdelay $0x3  }
0x126: {  	vm3 =	vgt.f32 v5, v4  }
0x127: {  	vm9 =	vgt.f32 v5, v2;
	v4 =	vsel vm3, v5, v4;
	vm0 =	vnez.u8 v7  }
0x128: {  	v8 =	vld [tilespmem:s1+$0x1380];
	v4 =	vsel vm9, v2, v4;
	v3 =	vsel vm0, $0x7, v3  }
0x129: {  	v2 =	vsel vm9, v5, v2;
	v5 =	vsel vm1, $0x7, v6;
	v3 =	vsel vm1, v6, v3;
	v6 =	vld [tilespmem:$0x1FFA0];
	_ =	sdelay $0x4  }
0x12a: {  	vm0 =	vgt.f32 v8, v4;
	vm1 =	vgt.f32 v8, v2;
	vm14 =	vnez.u8 v6  }
0x12b: {  	v4 =	vsel vm0, v8, v4;
	v6 =	vsel vm1, v8, v2;
	v3 =	vsel vm14, $0x8, v3  }
0x12c: {  	v2 =	vsel vm1, v2, v4;
	v4 =	vsel vm2, $0x8, v5;
	v3 =	vsel vm2, v5, v3;
	v5 =	vld [tilespmem:$0x1FFB0];
	_ =	sdelay $0x4  }
0x12d: {  	vm2 =	vnez.u8 v5  }
0x12e: {  	v2 =	vsub.f32 v2, v6;
	v3 =	vsel vm2, $0x9, v3  }
0x12f: {  	v3 =	vsel vm5, v4, v3  }
0x130: {  	v2 =	vmul.f32 $1.442695020e+00, v2;
	v4 =	vsel vm5, $0x9, v4;
	v3 =	vsel vm11, $0xA, v3  }
0x131: {  	v3 =	vsel vm13, v4, v3  }
0x132: {  	(erf) = vpow2.f32 v2;
	v2 =	vsel vm13, $0xA, v4;
	v3 =	vsel vm4, $0xB, v3  }
0x133: {  	v3 =	vsel vm6, v2, v3  }
0x134: {  	v2 =	vsel vm6, $0xB, v2;
	v3 =	vsel vm8, $0xC, v3  }
0x135: {  	v3 =	vsel vm12, v2, v3  }
0x136: {  	v2 =	vsel vm12, $0xC, v2;
	v3 =	vsel vm7, $0xD, v3  }
0x137: {  	v3 =	vsel vm10, v2, v3  }
0x138: {  	v2 =	vsel vm10, $0xD, v2;
	v3 =	vsel vm3, $0xE, v3  }
0x139: {  	v4 =	vsel vm9, $0xE, v2  }
0x13a: {  	v2 =	vsel vm9, v2, v3;
	v20 =	vsel vm1, $0xF, v4  }
0x13b: {  	v2 =	vsel vm0, $0xF, v2;
	vm3 =	veq.s32 v20, $0xF;
	v3 =	vpop (erf)  }
0x13c: {  	vm4 =	veq.s32 v20, $0x3;
	v17 =	vsel vm1, v4, v2;
	v2 =	vadd.f32 $1.000000000e+00, v3  }
0x13d: {  	vm6 =	veq.s32 v20, $0xC;
	vm12 =	veq.s32 v20, $0x2;
	vm10 =	veq.s32 v20, $0x7  }
0x13e: {  	vm9 =	veq.s32 v20, $0x8;
	vm1 =	veq.s32 v20, $0x9;
	(erf) = vrcp.f32 v2  }
0x13f: {  	v11 =	vsel vm4, $0x3F800000, v0;
	v26 =	vsel vm12, $0x3F800000, v0;
	vm2 =	veq.s32 v17, $0x2  }
0x140: {  	vm0 =	veq.s32 v17, $0x4;
	vm5 =	veq.s32 v17, $0x9;
	vm8 =	veq.s32 v17, $0x3  }
0x141: {  	vm7 =	veq.s32 v17, $0x5;
	vm11 =	veq.s32 v17, $0x0;
	vm4 =	veq.s32 v17, $0xA  }
0x142: {  	v23 =	vsel vm1, $0x3F800000, v0;
	v13 =	vsel vm0, $0x3F800000, v0;
	vm0 =	veq.s32 v17, $0x6  }
0x143: {  	vm1 =	veq.s32 v17, $0xF;
	v2 =	vsel vm0, $0x3F800000, v0;
	vm0 =	veq.s32 v20, $0x6  }
0x144: {  	v9 =	vsel vm7, $0x3F800000, v0;
	vm7 =	veq.s32 v20, $0x4;
	v3 =	vsel vm0, $0x3F800000, v0  }
0x145: {  	v14 =	vsel vm8, $0x3F800000, v0;
	v7 =	vsel vm4, $0x3F800000, v0;
	vm4 =	veq.s32 v17, $0xB  }
0x146: {  	s26 =	simm.s32 $0x2100;
	vm8 =	veq.s32 v20, $0xA;
	v63 =	vsel vm5, $0x3F800000, v0;
	vm5 =	veq.s32 v20, $0xE  }
0x147: {  	s28 =	simm.s32 $0x2300;
	[tilespmem:s26+$0x0] =	vst v20;
	v15 =	vsel vm7, $0x3F800000, v0;
	vm7 =	veq.s32 v17, $0x7;
	v12 =	vadd.f32 v2, v3;
	v3 =	vpop (erf)  }
0x148: {  	s0 =	simm.s32 $0x2500;
	[tilespmem:s28+$0x0] =	vst v17;
	v6 =	vsel vm4, $0x3F800000, v0;
	vm4 =	veq.s32 v17, $0xD;
	v18 =	vsub.f32 $1.000000000e+00, v3  }
0x149: {  	s1 =	simm.s32 $0x2700;
	v16 =	vadd.f32 v14, v11;
	v14 =	vsel vm3, $0x3F800000, v0;
	vm3 =	veq.s32 v17, $0xC;
	[tilespmem:s0+$0x0] =	vst v3  }
0x14a: {  	v10 =	vsel vm7, $0x3F800000, v0;
	v4 =	vsel vm4, $0x3F800000, v0;
	vm4 =	veq.s32 v17, $0xE;
	[tilespmem:s1+$0x0] =	vst v18  }
0x14b: {  	vm7 =	veq.s32 v17, $0x8;
	v5 =	vsel vm4, $0x3F800000, v0;
	vm4 =	veq.s32 v17, $0x1;
	v22 =	vld [tilespmem:$0x2800]  }
0x14c: {  	v8 =	vsel vm7, $0x3F800000, v0;
	v3 =	vsel vm4, $0x3F800000, v0;
	vm4 =	veq.s32 v20, $0x0;
	v11 =	vld [tilespmem:$0x2880]  }
0x14d: {  	vm7 =	veq.s32 v20, $0x5;
	v19 =	vsel vm4, $0x3F800000, v0;
	v18 =	vsel vm11, $0x3F800000, v0;
	v21 =	vld [tilespmem:$0x2900]  }
0x14e: {  	v2 =	vsel vm6, $0x3F800000, v0;
	vm6 =	veq.s32 v20, $0xB;
	v25 =	vadd.f32 v18, v19;
	v18 =	vld [tilespmem:$0x2980]  }
0x14f: {  	v17 =	vadd.f32 v63, v23;
	v23 =	vsel vm2, $0x3F800000, v0;
	vm2 =	veq.s32 v20, $0x1;
	v19 =	vld [tilespmem:$0x2A00]  }
0x150: {  	s29 =	simm.s32 $0x110;
	s30 =	simm.s32 $0x2510;
	s31 =	simm.s32 $0x2710;
	v23 =	vadd.f32 v23, v26;
	vm4 =	veq.s32 v20, $0xD;
	v20 =	vld [tilespmem:$0x2A80];
	v22 =	vadd.f32 v25, v22  }
.LBB2_4:
0x151: {  	v24 =	vld [tilespmem:$0x2B00]  }
0x152: {  	v13 =	vadd.f32 v13, v15;
	v15 =	vsel vm7, $0x3F800000, v0;
	[tilespmem:$0x2800] =	vst v22;
	v22 =	vld [tilespmem:$0x2B80];
	v21 =	vadd.f32 v23, v21  }
0x153: {  	v9 =	vadd.f32 v9, v15;
	v15 =	vld [tilespmem:$0x2C00];
	v16 =	vadd.f32 v16, v18  }
0x154: {  	v13 =	vadd.f32 v13, v19;
	v18 =	vsel vm10, $0x3F800000, v0;
	v19 =	vld [tilespmem:$0x2C80];
	[tilespmem:$0x2900] =	vst v21  }
0x155: {  	v9 =	vadd.f32 v9, v20;
	v10 =	vadd.f32 v10, v18;
	v18 =	vld [tilespmem:$0x2D00];
	[tilespmem:$0x2980] =	vst v16;
	v16 =	vsel vm9, $0x3F800000, v0  }
0x156: {  	v12 =	vadd.f32 v12, v24;
	[tilespmem:$0x2A00] =	vst v13;
	v13 =	vld [tilespmem:$0x2D80];
	v8 =	vadd.f32 v8, v16  }
0x157: {  	[tilespmem:$0x2A80] =	vst v9;
	v9 =	vadd.f32 v10, v22;
	v10 =	vsel vm8, $0x3F800000, v0;
	v16 =	vld [tilespmem:$0x2E00]  }
0x158: {  	[tilespmem:$0x2B00] =	vst v12;
	v12 =	vld [tilespmem:$0x2E80];
	v7 =	vadd.f32 v7, v10;
	v10 =	vsel vm6, $0x3F800000, v0;
	v8 =	vadd.f32 v8, v15  }
0x159: {  	[tilespmem:$0x2B80] =	vst v9;
	v9 =	vadd.f32 v17, v19;
	v6 =	vadd.f32 v6, v10;
	v10 =	vsel vm3, $0x3F800000, v0;
	v15 =	vld [tilespmem:$0x2F00]  }
0x15a: {  	v7 =	vadd.f32 v7, v18;
	v2 =	vadd.f32 v10, v2;
	v10 =	vld [tilespmem:$0x2F80];
	[tilespmem:$0x2C00] =	vst v8;
	v8 =	vsel vm4, $0x3F800000, v0  }
0x15b: {  	[tilespmem:$0x2C80] =	vst v9;
	v6 =	vadd.f32 v6, v13;
	v4 =	vadd.f32 v4, v8;
	v8 =	vsel vm5, $0x3F800000, v0  }
0x15c: {  	[tilespmem:$0x2D00] =	vst v7;
	v2 =	vadd.f32 v2, v16;
	v7 =	vsel vm1, $0x3F800000, v0;
	v5 =	vadd.f32 v5, v8  }
0x15d: {  	v8 =	vsel vm2, $0x3F800000, v0;
	[tilespmem:$0x2D80] =	vst v6;
	v6 =	vadd.f32 v7, v14;
	v4 =	vadd.f32 v4, v12  }
0x15e: {  	v3 =	vadd.f32 v3, v8;
	[tilespmem:$0x2E00] =	vst v2;
	v2 =	vadd.f32 v5, v15  }
0x15f: {  	[tilespmem:$0x2E80] =	vst v4;
	v4 =	vadd.f32 v10, v6  }
0x160: {  	s25 =	sadd.s32 $0x80, s25;
	s1 =	smov.u32 s29;
	v3 =	vadd.f32 v3, v11;
	[tilespmem:$0x2F00] =	vst v2  }
0x161: {  	s0 =	sand.u32 $0x70, s1;
	s1 =	sand.u32 $0xC00, s25;
	[tilespmem:$0x2F80] =	vst v4  }
0x162: {  	s1 =	sor.u32 s0, s1;
	[tilespmem:$0x2880] =	vst v3  }
0x163: {  	v2 =	vld [tilespmem:s1+$0x0];
	_ =	sdelay $0x1  }
0x164: {  	v3 =	vld [tilespmem:s1+$0x80];
	_ =	sdelay $0x2  }
0x165: {  	v4 =	vld [tilespmem:s1+$0x100];
	vm0 =	vgt.f32 v2, $-1.000000020e+30  }
0x166: {  	v2 =	vnsel vm0, $0xF149F2CA, v2  }
0x167: {  	vm0 =	vgt.f32 v3, $-1.000000020e+30;
	vm1 =	vgt.f32 v3, v2  }
0x168: {  	v6 =	vld [tilespmem:s1+$0x180];
	v5 =	vnsel vm0, $0xF149F2CA, v3;
	vm2 =	vmneg vm1  }
0x169: {  	v5 =	vsel vm2, v5, v2;
	v2 =	vsel vm2, v2, v3  }
0x16a: {  	v3 =	vsel vm1, $0x1, v1;
	vm0 =	vmand vm0, vm2;
	vm2 =	vgt.f32 v4, v5  }
0x16b: {  	v7 =	vld [tilespmem:s1+$0x200];
	vm1 =	vgt.f32 v4, v2;
	v8 =	vsel vm0, $0x1, v1;
	v5 =	vsel vm2, v4, v5  }
0x16c: {  	v4 =	vsel vm1, v4, v2;
	v2 =	vsel vm1, v2, v5;
	v5 =	vsel vm2, $0x2, v8  }
0x16d: {  	v8 =	vsel vm1, $0x2, v3;
	v3 =	vsel vm1, v3, v5;
	vm1 =	vgt.f32 v6, v2  }
0x16e: {  	vm0 =	vgt.f32 v6, v4;
	v5 =	vld [tilespmem:s1+$0x280];
	v2 =	vsel vm1, v6, v2  }
0x16f: {  	v3 =	vsel vm1, $0x3, v3;
	v2 =	vsel vm0, v4, v2  }
0x170: {  	v6 =	vsel vm0, v6, v4;
	v3 =	vsel vm0, v8, v3;
	vm1 =	vgt.f32 v7, v2  }
0x171: {  	v4 =	vsel vm0, $0x3, v8;
	vm0 =	vgt.f32 v7, v6;
	v8 =	vld [tilespmem:s1+$0x300];
	v2 =	vsel vm1, v7, v2  }
0x172: {  	v3 =	vsel vm1, $0x4, v3;
	v2 =	vsel vm0, v6, v2  }
0x173: {  	v7 =	vsel vm0, v7, v6;
	v3 =	vsel vm0, v4, v3;
	vm1 =	vgt.f32 v5, v2  }
0x174: {  	v4 =	vsel vm0, $0x4, v4;
	vm0 =	vgt.f32 v5, v7;
	v6 =	vld [tilespmem:s1+$0x380];
	v2 =	vsel vm1, v5, v2  }
0x175: {  	v3 =	vsel vm1, $0x5, v3;
	v2 =	vsel vm0, v7, v2  }
0x176: {  	v5 =	vsel vm0, v5, v7;
	v3 =	vsel vm0, v4, v3;
	vm1 =	vgt.f32 v8, v2  }
0x177: {  	v4 =	vsel vm0, $0x5, v4;
	vm0 =	vgt.f32 v8, v5;
	v7 =	vld [tilespmem:s1+$0x1000];
	v2 =	vsel vm1, v8, v2  }
0x178: {  	v3 =	vsel vm1, $0x6, v3;
	v2 =	vsel vm0, v5, v2  }
0x179: {  	v8 =	vsel vm0, v8, v5;
	v3 =	vsel vm0, v4, v3;
	vm1 =	vgt.f32 v6, v2  }
0x17a: {  	v4 =	vsel vm0, $0x6, v4;
	vm0 =	vgt.f32 v6, v8;
	v5 =	vld [tilespmem:s1+$0x1080];
	v2 =	vsel vm1, v6, v2  }
0x17b: {  	v3 =	vsel vm1, $0x7, v3;
	v2 =	vsel vm0, v8, v2  }
0x17c: {  	v6 =	vsel vm0, v6, v8;
	v3 =	vsel vm0, v4, v3;
	vm1 =	vgt.f32 v7, v2  }
0x17d: {  	v4 =	vsel vm0, $0x7, v4;
	vm0 =	vgt.f32 v7, v6;
	v8 =	vld [tilespmem:s1+$0x1100];
	v2 =	vsel vm1, v7, v2  }
0x17e: {  	v9 =	vsel vm0, $0x8, v4;
	v7 =	vsel vm0, v7, v6;
	v2 =	vsel vm0, v6, v2  }
0x17f: {  	v3 =	vsel vm1, $0x8, v3;
	vm1 =	vgt.f32 v5, v7;
	vm2 =	vgt.f32 v5, v2  }
0x180: {  	v6 =	vld [tilespmem:s1+$0x1180];
	v3 =	vsel vm0, v4, v3;
	v4 =	vsel vm1, v5, v7;
	v2 =	vsel vm2, v5, v2  }
0x181: {  	v3 =	vsel vm2, $0x9, v3;
	v5 =	vsel vm1, $0x9, v9;
	v2 =	vsel vm1, v7, v2  }
0x182: {  	vm0 =	vgt.f32 v8, v4;
	v3 =	vsel vm1, v9, v3;
	vm1 =	vgt.f32 v8, v2  }
0x183: {  	v7 =	vsel vm0, v8, v4;
	v2 =	vsel vm1, v8, v2;
	v3 =	vsel vm1, $0xA, v3;
	v8 =	vld [tilespmem:s1+$0x1200]  }
0x184: {  	v2 =	vsel vm0, v4, v2;
	v3 =	vsel vm0, v5, v3  }
0x185: {  	v4 =	vsel vm0, $0xA, v5;
	vm0 =	vgt.f32 v6, v7;
	vm1 =	vgt.f32 v6, v2  }
0x186: {  	v5 =	vsel vm0, v6, v7;
	v2 =	vsel vm1, v6, v2;
	v3 =	vsel vm1, $0xB, v3;
	v6 =	vld [tilespmem:s1+$0x1280]  }
0x187: {  	v2 =	vsel vm0, v7, v2;
	v3 =	vsel vm0, v4, v3  }
0x188: {  	v4 =	vsel vm0, $0xB, v4;
	vm0 =	vgt.f32 v8, v5;
	vm1 =	vgt.f32 v8, v2  }
0x189: {  	v2 =	vsel vm1, v8, v2;
	v3 =	vsel vm1, $0xC, v3;
	v7 =	vsel vm0, v8, v5;
	v8 =	vld [tilespmem:s1+$0x1300]  }
0x18a: {  	v2 =	vsel vm0, v5, v2;
	v3 =	vsel vm0, v4, v3  }
0x18b: {  	v4 =	vsel vm0, $0xC, v4;
	vm0 =	vgt.f32 v6, v7;
	vm1 =	vgt.f32 v6, v2  }
0x18c: {  	v2 =	vsel vm1, v6, v2;
	v5 =	vsel vm0, v6, v7;
	v6 =	vld [tilespmem:s1+$0x1380]  }
0x18d: {  	v3 =	vsel vm1, $0xD, v3;
	v2 =	vsel vm0, v7, v2  }
0x18e: {  	v3 =	vsel vm0, v4, v3;
	vm1 =	vgt.f32 v8, v2  }
0x18f: {  	v4 =	vsel vm0, $0xD, v4;
	vm0 =	vgt.f32 v8, v5;
	v2 =	vsel vm1, v8, v2  }
0x190: {  	v3 =	vsel vm1, $0xE, v3;
	v2 =	vsel vm0, v5, v2  }
0x191: {  	v7 =	vsel vm0, v8, v5;
	v3 =	vsel vm0, v4, v3;
	vm1 =	vgt.f32 v6, v2  }
0x192: {  	v4 =	vsel vm0, $0xE, v4;
	vm0 =	vgt.f32 v6, v7;
	v2 =	vsel vm1, v6, v2  }
0x193: {  	v5 =	vsel vm0, v6, v7;
	v2 =	vsel vm0, v7, v2  }
0x194: {  	v2 =	vsub.f32 v2, v5;
	_ =	sdelay $0x1  }
0x195: {  	v2 =	vmul.f32 $1.442695020e+00, v2;
	_ =	sdelay $0x1  }
0x196: {  	v3 =	vsel vm1, $0xF, v3;
	(erf) = vpow2.f32 v2  }
0x197: {  	v11 =	vsel vm0, $0xF, v4;
	v14 =	vsel vm0, v4, v3  }
0x198: {  	v3 =	vimm.s32 $0x0;
	vm0 =	veq.s32 v14, $0x2;
	vm2 =	veq.s32 v14, $0x4  }
0x199: {  	vm6 =	veq.s32 v14, $0x6;
	v13 =	vsel vm2, $0x3F800000, v0;
	vm2 =	veq.s32 v11, $0x4  }
0x19a: {  	v3 =	vsel vm0, $0xFFFFFFFF, v3;
	v15 =	vsel vm2, $0x3F800000, v0;
	vm2 =	veq.s32 v11, $0x6  }
0x19b: {  	vm4 =	veq.s32 v14, $0x3;
	[tilespmem:$0x1FF80] =	vst v3;
	v3 =	vsel vm2, $0x3F800000, v0;
	v2 =	vsel vm6, $0x3F800000, v0  }
0x19c: {  	v12 =	vadd.f32 v2, v3;
	v3 =	vsel vm4, $0x3F800000, v0  }
0x19d: {  	vm3 =	veq.s32 v11, $0x3  }
0x19e: {  	v2 =	vsel vm3, $0x3F800000, v0  }
0x19f: {  	v16 =	vadd.f32 v3, v2;
	v3 =	vpop (erf)  }
0x1a0: {  	v3 =	vadd.f32 $1.000000000e+00, v3;
	_ =	sdelay $0x1  }
0x1a1: {  	(erf) = vrcp.f32 v3  }
0x1a2: {  	vm12 =	veq.s32 v11, $0xF;
	vm11 =	veq.s32 v11, $0x9  }
0x1a3: {  	vm1 =	veq.s32 v11, $0xC;
	vm13 =	veq.s32 v11, $0x2;
	vm14 =	veq.s32 v14, $0x9  }
0x1a4: {  	vm5 =	veq.s32 v14, $0x5;
	vm15 =	veq.s32 v14, $0x0;
	v19 =	vsel vm11, $0x3F800000, v0  }
0x1a5: {  	v9 =	vsel vm5, $0x3F800000, v0;
	vm5 =	veq.s32 v14, $0x7;
	vm2 =	veq.s32 v14, $0x8  }
0x1a6: {  	vm0 =	veq.s32 v14, $0x1;
	v22 =	vsel vm14, $0x3F800000, v0;
	v8 =	vsel vm2, $0x3F800000, v0  }
0x1a7: {  	vm2 =	veq.s32 v14, $0xA;
	v2 =	vsel vm1, $0x3F800000, v0;
	vm1 =	veq.s32 v14, $0xD  }
0x1a8: {  	s26 =	sadd.s32 $0x10, s26;
	v7 =	vsel vm2, $0x3F800000, v0;
	v4 =	vsel vm1, $0x3F800000, v0;
	vm1 =	veq.s32 v14, $0xE  }
0x1a9: {  	s28 =	sadd.s32 $0x10, s28;
	[tilespmem:s26+$0x0] =	vst v11;
	vm2 =	veq.s32 v14, $0xB;
	vm3 =	veq.s32 v14, $0xC;
	v5 =	vsel vm1, $0x3F800000, v0  }
0x1aa: {  	[tilespmem:s28+$0x0] =	vst v14;
	vm1 =	veq.s32 v14, $0xF;
	v3 =	vsel vm0, $0x3F800000, v0;
	vm0 =	veq.s32 v11, $0x0;
	v17 =	vpop (erf)  }
0x1ab: {  	v18 =	vsel vm0, $0x3F800000, v0;
	v14 =	vsub.f32 $1.000000000e+00, v17;
	[tilespmem:s30+$0x0] =	vst v17;
	v17 =	vsel vm15, $0x3F800000, v0  }
0x1ac: {  	vm10 =	veq.s32 v11, $0x7;
	v23 =	vadd.f32 v17, v18;
	v17 =	vadd.f32 v22, v19;
	v19 =	vld [tilespmem:$0x1FF80]  }
0x1ad: {  	vm7 =	veq.s32 v11, $0x5;
	vm9 =	veq.s32 v11, $0x8;
	vm8 =	veq.s32 v11, $0xA;
	[tilespmem:s31+$0x0] =	vst v14  }
0x1ae: {  	p0 =	sne.s32 s29, $0x1F0;
	v10 =	vsel vm5, $0x3F800000, v0;
	vm5 =	veq.s32 v11, $0xE;
	vm6 =	veq.s32 v11, $0xB;
	v20 =	vld [tilespmem:$0x2800]  }
.Ltmp1:
0x1af: {  	vm4 =	veq.s32 v11, $0xD;
	v6 =	vsel vm2, $0x3F800000, v0;
	vm2 =	veq.s32 v11, $0x1;
	v11 =	vld [tilespmem:$0x2880];
	(pc) =	sbr.rel @p0 .LBB2_4-.Ltmp1, $4  }
0x1b0: {  	v21 =	vld [tilespmem:$0x2900]  }
0x1b1: {  	v18 =	vld [tilespmem:$0x2980];
	vm0 =	vnez.u8 v19  }
0x1b2: {  	v63 =	vsel vm13, $0x3F800000, v0;
	v19 =	vld [tilespmem:$0x2A00];
	v25 =	vsel vm0, $0x3F800000, v0  }
0x1b3: {  	s29 =	sadd.s32 $0x10, s29;
	s30 =	sadd.s32 $0x10, s30;
	v14 =	vsel vm12, $0x3F800000, v0;
	s31 =	sadd.s32 $0x10, s31;
	v22 =	vadd.f32 v23, v20;
	v23 =	vadd.f32 v25, v63;
	v20 =	vld [tilespmem:$0x2A80]  }
0x1b4: {  	_ = 	snop  }
0x1b5: {  	v24 =	vld [tilespmem:$0x2B00];
	v13 =	vadd.f32 v13, v15;
	v61 =	vsel vm2, $0x3F800000, v0;
	v21 =	vadd.f32 v23, v21  }
0x1b6: {  	v41 =	vsel vm7, $0x3F800000, v0;
	v42 =	vld [tilespmem:$0x2B80];
	[tilespmem:$0x2800] =	vst v22;
	v3 =	vadd.f32 v3, v61;
	v16 =	vadd.f32 v16, v18  }
0x1b7: {  	v43 =	vld [tilespmem:$0x2C00];
	v9 =	vadd.f32 v9, v41;
	[tilespmem:$0x2900] =	vst v21;
	v13 =	vadd.f32 v13, v19  }
0x1b8: {  	v44 =	vsel vm10, $0x3F800000, v0;
	v45 =	vld [tilespmem:$0x2C80];
	v3 =	vadd.f32 v3, v11;
	[tilespmem:$0x2980] =	vst v16  }
0x1b9: {  	v46 =	vsel vm9, $0x3F800000, v0;
	v47 =	vld [tilespmem:$0x2D00];
	v10 =	vadd.f32 v10, v44;
	v9 =	vadd.f32 v9, v20;
	[tilespmem:$0x2A00] =	vst v13  }
0x1ba: {  	v48 =	vld [tilespmem:$0x2D80];
	v8 =	vadd.f32 v8, v46;
	v12 =	vadd.f32 v12, v24;
	[tilespmem:$0x2880] =	vst v3  }
0x1bb: {  	v50 =	vsel vm8, $0x3F800000, v0;
	v51 =	vld [tilespmem:$0x2E00];
	v49 =	vadd.f32 v10, v42;
	[tilespmem:$0x2A80] =	vst v9  }
0x1bc: {  	v52 =	vsel vm6, $0x3F800000, v0;
	v53 =	vld [tilespmem:$0x2E80];
	v7 =	vadd.f32 v7, v50;
	v8 =	vadd.f32 v8, v43;
	[tilespmem:$0x2B00] =	vst v12  }
0x1bd: {  	v55 =	vsel vm3, $0x3F800000, v0;
	v58 =	vld [tilespmem:$0x2F80];
	v6 =	vadd.f32 v6, v52;
	v54 =	vadd.f32 v17, v45;
	[tilespmem:$0x2B80] =	vst v49  }
0x1be: {  	v56 =	vld [tilespmem:$0x2F00];
	v57 =	vsel vm4, $0x3F800000, v0;
	v2 =	vadd.f32 v55, v2;
	v7 =	vadd.f32 v7, v47;
	[tilespmem:$0x2C00] =	vst v8  }
0x1bf: {  	v60 =	vsel vm1, $0x3F800000, v0;
	v4 =	vadd.f32 v4, v57;
	v6 =	vadd.f32 v6, v48;
	[tilespmem:$0x2C80] =	vst v54  }
0x1c0: {  	v59 =	vsel vm5, $0x3F800000, v0;
	v62 =	vadd.f32 v60, v14;
	v2 =	vadd.f32 v2, v51;
	[tilespmem:$0x2D00] =	vst v7  }
0x1c1: {  	v5 =	vadd.f32 v5, v59;
	v4 =	vadd.f32 v4, v53;
	[tilespmem:$0x2D80] =	vst v6  }
0x1c2: {  	v63 =	vadd.f32 v58, v62;
	[tilespmem:$0x2E00] =	vst v2  }
0x1c3: {  	v2 =	vadd.f32 v5, v56;
	[tilespmem:$0x2E80] =	vst v4  }
0x1c4: {  	[tilespmem:$0x2F80] =	vst v63  }
0x1c5: {  	[tilespmem:$0x2F00] =	vst v2  }
0x1c6: {  	[hbm4b:s5+s2] =	stream.linear.scatter [tilespmem:s18], [sflag:$0x3], $0x200, $0x38;
	[tilespmem:$0x3000] =	vst v63  }
0x1c7: {  	_ = 	snop  }
0x1c8: {  	[hbm4b:s6+s2] =	stream.linear.scatter [tilespmem:s19], [sflag:$0x3], $0x200, $0x38;
	[tilespmem:$0x3000] =	vst v63  }
0x1c9: {  	_ = 	snop  }
0x1ca: {  	[hbm4b:s7+s2] =	stream.linear.scatter [tilespmem:s20], [sflag:$0x3], $0x200, $0x38;
	[tilespmem:$0x3000] =	vst v63  }
0x1cb: {  	_ = 	snop  }
0x1cc: {  	[hbm4b:s8+s2] =	stream.linear.scatter [tilespmem:s21], [sflag:$0x3], $0x200, $0x38;
	[tilespmem:$0x3000] =	vst v63  }
0x1cd: {  	_ = 	snop  }
0x1ce: {  	[hbm4b:s9+s2] =	stream.linear.scatter [tilespmem:s22], [sflag:$0x3], $0x800, $0x38;
	[tilespmem:$0x3000] =	vst v63  }
0x1cf: {  	_ =	swait.ge [sflag:s23], $0x200  }
0x1d0: {  	[sflag:s23] =	ssyncset.done $0x0  }
0x1d1: {  	[sflag:s23] =	ssyncadd.s32 $0xFFFFFE00  }
0x1d2: {  	_ =	swait.ge [sflag:s23], $0x200  }
0x1d3: {  	[sflag:s23] =	ssyncset.done $0x0  }
0x1d4: {  	[sflag:s23] =	ssyncadd.s32 $0xFFFFFE00  }
0x1d5: {  	_ =	swait.ge [sflag:s23], $0x200  }
0x1d6: {  	[sflag:s23] =	ssyncset.done $0x0  }
0x1d7: {  	s24 =	sadd.s32 $0x1, s24;
	[sflag:s23] =	ssyncadd.s32 $0xFFFFFE00  }
0x1d8: {  	p0 =	sne.s32 s24, s10;
	_ =	swait.ge [sflag:s23], $0x200  }
.Ltmp2:
0x1d9: {  	[sflag:s23] =	ssyncset.done $0x0;
	(pc) =	sbr.rel @p0 .LBB2_1-.Ltmp2, $4  }
0x1da: {  	[sflag:s23] =	ssyncadd.s32 $0xFFFFFE00  }
0x1db: {  	_ =	swait.ge [sflag:s23], $0x800  }
0x1dc: {  	[sflag:s23] =	ssyncset.done $0x0  }
0x1dd: {  	[sflag:s23] =	ssyncadd.s32 $0xFFFFF800  }
0x1de: {  	_ =	sfence.sel $0x180000  }
0x1df: {  	[bflag:$0x0] =	sbarrier.arrive $0xFFFF  }
0x1e0: {  	_ =	strace $0x90000047  }
0x1e1: {  	s0 =	stileid.u32;
	[bflag:$0x2] =	sbarrier.arrive $0xFFFF  }
0x1e2: {  	p0 =	sne.s32 s0, $0x0;
	s0 =	rddreg [dreg:$0x2]  }
0x1e3: {  	s0 =	sadd.s32 @!p0 $0x100000, s0  }
0x1e4: {  	[sflag:s0] =	ssyncadd.tile.s32 @!p0 $0x1;
	_ =	shalt  }
.Lfunc_end2:
_tile_overlayer_lowered:
.L_overlay_start_2:
0x1e5: {  	(tag) =	ssettag $0x2  }
0x1e6: {  	s0 =	rddreg [dreg:$0x0];
	s2 =	stileid.u32  }
0x1e7: {  	s1 =	rddreg [dreg:$0x1];
	p0 =	sne.s32 s2, $0x0  }
0x1e8: {  	s3 =	rddreg [dreg:$0x2];
	[bflag:$0x3] =	sbarrier.arrive $0xFFFF;
	s2 =	simm.s32 @!p0 $0x1C04  }
0x1e9: {  	[timem:s3], [sflag:s2] =	dma.local @!p0 [hbm:s0], s1  }
0x1ea: {  	s0 =	simm.s32 @!p0 $0x4  }
0x1eb: {  	_ =	swait.ge @!p0 [sflag:s0], s1  }
0x1ec: {  	s1 =	ssub.s32 @!p0 $0x0, s1;
	[sflag:s0] =	ssyncset.done @!p0 $0x0  }
0x1ed: {  	[sflag:s0] =	ssyncadd.s32 @!p0 s1  }
0x1ee: {  	[bflag:$0x3] =	sbarrier.arrive $0xFFFF  }
0x1ef: {  	_ =	shalt  }

</sc_bundles>
